<compile_context>
chip_gen: v7x
topology: tpu7x:2x2x1
jax: 0.10.2.dev20260603
libtpu: 0.0.44.dev20260713+nightly
codegen_flags: <defaults>
</compile_context>

<pallas_src>
import functools

import jax
import jax.numpy as jnp
from jax import lax
from jax.experimental import pallas as pl
from jax.experimental.pallas import tpu as pltpu
from jax.experimental.pallas import tpu_sc as plsc

_N = 10000
_E = 320000
_NC = 2
_NS = 16
_NW = _NC * _NS
_EPW = _E // _NW
_K = 80
_NCHUNK = _EPW // _K
_NPAD = 10240
_RPT = _NPAD // _NS
_DUMMY = _N
_NBUF = 4
_BM = 1000


def _sc_mesh():
    return plsc.VectorSubcoreMesh(core_axis_name="c", subcore_axis_name="s")


def _sc_prep(row, col, zeros, ones):

    @functools.partial(
        pl.kernel,
        mesh=_sc_mesh(),
        out_type=[
            jax.ShapeDtypeStruct((_E,), jnp.int32),
            jax.ShapeDtypeStruct((_NC, _NPAD, 128), jnp.float32),
        ],
        scratch_types=(
            [pltpu.VMEM((_K,), jnp.int32)] * (3 * _NBUF)
            + [pltpu.VMEM((_K, 128), jnp.float32),
               pltpu.VMEM_SHARED((_NPAD, 128), jnp.float32)]
            + [pltpu.SemaphoreType.DMA] * (4 * _NBUF)
        ),
    )
    def k(row_hbm, col_hbm, z_hbm, ones_hbm, colp_hbm, degp_hbm, *scr):
        idxb = scr[:3 * _NBUF]
        ob = scr[3 * _NBUF]
        table = scr[3 * _NBUF + 1]
        sems = scr[3 * _NBUF + 2:]
        bufs = tuple(
            (idxb[3 * b], idxb[3 * b + 1], idxb[3 * b + 2],
             sems[4 * b], sems[4 * b + 1], sems[4 * b + 2], sems[4 * b + 3])
            for b in range(_NBUF))
        c = lax.axis_index("c")
        s = lax.axis_index("s")
        base = (c * _NS + s) * _EPW

        def start_idx(i, b):
            rb, cb, _, sr, sc, _, _ = bufs[b]
            off = base + i * _K
            pltpu.async_copy(row_hbm.at[pl.ds(off, _K)], rb, sr)
            pltpu.async_copy(col_hbm.at[pl.ds(off, _K)], cb, sc)

        def do_chunk(i, b):
            rb, cb, cpb, sr, sc, so, ss = bufs[b]
            off = base + i * _K
            pltpu.make_async_copy(row_hbm.at[pl.ds(0, _K)], rb, sr).wait()
            pltpu.make_async_copy(col_hbm.at[pl.ds(0, _K)], cb, sc).wait()
            for j in range(_K // 16):
                sl = pl.ds(j * 16, 16)
                r = rb[sl]
                cc = cb[sl]
                cpb[sl] = jnp.where(r == cc, _DUMMY, cc)
            pltpu.async_copy(cpb, colp_hbm.at[pl.ds(off, _K)], so)
            pltpu.async_copy(ob, table.at[cpb], ss, add=True)

        def drain(b):
            _, _, cpb, _, _, so, ss = bufs[b]
            pltpu.make_async_copy(cpb, colp_hbm.at[pl.ds(0, _K)], so).wait()
            pltpu.make_async_copy(ones_hbm, ob, ss).wait()

        for b in range(_NBUF):
            start_idx(b, b)
        pltpu.sync_copy(z_hbm.at[pl.ds(s * _RPT, _RPT)],
                        table.at[pl.ds(s * _RPT, _RPT)])
        pltpu.sync_copy(ones_hbm, ob)
        plsc.subcore_barrier()
        nfull = (_NCHUNK - 1) // _NBUF

        def body(p, carry):
            for b in range(_NBUF):
                do_chunk(p * _NBUF + b, b)
            for b in range(_NBUF):
                drain(b)
                nxt = p * _NBUF + b + _NBUF
                if b == 0:
                    start_idx(nxt, b)
                else:
                    @pl.when(nxt < _NCHUNK)
                    def _():
                        start_idx(nxt, b)
            return carry

        lax.fori_loop(0, nfull, body, 0)
        for i in range(nfull * _NBUF, _NCHUNK):
            do_chunk(i, i % _NBUF)
        for i in range(nfull * _NBUF, _NCHUNK):
            drain(i % _NBUF)
        plsc.subcore_barrier()
        pltpu.sync_copy(table.at[pl.ds(s * _RPT, _RPT)],
                        degp_hbm.at[c, pl.ds(s * _RPT, _RPT)])

    return k(row, col, zeros, ones)


def _sc_scatter(y, row, colp, zeros, d, untiled=False):

    @functools.partial(
        pl.kernel,
        mesh=_sc_mesh(),
        compiler_params=(pltpu.CompilerParams(use_tc_tiling_on_sc=False)
                         if untiled else None),
        out_type=jax.ShapeDtypeStruct((_NC, _NPAD, d), jnp.float32),
        scratch_types=(
            [pltpu.VMEM((_K,), jnp.int32)] * (2 * _NBUF)
            + [pltpu.VMEM((_K, d), jnp.float32)] * _NBUF
            + [pltpu.VMEM_SHARED((_NPAD, d), jnp.float32)]
            + [pltpu.SemaphoreType.DMA] * (4 * _NBUF)
        ),
    )
    def k(y_hbm, row_hbm, colp_hbm, z_hbm, out_hbm, *scr):
        idxb = scr[:2 * _NBUF]
        gbs = scr[2 * _NBUF:3 * _NBUF]
        table = scr[3 * _NBUF]
        sems = scr[3 * _NBUF + 1:]
        bufs = tuple(
            (idxb[2 * b], idxb[2 * b + 1], gbs[b],
             sems[4 * b], sems[4 * b + 1], sems[4 * b + 2], sems[4 * b + 3])
            for b in range(_NBUF))
        c = lax.axis_index("c")
        s = lax.axis_index("s")
        base = (c * _NS + s) * _EPW

        def start_idx(i, b):
            rb, cpb, _, sr, sc, _, _ = bufs[b]
            off = base + i * _K
            pltpu.async_copy(row_hbm.at[pl.ds(off, _K)], rb, sr)
            pltpu.async_copy(colp_hbm.at[pl.ds(off, _K)], cpb, sc)

        def start_gather(b):
            rb, _, gb, sr, _, sg, _ = bufs[b]
            pltpu.make_async_copy(row_hbm.at[pl.ds(0, _K)], rb, sr).wait()
            pltpu.async_copy(y_hbm.at[rb], gb, sg)

        def start_scatter(b):
            _, cpb, gb, _, sc, sg, ss = bufs[b]
            pltpu.make_async_copy(y_hbm.at[pl.ds(0, _K)], gb, sg).wait()
            pltpu.make_async_copy(colp_hbm.at[pl.ds(0, _K)], cpb, sc).wait()
            pltpu.async_copy(gb, table.at[cpb], ss, add=True)

        def drain_scatter(b):
            _, _, gb, _, _, _, ss = bufs[b]
            pltpu.make_async_copy(y_hbm.at[pl.ds(0, _K)], gb, ss).wait()

        for b in range(_NBUF):
            start_idx(b, b)
        for b in range(_NBUF):
            start_gather(b)
        pltpu.sync_copy(z_hbm.at[pl.ds(s * _RPT, _RPT)],
                        table.at[pl.ds(s * _RPT, _RPT)])
        plsc.subcore_barrier()
        nfull = (_NCHUNK - 1) // _NBUF

        def body(p, carry):
            for b in range(_NBUF):
                start_scatter(b)
            for b in range(_NBUF):
                drain_scatter(b)
                nxt = p * _NBUF + b + _NBUF
                if b == 0:
                    start_idx(nxt, b)
                    start_gather(b)
                else:
                    @pl.when(nxt < _NCHUNK)
                    def _():
                        start_idx(nxt, b)
                        start_gather(b)
            return carry

        lax.fori_loop(0, nfull, body, 0)
        for i in range(nfull * _NBUF, _NCHUNK):
            start_scatter(i % _NBUF)
        for i in range(nfull * _NBUF, _NCHUNK):
            drain_scatter(i % _NBUF)
        plsc.subcore_barrier()
        pltpu.sync_copy(table.at[pl.ds(s * _RPT, _RPT)],
                        out_hbm.at[c, pl.ds(s * _RPT, _RPT)])

    return k(y, row, colp, zeros)


def _tc_stage1(degp, x, w):

    def body(degp_ref, x_ref, w_ref, y_ref, dis_ref):
        d0 = degp_ref[0]
        d1 = degp_ref[1]
        deg = d0[:, 0:1] + d1[:, 0:1] + 1.0
        dis = lax.rsqrt(deg)
        y_ref[...] = dis * jnp.dot(x_ref[...], w_ref[...],
                                   preferred_element_type=jnp.float32)
        dis_ref[...] = dis

    return pl.pallas_call(
        body,
        grid=(_N // _BM,),
        in_specs=[
            pl.BlockSpec((_NC, _BM, 128), lambda m: (0, m, 0)),
            pl.BlockSpec((_BM, 128), lambda m: (m, 0)),
            pl.BlockSpec((128, 128), lambda m: (0, 0)),
        ],
        out_specs=[
            pl.BlockSpec((_BM, 128), lambda m: (m, 0)),
            pl.BlockSpec((_BM, 1), lambda m: (m, 0)),
        ],
        out_shape=[
            jax.ShapeDtypeStruct((_N, 128), jnp.float32),
            jax.ShapeDtypeStruct((_N, 1), jnp.float32),
        ],
    )(degp, x, w)


def _tc_pweight(wp, a0, a1, ab, b0, b1, bb):

    def body(wp_r, a0_r, a1_r, ab_r, b0_r, b1_r, bb_r, out_ref):
        h1 = jnp.dot(wp_r[...], a0_r[...], preferred_element_type=jnp.float32)
        h1 = jnp.where(h1 >= 0, h1, 0.2 * h1)
        w1 = jnp.dot(h1, a1_r[...], preferred_element_type=jnp.float32) + ab_r[...]
        w1 = jnp.where(w1 >= 0, w1, 0.01 * w1)
        h2 = jnp.dot(wp_r[...], b0_r[...], preferred_element_type=jnp.float32)
        h2 = jnp.where(h2 >= 0, h2, 0.2 * h2)
        w2 = jnp.dot(h2, b1_r[...], preferred_element_type=jnp.float32) + bb_r[...]
        w2 = jnp.where(w2 >= 0, w2, 0.01 * w2)
        nsq = (jnp.sum(w1 * w1, axis=1, keepdims=True)
               + jnp.sum(w2 * w2, axis=1, keepdims=True))
        out_ref[...] = jnp.sqrt(nsq)

    return pl.pallas_call(
        body,
        out_shape=jax.ShapeDtypeStruct((4, 1), jnp.float32),
    )(wp, a0, a1, ab, b0, b1, bb)


def _tc_stage2(sp, y1, dis, b1, w2):

    def body(sp_ref, y1_ref, dis_ref, b1_ref, w2_ref, y2_ref):
        o = dis_ref[...] * (sp_ref[0] + sp_ref[1] + y1_ref[...]) + b1_ref[...]
        h = jnp.where(o > 0, o, jnp.exp(jnp.minimum(o, 0.0)) - 1.0)
        y2_ref[...] = dis_ref[...] * jnp.dot(h, w2_ref[...],
                                             preferred_element_type=jnp.float32)

    return pl.pallas_call(
        body,
        grid=(_N // _BM,),
        in_specs=[
            pl.BlockSpec((_NC, _BM, 128), lambda m: (0, m, 0)),
            pl.BlockSpec((_BM, 128), lambda m: (m, 0)),
            pl.BlockSpec((_BM, 1), lambda m: (m, 0)),
            pl.BlockSpec((1, 128), lambda m: (0, 0)),
            pl.BlockSpec((128, 64), lambda m: (0, 0)),
        ],
        out_specs=pl.BlockSpec((_BM, 64), lambda m: (m, 0)),
        out_shape=jax.ShapeDtypeStruct((_N, 64), jnp.float32),
    )(sp, y1, dis, b1, w2)


def _tc_stage3(sp, y2, dis, b2):

    def body(sp_ref, y2_ref, dis_ref, b2_ref, out_ref):
        t = sp_ref[0] + sp_ref[1] + y2_ref[...]
        o = dis_ref[...] * t + b2_ref[...]
        m = jnp.max(o, axis=1, keepdims=True)
        e = jnp.exp(o - m)
        out_ref[...] = (o - m) - jnp.log(jnp.sum(e, axis=1, keepdims=True))

    return pl.pallas_call(
        body,
        grid=(_N // _BM,),
        in_specs=[
            pl.BlockSpec((_NC, _BM, 64), lambda m: (0, m, 0)),
            pl.BlockSpec((_BM, 64), lambda m: (m, 0)),
            pl.BlockSpec((_BM, 1), lambda m: (m, 0)),
            pl.BlockSpec((1, 64), lambda m: (0, 0)),
        ],
        out_specs=pl.BlockSpec((_BM, 64), lambda m: (m, 0)),
        out_shape=jax.ShapeDtypeStruct((_N, 64), jnp.float32),
    )(sp, y2, dis, b2)


def kernel(x, edge_index, w_mul_p, lin1_w, bias1, mlp1_w0, mlp1_w1, mlp1_b1,
           lin2_w, bias2, mlp2_w0, mlp2_w1, mlp2_b1):
    zeros128 = jnp.zeros((_NPAD, 128), jnp.float32)
    zeros64 = jnp.zeros((_NPAD, 64), jnp.float32)
    ones_k = jnp.ones((_K, 128), jnp.float32)

    row = edge_index[0]
    col = edge_index[1]
    colp, degp = _sc_prep(row, col, zeros128, ones_k)
    y1, dis = _tc_stage1(degp, x, lin1_w)
    s1 = _sc_scatter(y1, row, colp, zeros128, 128)
    y2 = _tc_stage2(s1, y1, dis, bias1.reshape(1, 128), lin2_w)
    s2 = _sc_scatter(y2, row, colp, zeros64, 64, untiled=True)
    logp = _tc_stage3(s2, y2, dis, bias2.reshape(1, 64))
    norms = _tc_pweight(w_mul_p, mlp1_w0, mlp1_w1, mlp1_b1.reshape(1, 128),
                        mlp2_w0, mlp2_w1, mlp2_b1.reshape(1, 64)).reshape(4)
    return logp, norms

# --- scband reference (transcript-rebuilt; emitter-appended) ---
"""Pipeline reference for scband-gcn-net-37134287241395 (READ-ONLY COPY).

The authoritative reference and input builder live on the scoring server;
editing this copy changes nothing except your own understanding.
"""

import jax, jax.numpy as jnp
import numpy as np

N = 10000
E = 320000
D_IN = 128
D_HID = 128
D_OUT = 64
N_COMP = 8
P = 4


def gcn_norm(edge_index, num_nodes):
    row, col = edge_index[0], edge_index[1]
    mask = row != col
    ei = edge_index
    ew = jnp.where(mask, 1.0, 0.0).astype(jnp.float32)
    loop = jnp.arange(num_nodes, dtype=edge_index.dtype)
    ei = jnp.concatenate([ei, jnp.stack([loop, loop])], axis=1)
    ew = jnp.concatenate([ew, jnp.ones((num_nodes,), dtype=jnp.float32)])
    row, col = ei[0], ei[1]
    deg = jax.ops.segment_sum(ew, col, num_segments=num_nodes)
    deg_inv_sqrt = jnp.where(deg > 0, deg ** -0.5, 0.0)
    norm = deg_inv_sqrt[row] * ew * deg_inv_sqrt[col]
    return ei, norm


def gcn_conv(x, ei, norm, lin_w, bias, mlp_w0, mlp_w1, mlp_b1, w_mul_p, num_nodes):
    xw = x @ lin_w
    msg = norm[:, None] * xw[ei[0]]
    out = jax.ops.segment_sum(msg, ei[1], num_segments=num_nodes)
    h = jax.nn.leaky_relu(w_mul_p @ mlp_w0, 0.2)
    p_weight = h @ mlp_w1 + mlp_b1
    p_weight = jax.nn.leaky_relu(p_weight, 0.01)
    out = out + bias
    return out, p_weight


def setup_inputs(seed: int = 0):
    key = jax.random.key(seed)
    ks = jax.random.split(key, 12)
    x = jax.random.normal(ks[0], (N, D_IN), dtype=jnp.float32)
    edge_index = jax.random.randint(ks[1], (2, E), 0, N, dtype=jnp.int32)
    w_mul_p = jax.random.normal(ks[2], (P, N_COMP), dtype=jnp.float32) * 0.2
    lin1_w = jax.random.normal(ks[3], (D_IN, D_HID), dtype=jnp.float32) / np.sqrt(D_IN)
    bias1 = jnp.zeros((D_HID,), dtype=jnp.float32)
    mlp1_w0 = jax.random.normal(ks[4], (N_COMP, D_HID), dtype=jnp.float32) / np.sqrt(N_COMP)
    mlp1_w1 = jax.random.normal(ks[5], (D_HID, D_HID), dtype=jnp.float32) / np.sqrt(D_HID)
    mlp1_b1 = jnp.zeros((D_HID,), dtype=jnp.float32)
    lin2_w = jax.random.normal(ks[6], (D_HID, D_OUT), dtype=jnp.float32) / np.sqrt(D_HID)
    bias2 = jnp.zeros((D_OUT,), dtype=jnp.float32)
    mlp2_w0 = jax.random.normal(ks[7], (N_COMP, D_OUT), dtype=jnp.float32) / np.sqrt(N_COMP)
    mlp2_w1 = jax.random.normal(ks[8], (D_OUT, D_OUT), dtype=jnp.float32) / np.sqrt(D_OUT)
    mlp2_b1 = jnp.zeros((D_OUT,), dtype=jnp.float32)
    return {"x": x, "edge_index": edge_index, "w_mul_p": w_mul_p,
            "lin1_w": lin1_w, "bias1": bias1, "mlp1_w0": mlp1_w0, "mlp1_w1": mlp1_w1, "mlp1_b1": mlp1_b1,
            "lin2_w": lin2_w, "bias2": bias2, "mlp2_w0": mlp2_w0, "mlp2_w1": mlp2_w1, "mlp2_b1": mlp2_b1}


def reference(x, edge_index, w_mul_p, lin1_w, bias1, mlp1_w0, mlp1_w1, mlp1_b1, lin2_w, bias2, mlp2_w0, mlp2_w1, mlp2_b1):
    ei, norm = gcn_norm(edge_index, N)
    h, weight1 = gcn_conv(x, ei, norm, lin1_w, bias1, mlp1_w0, mlp1_w1, mlp1_b1, w_mul_p, N)
    h = jax.nn.elu(h)
    # dropout(p=0.6) skipped: module evaluated in eval mode (training=False)
    out, weight2 = gcn_conv(h, ei, norm, lin2_w, bias2, mlp2_w0, mlp2_w1, mlp2_b1, w_mul_p, N)
    logp = jax.nn.log_softmax(out, axis=1)
    norms = jnp.linalg.norm(jnp.hstack((weight1, weight2)), axis=1)
    return logp, norms

if __name__ == "__main__":
    import jax
    _d = setup_inputs()
    print(jax.jit(kernel)(*tuple(_d.values())))

</pallas_src>

<mosaic_0001>
#map = affine_map<(d0, d1) -> (0)>
#map1 = affine_map<(d0, d1) -> (0, 0)>
#map2 = affine_map<(d0, d1) -> (0, 0, 0)>
module attributes {stable_mosaic.version = 14 : i64} {
  func.func @k(%arg0: i32, %arg1: i32, %arg2: memref<320000xi32, #tpu.memory_space<hbm>>, %arg3: memref<320000xi32, #tpu.memory_space<hbm>>, %arg4: memref<10240x128xf32, #tpu.memory_space<hbm>>, %arg5: memref<80x128xf32, #tpu.memory_space<hbm>>, %arg6: memref<320000xi32, #tpu.memory_space<hbm>>, %arg7: memref<2x10240x128xf32, #tpu.memory_space<hbm>>, %arg8: memref<80xi32, #tpu.memory_space<vmem>>, %arg9: memref<80xi32, #tpu.memory_space<vmem>>, %arg10: memref<80xi32, #tpu.memory_space<vmem>>, %arg11: memref<80xi32, #tpu.memory_space<vmem>>, %arg12: memref<80xi32, #tpu.memory_space<vmem>>, %arg13: memref<80xi32, #tpu.memory_space<vmem>>, %arg14: memref<80xi32, #tpu.memory_space<vmem>>, %arg15: memref<80xi32, #tpu.memory_space<vmem>>, %arg16: memref<80xi32, #tpu.memory_space<vmem>>, %arg17: memref<80xi32, #tpu.memory_space<vmem>>, %arg18: memref<80xi32, #tpu.memory_space<vmem>>, %arg19: memref<80xi32, #tpu.memory_space<vmem>>, %arg20: memref<80x128xf32, #tpu.memory_space<vmem>>, %arg21: memref<10240x128xf32, #tpu.memory_space<vmem_shared>>, %arg22: memref<!tpu.dma_semaphore, #tpu.memory_space<semaphore_mem>>, %arg23: memref<!tpu.dma_semaphore, #tpu.memory_space<semaphore_mem>>, %arg24: memref<!tpu.dma_semaphore, #tpu.memory_space<semaphore_mem>>, %arg25: memref<!tpu.dma_semaphore, #tpu.memory_space<semaphore_mem>>, %arg26: memref<!tpu.dma_semaphore, #tpu.memory_space<semaphore_mem>>, %arg27: memref<!tpu.dma_semaphore, #tpu.memory_space<semaphore_mem>>, %arg28: memref<!tpu.dma_semaphore, #tpu.memory_space<semaphore_mem>>, %arg29: memref<!tpu.dma_semaphore, #tpu.memory_space<semaphore_mem>>, %arg30: memref<!tpu.dma_semaphore, #tpu.memory_space<semaphore_mem>>, %arg31: memref<!tpu.dma_semaphore, #tpu.memory_space<semaphore_mem>>, %arg32: memref<!tpu.dma_semaphore, #tpu.memory_space<semaphore_mem>>, %arg33: memref<!tpu.dma_semaphore, #tpu.memory_space<semaphore_mem>>, %arg34: memref<!tpu.dma_semaphore, #tpu.memory_space<semaphore_mem>>, %arg35: memref<!tpu.dma_semaphore, #tpu.memory_space<semaphore_mem>>, %arg36: memref<!tpu.dma_semaphore, #tpu.memory_space<semaphore_mem>>, %arg37: memref<!tpu.dma_semaphore, #tpu.memory_space<semaphore_mem>>) attributes {dimension_semantics = [#tpu.dimension_semantics<core_parallel>, #tpu.dimension_semantics<subcore_parallel>], iteration_bounds = array<i64: 2, 16>, scalar_prefetch = 0 : i64, scratch_operands = 30 : i64, tpu.core_type = #tpu.core_type<sc_vector_subcore>, window_params = [{transform_indices = #map}, {transform_indices = #map}, {transform_indices = #map1}, {transform_indices = #map1}, {transform_indices = #map}, {transform_indices = #map2}]} {
    %mul3A = arith.constant 16 : i32
    %mul3A_0 = arith.muli %arg0, %mul3A : i32
    %add3A = arith.addi %mul3A_0, %arg1 : i32
    %mul3A_1 = arith.constant 10000 : i32
    %mul3A_2 = arith.muli %add3A, %mul3A_1 : i32
    %add3A_3 = arith.constant 0 : i32
    %add3A_4 = arith.addi %mul3A_2, %add3A_3 : i32
    %dma_start3A = tpu.memref_slice %arg2[%add3A_4] : memref<320000xi32, #tpu.memory_space<hbm>> -> memref<80xi32, #tpu.memory_space<hbm>>
    %dma_start3A_5 = tpu.memref_slice %arg2[%add3A_4] : memref<320000xi32, #tpu.memory_space<hbm>> -> memref<80xi32, #tpu.memory_space<hbm>>
    tpu.enqueue_dma source(%dma_start3A_5 : memref<80xi32, #tpu.memory_space<hbm>>) target(%arg8 : memref<80xi32, #tpu.memory_space<vmem>>) target_semaphore(%arg22 : memref<!tpu.dma_semaphore, #tpu.memory_space<semaphore_mem>>)
    %dma_start3A_6 = tpu.memref_slice %arg3[%add3A_4] : memref<320000xi32, #tpu.memory_space<hbm>> -> memref<80xi32, #tpu.memory_space<hbm>>
    %dma_start3A_7 = tpu.memref_slice %arg3[%add3A_4] : memref<320000xi32, #tpu.memory_space<hbm>> -> memref<80xi32, #tpu.memory_space<hbm>>
    tpu.enqueue_dma source(%dma_start3A_7 : memref<80xi32, #tpu.memory_space<hbm>>) target(%arg9 : memref<80xi32, #tpu.memory_space<vmem>>) target_semaphore(%arg23 : memref<!tpu.dma_semaphore, #tpu.memory_space<semaphore_mem>>)
    %add3A_8 = arith.constant 80 : i32
    %add3A_9 = arith.addi %mul3A_2, %add3A_8 : i32
    %dma_start3A_10 = tpu.memref_slice %arg2[%add3A_9] : memref<320000xi32, #tpu.memory_space<hbm>> -> memref<80xi32, #tpu.memory_space<hbm>>
    %dma_start3A_11 = tpu.memref_slice %arg2[%add3A_9] : memref<320000xi32, #tpu.memory_space<hbm>> -> memref<80xi32, #tpu.memory_space<hbm>>
    tpu.enqueue_dma source(%dma_start3A_11 : memref<80xi32, #tpu.memory_space<hbm>>) target(%arg11 : memref<80xi32, #tpu.memory_space<vmem>>) target_semaphore(%arg26 : memref<!tpu.dma_semaphore, #tpu.memory_space<semaphore_mem>>)
    %dma_start3A_12 = tpu.memref_slice %arg3[%add3A_9] : memref<320000xi32, #tpu.memory_space<hbm>> -> memref<80xi32, #tpu.memory_space<hbm>>
    %dma_start3A_13 = tpu.memref_slice %arg3[%add3A_9] : memref<320000xi32, #tpu.memory_space<hbm>> -> memref<80xi32, #tpu.memory_space<hbm>>
    tpu.enqueue_dma source(%dma_start3A_13 : memref<80xi32, #tpu.memory_space<hbm>>) target(%arg12 : memref<80xi32, #tpu.memory_space<vmem>>) target_semaphore(%arg27 : memref<!tpu.dma_semaphore, #tpu.memory_space<semaphore_mem>>)
    %add3A_14 = arith.constant 160 : i32
    %add3A_15 = arith.addi %mul3A_2, %add3A_14 : i32
    %dma_start3A_16 = tpu.memref_slice %arg2[%add3A_15] : memref<320000xi32, #tpu.memory_space<hbm>> -> memref<80xi32, #tpu.memory_space<hbm>>
    %dma_start3A_17 = tpu.memref_slice %arg2[%add3A_15] : memref<320000xi32, #tpu.memory_space<hbm>> -> memref<80xi32, #tpu.memory_space<hbm>>
    tpu.enqueue_dma source(%dma_start3A_17 : memref<80xi32, #tpu.memory_space<hbm>>) target(%arg14 : memref<80xi32, #tpu.memory_space<vmem>>) target_semaphore(%arg30 : memref<!tpu.dma_semaphore, #tpu.memory_space<semaphore_mem>>)
    %dma_start3A_18 = tpu.memref_slice %arg3[%add3A_15] : memref<320000xi32, #tpu.memory_space<hbm>> -> memref<80xi32, #tpu.memory_space<hbm>>
    %dma_start3A_19 = tpu.memref_slice %arg3[%add3A_15] : memref<320000xi32, #tpu.memory_space<hbm>> -> memref<80xi32, #tpu.memory_space<hbm>>
    tpu.enqueue_dma source(%dma_start3A_19 : memref<80xi32, #tpu.memory_space<hbm>>) target(%arg15 : memref<80xi32, #tpu.memory_space<vmem>>) target_semaphore(%arg31 : memref<!tpu.dma_semaphore, #tpu.memory_space<semaphore_mem>>)
    %add3A_20 = arith.constant 240 : i32
    %add3A_21 = arith.addi %mul3A_2, %add3A_20 : i32
    %dma_start3A_22 = tpu.memref_slice %arg2[%add3A_21] : memref<320000xi32, #tpu.memory_space<hbm>> -> memref<80xi32, #tpu.memory_space<hbm>>
    %dma_start3A_23 = tpu.memref_slice %arg2[%add3A_21] : memref<320000xi32, #tpu.memory_space<hbm>> -> memref<80xi32, #tpu.memory_space<hbm>>
    tpu.enqueue_dma source(%dma_start3A_23 : memref<80xi32, #tpu.memory_space<hbm>>) target(%arg17 : memref<80xi32, #tpu.memory_space<vmem>>) target_semaphore(%arg34 : memref<!tpu.dma_semaphore, #tpu.memory_space<semaphore_mem>>)
    %dma_start3A_24 = tpu.memref_slice %arg3[%add3A_21] : memref<320000xi32, #tpu.memory_space<hbm>> -> memref<80xi32, #tpu.memory_space<hbm>>
    %dma_start3A_25 = tpu.memref_slice %arg3[%add3A_21] : memref<320000xi32, #tpu.memory_space<hbm>> -> memref<80xi32, #tpu.memory_space<hbm>>
    tpu.enqueue_dma source(%dma_start3A_25 : memref<80xi32, #tpu.memory_space<hbm>>) target(%arg18 : memref<80xi32, #tpu.memory_space<vmem>>) target_semaphore(%arg35 : memref<!tpu.dma_semaphore, #tpu.memory_space<semaphore_mem>>)
    %mul3A_26 = arith.constant 640 : i32
    %mul3A_27 = arith.muli %arg1, %mul3A_26 : i32
    %mul3A_28 = arith.constant 640 : i32
    %mul3A_29 = arith.muli %arg1, %mul3A_28 : i32
    "tpu.region"() ({
      %run_scoped3A = tpu.sem_alloc : memref<!tpu.dma_semaphore, #tpu.memory_space<semaphore_mem>>
      %dma_start3A_122 = arith.constant 0 : i32
      %dma_start3A_123 = tpu.memref_slice %arg21[%mul3A_29, %dma_start3A_122] : memref<10240x128xf32, #tpu.memory_space<vmem_shared>> -> memref<640x128xf32, #tpu.memory_space<vmem_shared>>
      %dma_start3A_124 = arith.constant 0 : i32
      %dma_start3A_125 = tpu.memref_slice %arg4[%mul3A_27, %dma_start3A_124] : memref<10240x128xf32, #tpu.memory_space<hbm>> -> memref<640x128xf32, #tpu.memory_space<hbm>>
      tpu.enqueue_dma source(%dma_start3A_125 : memref<640x128xf32, #tpu.memory_space<hbm>>) target(%dma_start3A_123 : memref<640x128xf32, #tpu.memory_space<vmem_shared>>) target_semaphore(%run_scoped3A : memref<!tpu.dma_semaphore, #tpu.memory_space<semaphore_mem>>)
      %dma_wait3A_126 = arith.constant 0 : i32
      %dma_wait3A_127 = tpu.memref_slice %arg21[%mul3A_29, %dma_wait3A_126] : memref<10240x128xf32, #tpu.memory_space<vmem_shared>> -> memref<640x128xf32, #tpu.memory_space<vmem_shared>>
      %dma_wait3A_128 = arith.constant 0 : i32
      %dma_wait3A_129 = tpu.memref_slice %arg4[%mul3A_27, %dma_wait3A_128] : memref<10240x128xf32, #tpu.memory_space<hbm>> -> memref<640x128xf32, #tpu.memory_space<hbm>>
      tpu.wait_dma2 semaphore(%run_scoped3A : memref<!tpu.dma_semaphore, #tpu.memory_space<semaphore_mem>>) src(%dma_wait3A_129 : memref<640x128xf32, #tpu.memory_space<hbm>>) dst(%dma_wait3A_127 : memref<640x128xf32, #tpu.memory_space<vmem_shared>>)
      tpu.yield
    }) : () -> ()
    "tpu.region"() ({
      %run_scoped3A = tpu.sem_alloc : memref<!tpu.dma_semaphore, #tpu.memory_space<semaphore_mem>>
      tpu.enqueue_dma source(%arg5 : memref<80x128xf32, #tpu.memory_space<hbm>>) target(%arg20 : memref<80x128xf32, #tpu.memory_space<vmem>>) target_semaphore(%run_scoped3A : memref<!tpu.dma_semaphore, #tpu.memory_space<semaphore_mem>>)
      tpu.wait_dma2 semaphore(%run_scoped3A : memref<!tpu.dma_semaphore, #tpu.memory_space<semaphore_mem>>) src(%arg5 : memref<80x128xf32, #tpu.memory_space<hbm>>) dst(%arg20 : memref<80x128xf32, #tpu.memory_space<vmem>>)
      tpu.yield
    }) : () -> ()
    %barrier3A = arith.constant 0 : index
    tpu.barrier barrier_id(%barrier3A)
    %scan3A = arith.constant 0 : i32
    %scan3A_30 = arith.constant 0 : i32
    %scan3A_31 = arith.constant 31 : i32
    %scan3A_32 = arith.addi %scan3A_30, %scan3A_31 : i32
    %scan3A_33 = arith.constant 1 : i32
    scf.for %scan3A_122 = %scan3A_30 to %scan3A_32 step %scan3A_33  : i32 {
      %mul3A_123 = arith.constant 4 : i32
      %mul3A_124 = arith.muli %scan3A_122, %mul3A_123 : i32
      %add3A_125 = arith.constant 0 : i32
      %add3A_126 = arith.addi %mul3A_124, %add3A_125 : i32
      %mul3A_127 = arith.constant 80 : i32
      %mul3A_128 = arith.muli %add3A_126, %mul3A_127 : i32
      %add3A_129 = arith.addi %mul3A_2, %mul3A_128 : i32
      %dma_wait3A_130 = arith.constant 0 : i32
      %dma_wait3A_131 = tpu.memref_slice %arg2[%dma_wait3A_130] : memref<320000xi32, #tpu.memory_space<hbm>> -> memref<80xi32, #tpu.memory_space<hbm>>
      %dma_wait3A_132 = arith.constant 0 : i32
      %dma_wait3A_133 = tpu.memref_slice %arg2[%dma_wait3A_132] : memref<320000xi32, #tpu.memory_space<hbm>> -> memref<80xi32, #tpu.memory_space<hbm>>
      tpu.wait_dma2 semaphore(%arg22 : memref<!tpu.dma_semaphore, #tpu.memory_space<semaphore_mem>>) src(%dma_wait3A_133 : memref<80xi32, #tpu.memory_space<hbm>>) dst(%arg8 : memref<80xi32, #tpu.memory_space<vmem>>)
      %dma_wait3A_134 = arith.constant 0 : i32
      %dma_wait3A_135 = tpu.memref_slice %arg3[%dma_wait3A_134] : memref<320000xi32, #tpu.memory_space<hbm>> -> memref<80xi32, #tpu.memory_space<hbm>>
      %dma_wait3A_136 = arith.constant 0 : i32
      %dma_wait3A_137 = tpu.memref_slice %arg3[%dma_wait3A_136] : memref<320000xi32, #tpu.memory_space<hbm>> -> memref<80xi32, #tpu.memory_space<hbm>>
      tpu.wait_dma2 semaphore(%arg23 : memref<!tpu.dma_semaphore, #tpu.memory_space<semaphore_mem>>) src(%dma_wait3A_137 : memref<80xi32, #tpu.memory_space<hbm>>) dst(%arg9 : memref<80xi32, #tpu.memory_space<vmem>>)
      %get3A_138 = arith.constant 0 : index
      %get3A_139 = tpu.vector_load %arg8[%get3A_138] {strides = array<i32>} : memref<80xi32, #tpu.memory_space<vmem>>, vector<16xi32>,
      %get3A_140 = vector.shape_cast %get3A_139 : vector<16xi32> to vector<16xi32>
      %get3A_141 = arith.constant 0 : index
      %get3A_142 = tpu.vector_load %arg9[%get3A_141] {strides = array<i32>} : memref<80xi32, #tpu.memory_space<vmem>>, vector<16xi32>,
      %get3A_143 = vector.shape_cast %get3A_142 : vector<16xi32> to vector<16xi32>
      %eq3A_144 = arith.cmpi eq, %get3A_140, %get3A_143 : vector<16xi32>
      %jit3A_145 = arith.constant 10000 : i32
      %broadcast_in_dim3A_146 = vector.broadcast %jit3A_145 : i32 to vector<16xi32>
      %select_n3A_147 = arith.select %eq3A_144, %broadcast_in_dim3A_146, %get3A_143 : vector<16xi1>, vector<16xi32>
      %swap3A_148 = arith.constant 0 : index
      %swap3A_149 = tpu.vector_load %arg10[%swap3A_148] {strides = array<i32>} : memref<80xi32, #tpu.memory_space<vmem>>, vector<16xi32>,
      %swap3A_150 = vector.shape_cast %swap3A_149 : vector<16xi32> to vector<16xi32>
      %swap3A_151 = vector.shape_cast %select_n3A_147 : vector<16xi32> to vector<16xi32>
      tpu.vector_store %arg10[%swap3A_148], %swap3A_151 {strides = array<i32>} : memref<80xi32, #tpu.memory_space<vmem>>, vector<16xi32>,
      %get3A_152 = arith.constant 16 : index
      %get3A_153 = tpu.vector_load %arg8[%get3A_152] {strides = array<i32>} : memref<80xi32, #tpu.memory_space<vmem>>, vector<16xi32>,
      %get3A_154 = vector.shape_cast %get3A_153 : vector<16xi32> to vector<16xi32>
      %get3A_155 = arith.constant 16 : index
      %get3A_156 = tpu.vector_load %arg9[%get3A_155] {strides = array<i32>} : memref<80xi32, #tpu.memory_space<vmem>>, vector<16xi32>,
      %get3A_157 = vector.shape_cast %get3A_156 : vector<16xi32> to vector<16xi32>
      %eq3A_158 = arith.cmpi eq, %get3A_154, %get3A_157 : vector<16xi32>
      %jit3A_159 = arith.constant 10000 : i32
      %broadcast_in_dim3A_160 = vector.broadcast %jit3A_159 : i32 to vector<16xi32>
      %select_n3A_161 = arith.select %eq3A_158, %broadcast_in_dim3A_160, %get3A_157 : vector<16xi1>, vector<16xi32>
      %swap3A_162 = arith.constant 16 : index
      %swap3A_163 = tpu.vector_load %arg10[%swap3A_162] {strides = array<i32>} : memref<80xi32, #tpu.memory_space<vmem>>, vector<16xi32>,
      %swap3A_164 = vector.shape_cast %swap3A_163 : vector<16xi32> to vector<16xi32>
      %swap3A_165 = vector.shape_cast %select_n3A_161 : vector<16xi32> to vector<16xi32>
      tpu.vector_store %arg10[%swap3A_162], %swap3A_165 {strides = array<i32>} : memref<80xi32, #tpu.memory_space<vmem>>, vector<16xi32>,
      %get3A_166 = arith.constant 32 : index
      %get3A_167 = tpu.vector_load %arg8[%get3A_166] {strides = array<i32>} : memref<80xi32, #tpu.memory_space<vmem>>, vector<16xi32>,
      %get3A_168 = vector.shape_cast %get3A_167 : vector<16xi32> to vector<16xi32>
      %get3A_169 = arith.constant 32 : index
      %get3A_170 = tpu.vector_load %arg9[%get3A_169] {strides = array<i32>} : memref<80xi32, #tpu.memory_space<vmem>>, vector<16xi32>,
      %get3A_171 = vector.shape_cast %get3A_170 : vector<16xi32> to vector<16xi32>
      %eq3A_172 = arith.cmpi eq, %get3A_168, %get3A_171 : vector<16xi32>
      %jit3A_173 = arith.constant 10000 : i32
      %broadcast_in_dim3A_174 = vector.broadcast %jit3A_173 : i32 to vector<16xi32>
      %select_n3A_175 = arith.select %eq3A_172, %broadcast_in_dim3A_174, %get3A_171 : vector<16xi1>, vector<16xi32>
      %swap3A_176 = arith.constant 32 : index
      %swap3A_177 = tpu.vector_load %arg10[%swap3A_176] {strides = array<i32>} : memref<80xi32, #tpu.memory_space<vmem>>, vector<16xi32>,
      %swap3A_178 = vector.shape_cast %swap3A_177 : vector<16xi32> to vector<16xi32>
      %swap3A_179 = vector.shape_cast %select_n3A_175 : vector<16xi32> to vector<16xi32>
      tpu.vector_store %arg10[%swap3A_176], %swap3A_179 {strides = array<i32>} : memref<80xi32, #tpu.memory_space<vmem>>, vector<16xi32>,
      %get3A_180 = arith.constant 48 : index
      %get3A_181 = tpu.vector_load %arg8[%get3A_180] {strides = array<i32>} : memref<80xi32, #tpu.memory_space<vmem>>, vector<16xi32>,
      %get3A_182 = vector.shape_cast %get3A_181 : vector<16xi32> to vector<16xi32>
      %get3A_183 = arith.constant 48 : index
      %get3A_184 = tpu.vector_load %arg9[%get3A_183] {strides = array<i32>} : memref<80xi32, #tpu.memory_space<vmem>>, vector<16xi32>,
      %get3A_185 = vector.shape_cast %get3A_184 : vector<16xi32> to vector<16xi32>
      %eq3A_186 = arith.cmpi eq, %get3A_182, %get3A_185 : vector<16xi32>
      %jit3A_187 = arith.constant 10000 : i32
      %broadcast_in_dim3A_188 = vector.broadcast %jit3A_187 : i32 to vector<16xi32>
      %select_n3A_189 = arith.select %eq3A_186, %broadcast_in_dim3A_188, %get3A_185 : vector<16xi1>, vector<16xi32>
      %swap3A_190 = arith.constant 48 : index
      %swap3A_191 = tpu.vector_load %arg10[%swap3A_190] {strides = array<i32>} : memref<80xi32, #tpu.memory_space<vmem>>, vector<16xi32>,
      %swap3A_192 = vector.shape_cast %swap3A_191 : vector<16xi32> to vector<16xi32>
      %swap3A_193 = vector.shape_cast %select_n3A_189 : vector<16xi32> to vector<16xi32>
      tpu.vector_store %arg10[%swap3A_190], %swap3A_193 {strides = array<i32>} : memref<80xi32, #tpu.memory_space<vmem>>, vector<16xi32>,
      %get3A_194 = arith.constant 64 : index
      %get3A_195 = tpu.vector_load %arg8[%get3A_194] {strides = array<i32>} : memref<80xi32, #tpu.memory_space<vmem>>, vector<16xi32>,
      %get3A_196 = vector.shape_cast %get3A_195 : vector<16xi32> to vector<16xi32>
      %get3A_197 = arith.constant 64 : index
      %get3A_198 = tpu.vector_load %arg9[%get3A_197] {strides = array<i32>} : memref<80xi32, #tpu.memory_space<vmem>>, vector<16xi32>,
      %get3A_199 = vector.shape_cast %get3A_198 : vector<16xi32> to vector<16xi32>
      %eq3A_200 = arith.cmpi eq, %get3A_196, %get3A_199 : vector<16xi32>
      %jit3A_201 = arith.constant 10000 : i32
      %broadcast_in_dim3A_202 = vector.broadcast %jit3A_201 : i32 to vector<16xi32>
      %select_n3A_203 = arith.select %eq3A_200, %broadcast_in_dim3A_202, %get3A_199 : vector<16xi1>, vector<16xi32>
      %swap3A_204 = arith.constant 64 : index
      %swap3A_205 = tpu.vector_load %arg10[%swap3A_204] {strides = array<i32>} : memref<80xi32, #tpu.memory_space<vmem>>, vector<16xi32>,
      %swap3A_206 = vector.shape_cast %swap3A_205 : vector<16xi32> to vector<16xi32>
      %swap3A_207 = vector.shape_cast %select_n3A_203 : vector<16xi32> to vector<16xi32>
      tpu.vector_store %arg10[%swap3A_204], %swap3A_207 {strides = array<i32>} : memref<80xi32, #tpu.memory_space<vmem>>, vector<16xi32>,
      %dma_start3A_208 = tpu.memref_slice %arg6[%add3A_129] : memref<320000xi32, #tpu.memory_space<hbm>> -> memref<80xi32, #tpu.memory_space<hbm>>
      %dma_start3A_209 = tpu.memref_slice %arg6[%add3A_129] : memref<320000xi32, #tpu.memory_space<hbm>> -> memref<80xi32, #tpu.memory_space<hbm>>
      tpu.enqueue_dma source(%arg10 : memref<80xi32, #tpu.memory_space<vmem>>) target(%dma_start3A_209 : memref<80xi32, #tpu.memory_space<hbm>>) target_semaphore(%arg24 : memref<!tpu.dma_semaphore, #tpu.memory_space<semaphore_mem>>)
      %dma_start3A_210 = arith.constant 0 : i32
      %dma_start3A_211 = arith.constant 0 : i32
      %dma_start3A_212 = tpu.memref_slice %arg21[%dma_start3A_210, %dma_start3A_211] : memref<10240x128xf32, #tpu.memory_space<vmem_shared>> -> memref<10240x128xf32, #tpu.memory_space<vmem_shared>>
      tpu.enqueue_indirect_dma source(%arg20 : memref<80x128xf32, #tpu.memory_space<vmem>>) target(%dma_start3A_212 : memref<10240x128xf32, #tpu.memory_space<vmem_shared>>) offsets(%arg10 : memref<80xi32, #tpu.memory_space<vmem>>) semaphore(%arg25 : memref<!tpu.dma_semaphore, #tpu.memory_space<semaphore_mem>>) {add = true}
      %mul3A_213 = arith.constant 4 : i32
      %mul3A_214 = arith.muli %scan3A_122, %mul3A_213 : i32
      %add3A_215 = arith.constant 1 : i32
      %add3A_216 = arith.addi %mul3A_214, %add3A_215 : i32
      %mul3A_217 = arith.constant 80 : i32
      %mul3A_218 = arith.muli %add3A_216, %mul3A_217 : i32
      %add3A_219 = arith.addi %mul3A_2, %mul3A_218 : i32
      %dma_wait3A_220 = arith.constant 0 : i32
      %dma_wait3A_221 = tpu.memref_slice %arg2[%dma_wait3A_220] : memref<320000xi32, #tpu.memory_space<hbm>> -> memref<80xi32, #tpu.memory_space<hbm>>
      %dma_wait3A_222 = arith.constant 0 : i32
      %dma_wait3A_223 = tpu.memref_slice %arg2[%dma_wait3A_222] : memref<320000xi32, #tpu.memory_space<hbm>> -> memref<80xi32, #tpu.memory_space<hbm>>
      tpu.wait_dma2 semaphore(%arg26 : memref<!tpu.dma_semaphore, #tpu.memory_space<semaphore_mem>>) src(%dma_wait3A_223 : memref<80xi32, #tpu.memory_space<hbm>>) dst(%arg11 : memref<80xi32, #tpu.memory_space<vmem>>)
      %dma_wait3A_224 = arith.constant 0 : i32
      %dma_wait3A_225 = tpu.memref_slice %arg3[%dma_wait3A_224] : memref<320000xi32, #tpu.memory_space<hbm>> -> memref<80xi32, #tpu.memory_space<hbm>>
      %dma_wait3A_226 = arith.constant 0 : i32
      %dma_wait3A_227 = tpu.memref_slice %arg3[%dma_wait3A_226] : memref<320000xi32, #tpu.memory_space<hbm>> -> memref<80xi32, #tpu.memory_space<hbm>>
      tpu.wait_dma2 semaphore(%arg27 : memref<!tpu.dma_semaphore, #tpu.memory_space<semaphore_mem>>) src(%dma_wait3A_227 : memref<80xi32, #tpu.memory_space<hbm>>) dst(%arg12 : memref<80xi32, #tpu.memory_space<vmem>>)
      %get3A_228 = arith.constant 0 : index
      %get3A_229 = tpu.vector_load %arg11[%get3A_228] {strides = array<i32>} : memref<80xi32, #tpu.memory_space<vmem>>, vector<16xi32>,
      %get3A_230 = vector.shape_cast %get3A_229 : vector<16xi32> to vector<16xi32>
      %get3A_231 = arith.constant 0 : index
      %get3A_232 = tpu.vector_load %arg12[%get3A_231] {strides = array<i32>} : memref<80xi32, #tpu.memory_space<vmem>>, vector<16xi32>,
      %get3A_233 = vector.shape_cast %get3A_232 : vector<16xi32> to vector<16xi32>
      %eq3A_234 = arith.cmpi eq, %get3A_230, %get3A_233 : vector<16xi32>
      %jit3A_235 = arith.constant 10000 : i32
      %broadcast_in_dim3A_236 = vector.broadcast %jit3A_235 : i32 to vector<16xi32>
      %select_n3A_237 = arith.select %eq3A_234, %broadcast_in_dim3A_236, %get3A_233 : vector<16xi1>, vector<16xi32>
      %swap3A_238 = arith.constant 0 : index
      %swap3A_239 = tpu.vector_load %arg13[%swap3A_238] {strides = array<i32>} : memref<80xi32, #tpu.memory_space<vmem>>, vector<16xi32>,
      %swap3A_240 = vector.shape_cast %swap3A_239 : vector<16xi32> to vector<16xi32>
      %swap3A_241 = vector.shape_cast %select_n3A_237 : vector<16xi32> to vector<16xi32>
      tpu.vector_store %arg13[%swap3A_238], %swap3A_241 {strides = array<i32>} : memref<80xi32, #tpu.memory_space<vmem>>, vector<16xi32>,
      %get3A_242 = arith.constant 16 : index
      %get3A_243 = tpu.vector_load %arg11[%get3A_242] {strides = array<i32>} : memref<80xi32, #tpu.memory_space<vmem>>, vector<16xi32>,
      %get3A_244 = vector.shape_cast %get3A_243 : vector<16xi32> to vector<16xi32>
      %get3A_245 = arith.constant 16 : index
      %get3A_246 = tpu.vector_load %arg12[%get3A_245] {strides = array<i32>} : memref<80xi32, #tpu.memory_space<vmem>>, vector<16xi32>,
      %get3A_247 = vector.shape_cast %get3A_246 : vector<16xi32> to vector<16xi32>
      %eq3A_248 = arith.cmpi eq, %get3A_244, %get3A_247 : vector<16xi32>
      %jit3A_249 = arith.constant 10000 : i32
      %broadcast_in_dim3A_250 = vector.broadcast %jit3A_249 : i32 to vector<16xi32>
      %select_n3A_251 = arith.select %eq3A_248, %broadcast_in_dim3A_250, %get3A_247 : vector<16xi1>, vector<16xi32>
      %swap3A_252 = arith.constant 16 : index
      %swap3A_253 = tpu.vector_load %arg13[%swap3A_252] {strides = array<i32>} : memref<80xi32, #tpu.memory_space<vmem>>, vector<16xi32>,
      %swap3A_254 = vector.shape_cast %swap3A_253 : vector<16xi32> to vector<16xi32>
      %swap3A_255 = vector.shape_cast %select_n3A_251 : vector<16xi32> to vector<16xi32>
      tpu.vector_store %arg13[%swap3A_252], %swap3A_255 {strides = array<i32>} : memref<80xi32, #tpu.memory_space<vmem>>, vector<16xi32>,
      %get3A_256 = arith.constant 32 : index
      %get3A_257 = tpu.vector_load %arg11[%get3A_256] {strides = array<i32>} : memref<80xi32, #tpu.memory_space<vmem>>, vector<16xi32>,
      %get3A_258 = vector.shape_cast %get3A_257 : vector<16xi32> to vector<16xi32>
      %get3A_259 = arith.constant 32 : index
      %get3A_260 = tpu.vector_load %arg12[%get3A_259] {strides = array<i32>} : memref<80xi32, #tpu.memory_space<vmem>>, vector<16xi32>,
      %get3A_261 = vector.shape_cast %get3A_260 : vector<16xi32> to vector<16xi32>
      %eq3A_262 = arith.cmpi eq, %get3A_258, %get3A_261 : vector<16xi32>
      %jit3A_263 = arith.constant 10000 : i32
      %broadcast_in_dim3A_264 = vector.broadcast %jit3A_263 : i32 to vector<16xi32>
      %select_n3A_265 = arith.select %eq3A_262, %broadcast_in_dim3A_264, %get3A_261 : vector<16xi1>, vector<16xi32>
      %swap3A_266 = arith.constant 32 : index
      %swap3A_267 = tpu.vector_load %arg13[%swap3A_266] {strides = array<i32>} : memref<80xi32, #tpu.memory_space<vmem>>, vector<16xi32>,
      %swap3A_268 = vector.shape_cast %swap3A_267 : vector<16xi32> to vector<16xi32>
      %swap3A_269 = vector.shape_cast %select_n3A_265 : vector<16xi32> to vector<16xi32>
      tpu.vector_store %arg13[%swap3A_266], %swap3A_269 {strides = array<i32>} : memref<80xi32, #tpu.memory_space<vmem>>, vector<16xi32>,
      %get3A_270 = arith.constant 48 : index
      %get3A_271 = tpu.vector_load %arg11[%get3A_270] {strides = array<i32>} : memref<80xi32, #tpu.memory_space<vmem>>, vector<16xi32>,
      %get3A_272 = vector.shape_cast %get3A_271 : vector<16xi32> to vector<16xi32>
      %get3A_273 = arith.constant 48 : index
      %get3A_274 = tpu.vector_load %arg12[%get3A_273] {strides = array<i32>} : memref<80xi32, #tpu.memory_space<vmem>>, vector<16xi32>,
      %get3A_275 = vector.shape_cast %get3A_274 : vector<16xi32> to vector<16xi32>
      %eq3A_276 = arith.cmpi eq, %get3A_272, %get3A_275 : vector<16xi32>
      %jit3A_277 = arith.constant 10000 : i32
      %broadcast_in_dim3A_278 = vector.broadcast %jit3A_277 : i32 to vector<16xi32>
      %select_n3A_279 = arith.select %eq3A_276, %broadcast_in_dim3A_278, %get3A_275 : vector<16xi1>, vector<16xi32>
      %swap3A_280 = arith.constant 48 : index
      %swap3A_281 = tpu.vector_load %arg13[%swap3A_280] {strides = array<i32>} : memref<80xi32, #tpu.memory_space<vmem>>, vector<16xi32>,
      %swap3A_282 = vector.shape_cast %swap3A_281 : vector<16xi32> to vector<16xi32>
      %swap3A_283 = vector.shape_cast %select_n3A_279 : vector<16xi32> to vector<16xi32>
      tpu.vector_store %arg13[%swap3A_280], %swap3A_283 {strides = array<i32>} : memref<80xi32, #tpu.memory_space<vmem>>, vector<16xi32>,
      %get3A_284 = arith.constant 64 : index
      %get3A_285 = tpu.vector_load %arg11[%get3A_284] {strides = array<i32>} : memref<80xi32, #tpu.memory_space<vmem>>, vector<16xi32>,
      %get3A_286 = vector.shape_cast %get3A_285 : vector<16xi32> to vector<16xi32>
      %get3A_287 = arith.constant 64 : index
      %get3A_288 = tpu.vector_load %arg12[%get3A_287] {strides = array<i32>} : memref<80xi32, #tpu.memory_space<vmem>>, vector<16xi32>,
      %get3A_289 = vector.shape_cast %get3A_288 : vector<16xi32> to vector<16xi32>
      %eq3A_290 = arith.cmpi eq, %get3A_286, %get3A_289 : vector<16xi32>
      %jit3A_291 = arith.constant 10000 : i32
      %broadcast_in_dim3A_292 = vector.broadcast %jit3A_291 : i32 to vector<16xi32>
      %select_n3A_293 = arith.select %eq3A_290, %broadcast_in_dim3A_292, %get3A_289 : vector<16xi1>, vector<16xi32>
      %swap3A_294 = arith.constant 64 : index
      %swap3A_295 = tpu.vector_load %arg13[%swap3A_294] {strides = array<i32>} : memref<80xi32, #tpu.memory_space<vmem>>, vector<16xi32>,
      %swap3A_296 = vector.shape_cast %swap3A_295 : vector<16xi32> to vector<16xi32>
      %swap3A_297 = vector.shape_cast %select_n3A_293 : vector<16xi32> to vector<16xi32>
      tpu.vector_store %arg13[%swap3A_294], %swap3A_297 {strides = array<i32>} : memref<80xi32, #tpu.memory_space<vmem>>, vector<16xi32>,
      %dma_start3A_298 = tpu.memref_slice %arg6[%add3A_219] : memref<320000xi32, #tpu.memory_space<hbm>> -> memref<80xi32, #tpu.memory_space<hbm>>
      %dma_start3A_299 = tpu.memref_slice %arg6[%add3A_219] : memref<320000xi32, #tpu.memory_space<hbm>> -> memref<80xi32, #tpu.memory_space<hbm>>
      tpu.enqueue_dma source(%arg13 : memref<80xi32, #tpu.memory_space<vmem>>) target(%dma_start3A_299 : memref<80xi32, #tpu.memory_space<hbm>>) target_semaphore(%arg28 : memref<!tpu.dma_semaphore, #tpu.memory_space<semaphore_mem>>)
      %dma_start3A_300 = arith.constant 0 : i32
      %dma_start3A_301 = arith.constant 0 : i32
      %dma_start3A_302 = tpu.memref_slice %arg21[%dma_start3A_300, %dma_start3A_301] : memref<10240x128xf32, #tpu.memory_space<vmem_shared>> -> memref<10240x128xf32, #tpu.memory_space<vmem_shared>>
      tpu.enqueue_indirect_dma source(%arg20 : memref<80x128xf32, #tpu.memory_space<vmem>>) target(%dma_start3A_302 : memref<10240x128xf32, #tpu.memory_space<vmem_shared>>) offsets(%arg13 : memref<80xi32, #tpu.memory_space<vmem>>) semaphore(%arg29 : memref<!tpu.dma_semaphore, #tpu.memory_space<semaphore_mem>>) {add = true}
      %mul3A_303 = arith.constant 4 : i32
      %mul3A_304 = arith.muli %scan3A_122, %mul3A_303 : i32
      %add3A_305 = arith.constant 2 : i32
      %add3A_306 = arith.addi %mul3A_304, %add3A_305 : i32
      %mul3A_307 = arith.constant 80 : i32
      %mul3A_308 = arith.muli %add3A_306, %mul3A_307 : i32
      %add3A_309 = arith.addi %mul3A_2, %mul3A_308 : i32
      %dma_wait3A_310 = arith.constant 0 : i32
      %dma_wait3A_311 = tpu.memref_slice %arg2[%dma_wait3A_310] : memref<320000xi32, #tpu.memory_space<hbm>> -> memref<80xi32, #tpu.memory_space<hbm>>
      %dma_wait3A_312 = arith.constant 0 : i32
      %dma_wait3A_313 = tpu.memref_slice %arg2[%dma_wait3A_312] : memref<320000xi32, #tpu.memory_space<hbm>> -> memref<80xi32, #tpu.memory_space<hbm>>
      tpu.wait_dma2 semaphore(%arg30 : memref<!tpu.dma_semaphore, #tpu.memory_space<semaphore_mem>>) src(%dma_wait3A_313 : memref<80xi32, #tpu.memory_space<hbm>>) dst(%arg14 : memref<80xi32, #tpu.memory_space<vmem>>)
      %dma_wait3A_314 = arith.constant 0 : i32
      %dma_wait3A_315 = tpu.memref_slice %arg3[%dma_wait3A_314] : memref<320000xi32, #tpu.memory_space<hbm>> -> memref<80xi32, #tpu.memory_space<hbm>>
      %dma_wait3A_316 = arith.constant 0 : i32
      %dma_wait3A_317 = tpu.memref_slice %arg3[%dma_wait3A_316] : memref<320000xi32, #tpu.memory_space<hbm>> -> memref<80xi32, #tpu.memory_space<hbm>>
      tpu.wait_dma2 semaphore(%arg31 : memref<!tpu.dma_semaphore, #tpu.memory_space<semaphore_mem>>) src(%dma_wait3A_317 : memref<80xi32, #tpu.memory_space<hbm>>) dst(%arg15 : memref<80xi32, #tpu.memory_space<vmem>>)
      %get3A_318 = arith.constant 0 : index
      %get3A_319 = tpu.vector_load %arg14[%get3A_318] {strides = array<i32>} : memref<80xi32, #tpu.memory_space<vmem>>, vector<16xi32>,
      %get3A_320 = vector.shape_cast %get3A_319 : vector<16xi32> to vector<16xi32>
      %get3A_321 = arith.constant 0 : index
      %get3A_322 = tpu.vector_load %arg15[%get3A_321] {strides = array<i32>} : memref<80xi32, #tpu.memory_space<vmem>>, vector<16xi32>,
      %get3A_323 = vector.shape_cast %get3A_322 : vector<16xi32> to vector<16xi32>
      %eq3A_324 = arith.cmpi eq, %get3A_320, %get3A_323 : vector<16xi32>
      %jit3A_325 = arith.constant 10000 : i32
      %broadcast_in_dim3A_326 = vector.broadcast %jit3A_325 : i32 to vector<16xi32>
      %select_n3A_327 = arith.select %eq3A_324, %broadcast_in_dim3A_326, %get3A_323 : vector<16xi1>, vector<16xi32>
      %swap3A_328 = arith.constant 0 : index
      %swap3A_329 = tpu.vector_load %arg16[%swap3A_328] {strides = array<i32>} : memref<80xi32, #tpu.memory_space<vmem>>, vector<16xi32>,
      %swap3A_330 = vector.shape_cast %swap3A_329 : vector<16xi32> to vector<16xi32>
      %swap3A_331 = vector.shape_cast %select_n3A_327 : vector<16xi32> to vector<16xi32>
      tpu.vector_store %arg16[%swap3A_328], %swap3A_331 {strides = array<i32>} : memref<80xi32, #tpu.memory_space<vmem>>, vector<16xi32>,
      %get3A_332 = arith.constant 16 : index
      %get3A_333 = tpu.vector_load %arg14[%get3A_332] {strides = array<i32>} : memref<80xi32, #tpu.memory_space<vmem>>, vector<16xi32>,
      %get3A_334 = vector.shape_cast %get3A_333 : vector<16xi32> to vector<16xi32>
      %get3A_335 = arith.constant 16 : index
      %get3A_336 = tpu.vector_load %arg15[%get3A_335] {strides = array<i32>} : memref<80xi32, #tpu.memory_space<vmem>>, vector<16xi32>,
      %get3A_337 = vector.shape_cast %get3A_336 : vector<16xi32> to vector<16xi32>
      %eq3A_338 = arith.cmpi eq, %get3A_334, %get3A_337 : vector<16xi32>
      %jit3A_339 = arith.constant 10000 : i32
      %broadcast_in_dim3A_340 = vector.broadcast %jit3A_339 : i32 to vector<16xi32>
      %select_n3A_341 = arith.select %eq3A_338, %broadcast_in_dim3A_340, %get3A_337 : vector<16xi1>, vector<16xi32>
      %swap3A_342 = arith.constant 16 : index
      %swap3A_343 = tpu.vector_load %arg16[%swap3A_342] {strides = array<i32>} : memref<80xi32, #tpu.memory_space<vmem>>, vector<16xi32>,
      %swap3A_344 = vector.shape_cast %swap3A_343 : vector<16xi32> to vector<16xi32>
      %swap3A_345 = vector.shape_cast %select_n3A_341 : vector<16xi32> to vector<16xi32>
      tpu.vector_store %arg16[%swap3A_342], %swap3A_345 {strides = array<i32>} : memref<80xi32, #tpu.memory_space<vmem>>, vector<16xi32>,
      %get3A_346 = arith.constant 32 : index
      %get3A_347 = tpu.vector_load %arg14[%get3A_346] {strides = array<i32>} : memref<80xi32, #tpu.memory_space<vmem>>, vector<16xi32>,
      %get3A_348 = vector.shape_cast %get3A_347 : vector<16xi32> to vector<16xi32>
      %get3A_349 = arith.constant 32 : index
      %get3A_350 = tpu.vector_load %arg15[%get3A_349] {strides = array<i32>} : memref<80xi32, #tpu.memory_space<vmem>>, vector<16xi32>,
      %get3A_351 = vector.shape_cast %get3A_350 : vector<16xi32> to vector<16xi32>
      %eq3A_352 = arith.cmpi eq, %get3A_348, %get3A_351 : vector<16xi32>
      %jit3A_353 = arith.constant 10000 : i32
      %broadcast_in_dim3A_354 = vector.broadcast %jit3A_353 : i32 to vector<16xi32>
      %select_n3A_355 = arith.select %eq3A_352, %broadcast_in_dim3A_354, %get3A_351 : vector<16xi1>, vector<16xi32>
      %swap3A_356 = arith.constant 32 : index
      %swap3A_357 = tpu.vector_load %arg16[%swap3A_356] {strides = array<i32>} : memref<80xi32, #tpu.memory_space<vmem>>, vector<16xi32>,
      %swap3A_358 = vector.shape_cast %swap3A_357 : vector<16xi32> to vector<16xi32>
      %swap3A_359 = vector.shape_cast %select_n3A_355 : vector<16xi32> to vector<16xi32>
      tpu.vector_store %arg16[%swap3A_356], %swap3A_359 {strides = array<i32>} : memref<80xi32, #tpu.memory_space<vmem>>, vector<16xi32>,
      %get3A_360 = arith.constant 48 : index
      %get3A_361 = tpu.vector_load %arg14[%get3A_360] {strides = array<i32>} : memref<80xi32, #tpu.memory_space<vmem>>, vector<16xi32>,
      %get3A_362 = vector.shape_cast %get3A_361 : vector<16xi32> to vector<16xi32>
      %get3A_363 = arith.constant 48 : index
      %get3A_364 = tpu.vector_load %arg15[%get3A_363] {strides = array<i32>} : memref<80xi32, #tpu.memory_space<vmem>>, vector<16xi32>,
      %get3A_365 = vector.shape_cast %get3A_364 : vector<16xi32> to vector<16xi32>
      %eq3A_366 = arith.cmpi eq, %get3A_362, %get3A_365 : vector<16xi32>
      %jit3A_367 = arith.constant 10000 : i32
      %broadcast_in_dim3A_368 = vector.broadcast %jit3A_367 : i32 to vector<16xi32>
      %select_n3A_369 = arith.select %eq3A_366, %broadcast_in_dim3A_368, %get3A_365 : vector<16xi1>, vector<16xi32>
      %swap3A_370 = arith.constant 48 : index
      %swap3A_371 = tpu.vector_load %arg16[%swap3A_370] {strides = array<i32>} : memref<80xi32, #tpu.memory_space<vmem>>, vector<16xi32>,
      %swap3A_372 = vector.shape_cast %swap3A_371 : vector<16xi32> to vector<16xi32>
      %swap3A_373 = vector.shape_cast %select_n3A_369 : vector<16xi32> to vector<16xi32>
      tpu.vector_store %arg16[%swap3A_370], %swap3A_373 {strides = array<i32>} : memref<80xi32, #tpu.memory_space<vmem>>, vector<16xi32>,
      %get3A_374 = arith.constant 64 : index
      %get3A_375 = tpu.vector_load %arg14[%get3A_374] {strides = array<i32>} : memref<80xi32, #tpu.memory_space<vmem>>, vector<16xi32>,
      %get3A_376 = vector.shape_cast %get3A_375 : vector<16xi32> to vector<16xi32>
      %get3A_377 = arith.constant 64 : index
      %get3A_378 = tpu.vector_load %arg15[%get3A_377] {strides = array<i32>} : memref<80xi32, #tpu.memory_space<vmem>>, vector<16xi32>,
      %get3A_379 = vector.shape_cast %get3A_378 : vector<16xi32> to vector<16xi32>
      %eq3A_380 = arith.cmpi eq, %get3A_376, %get3A_379 : vector<16xi32>
      %jit3A_381 = arith.constant 10000 : i32
      %broadcast_in_dim3A_382 = vector.broadcast %jit3A_381 : i32 to vector<16xi32>
      %select_n3A_383 = arith.select %eq3A_380, %broadcast_in_dim3A_382, %get3A_379 : vector<16xi1>, vector<16xi32>
      %swap3A_384 = arith.constant 64 : index
      %swap3A_385 = tpu.vector_load %arg16[%swap3A_384] {strides = array<i32>} : memref<80xi32, #tpu.memory_space<vmem>>, vector<16xi32>,
      %swap3A_386 = vector.shape_cast %swap3A_385 : vector<16xi32> to vector<16xi32>
      %swap3A_387 = vector.shape_cast %select_n3A_383 : vector<16xi32> to vector<16xi32>
      tpu.vector_store %arg16[%swap3A_384], %swap3A_387 {strides = array<i32>} : memref<80xi32, #tpu.memory_space<vmem>>, vector<16xi32>,
      %dma_start3A_388 = tpu.memref_slice %arg6[%add3A_309] : memref<320000xi32, #tpu.memory_space<hbm>> -> memref<80xi32, #tpu.memory_space<hbm>>
      %dma_start3A_389 = tpu.memref_slice %arg6[%add3A_309] : memref<320000xi32, #tpu.memory_space<hbm>> -> memref<80xi32, #tpu.memory_space<hbm>>
      tpu.enqueue_dma source(%arg16 : memref<80xi32, #tpu.memory_space<vmem>>) target(%dma_start3A_389 : memref<80xi32, #tpu.memory_space<hbm>>) target_semaphore(%arg32 : memref<!tpu.dma_semaphore, #tpu.memory_space<semaphore_mem>>)
      %dma_start3A_390 = arith.constant 0 : i32
      %dma_start3A_391 = arith.constant 0 : i32
      %dma_start3A_392 = tpu.memref_slice %arg21[%dma_start3A_390, %dma_start3A_391] : memref<10240x128xf32, #tpu.memory_space<vmem_shared>> -> memref<10240x128xf32, #tpu.memory_space<vmem_shared>>
      tpu.enqueue_indirect_dma source(%arg20 : memref<80x128xf32, #tpu.memory_space<vmem>>) target(%dma_start3A_392 : memref<10240x128xf32, #tpu.memory_space<vmem_shared>>) offsets(%arg16 : memref<80xi32, #tpu.memory_space<vmem>>) semaphore(%arg33 : memref<!tpu.dma_semaphore, #tpu.memory_space<semaphore_mem>>) {add = true}
      %mul3A_393 = arith.constant 4 : i32
      %mul3A_394 = arith.muli %scan3A_122, %mul3A_393 : i32
      %add3A_395 = arith.constant 3 : i32
      %add3A_396 = arith.addi %mul3A_394, %add3A_395 : i32
      %mul3A_397 = arith.constant 80 : i32
      %mul3A_398 = arith.muli %add3A_396, %mul3A_397 : i32
      %add3A_399 = arith.addi %mul3A_2, %mul3A_398 : i32
      %dma_wait3A_400 = arith.constant 0 : i32
      %dma_wait3A_401 = tpu.memref_slice %arg2[%dma_wait3A_400] : memref<320000xi32, #tpu.memory_space<hbm>> -> memref<80xi32, #tpu.memory_space<hbm>>
      %dma_wait3A_402 = arith.constant 0 : i32
      %dma_wait3A_403 = tpu.memref_slice %arg2[%dma_wait3A_402] : memref<320000xi32, #tpu.memory_space<hbm>> -> memref<80xi32, #tpu.memory_space<hbm>>
      tpu.wait_dma2 semaphore(%arg34 : memref<!tpu.dma_semaphore, #tpu.memory_space<semaphore_mem>>) src(%dma_wait3A_403 : memref<80xi32, #tpu.memory_space<hbm>>) dst(%arg17 : memref<80xi32, #tpu.memory_space<vmem>>)
      %dma_wait3A_404 = arith.constant 0 : i32
      %dma_wait3A_405 = tpu.memref_slice %arg3[%dma_wait3A_404] : memref<320000xi32, #tpu.memory_space<hbm>> -> memref<80xi32, #tpu.memory_space<hbm>>
      %dma_wait3A_406 = arith.constant 0 : i32
      %dma_wait3A_407 = tpu.memref_slice %arg3[%dma_wait3A_406] : memref<320000xi32, #tpu.memory_space<hbm>> -> memref<80xi32, #tpu.memory_space<hbm>>
      tpu.wait_dma2 semaphore(%arg35 : memref<!tpu.dma_semaphore, #tpu.memory_space<semaphore_mem>>) src(%dma_wait3A_407 : memref<80xi32, #tpu.memory_space<hbm>>) dst(%arg18 : memref<80xi32, #tpu.memory_space<vmem>>)
      %get3A_408 = arith.constant 0 : index
      %get3A_409 = tpu.vector_load %arg17[%get3A_408] {strides = array<i32>} : memref<80xi32, #tpu.memory_space<vmem>>, vector<16xi32>,
      %get3A_410 = vector.shape_cast %get3A_409 : vector<16xi32> to vector<16xi32>
      %get3A_411 = arith.constant 0 : index
      %get3A_412 = tpu.vector_load %arg18[%get3A_411] {strides = array<i32>} : memref<80xi32, #tpu.memory_space<vmem>>, vector<16xi32>,
      %get3A_413 = vector.shape_cast %get3A_412 : vector<16xi32> to vector<16xi32>
      %eq3A_414 = arith.cmpi eq, %get3A_410, %get3A_413 : vector<16xi32>
      %jit3A_415 = arith.constant 10000 : i32
      %broadcast_in_dim3A_416 = vector.broadcast %jit3A_415 : i32 to vector<16xi32>
      %select_n3A_417 = arith.select %eq3A_414, %broadcast_in_dim3A_416, %get3A_413 : vector<16xi1>, vector<16xi32>
      %swap3A_418 = arith.constant 0 : index
      %swap3A_419 = tpu.vector_load %arg19[%swap3A_418] {strides = array<i32>} : memref<80xi32, #tpu.memory_space<vmem>>, vector<16xi32>,
      %swap3A_420 = vector.shape_cast %swap3A_419 : vector<16xi32> to vector<16xi32>
      %swap3A_421 = vector.shape_cast %select_n3A_417 : vector<16xi32> to vector<16xi32>
      tpu.vector_store %arg19[%swap3A_418], %swap3A_421 {strides = array<i32>} : memref<80xi32, #tpu.memory_space<vmem>>, vector<16xi32>,
      %get3A_422 = arith.constant 16 : index
      %get3A_423 = tpu.vector_load %arg17[%get3A_422] {strides = array<i32>} : memref<80xi32, #tpu.memory_space<vmem>>, vector<16xi32>,
      %get3A_424 = vector.shape_cast %get3A_423 : vector<16xi32> to vector<16xi32>
      %get3A_425 = arith.constant 16 : index
      %get3A_426 = tpu.vector_load %arg18[%get3A_425] {strides = array<i32>} : memref<80xi32, #tpu.memory_space<vmem>>, vector<16xi32>,
      %get3A_427 = vector.shape_cast %get3A_426 : vector<16xi32> to vector<16xi32>
      %eq3A_428 = arith.cmpi eq, %get3A_424, %get3A_427 : vector<16xi32>
      %jit3A_429 = arith.constant 10000 : i32
      %broadcast_in_dim3A_430 = vector.broadcast %jit3A_429 : i32 to vector<16xi32>
      %select_n3A_431 = arith.select %eq3A_428, %broadcast_in_dim3A_430, %get3A_427 : vector<16xi1>, vector<16xi32>
      %swap3A_432 = arith.constant 16 : index
      %swap3A_433 = tpu.vector_load %arg19[%swap3A_432] {strides = array<i32>} : memref<80xi32, #tpu.memory_space<vmem>>, vector<16xi32>,
      %swap3A_434 = vector.shape_cast %swap3A_433 : vector<16xi32> to vector<16xi32>
      %swap3A_435 = vector.shape_cast %select_n3A_431 : vector<16xi32> to vector<16xi32>
      tpu.vector_store %arg19[%swap3A_432], %swap3A_435 {strides = array<i32>} : memref<80xi32, #tpu.memory_space<vmem>>, vector<16xi32>,
      %get3A_436 = arith.constant 32 : index
      %get3A_437 = tpu.vector_load %arg17[%get3A_436] {strides = array<i32>} : memref<80xi32, #tpu.memory_space<vmem>>, vector<16xi32>,
      %get3A_438 = vector.shape_cast %get3A_437 : vector<16xi32> to vector<16xi32>
      %get3A_439 = arith.constant 32 : index
      %get3A_440 = tpu.vector_load %arg18[%get3A_439] {strides = array<i32>} : memref<80xi32, #tpu.memory_space<vmem>>, vector<16xi32>,
      %get3A_441 = vector.shape_cast %get3A_440 : vector<16xi32> to vector<16xi32>
      %eq3A_442 = arith.cmpi eq, %get3A_438, %get3A_441 : vector<16xi32>
      %jit3A_443 = arith.constant 10000 : i32
      %broadcast_in_dim3A_444 = vector.broadcast %jit3A_443 : i32 to vector<16xi32>
      %select_n3A_445 = arith.select %eq3A_442, %broadcast_in_dim3A_444, %get3A_441 : vector<16xi1>, vector<16xi32>
      %swap3A_446 = arith.constant 32 : index
      %swap3A_447 = tpu.vector_load %arg19[%swap3A_446] {strides = array<i32>} : memref<80xi32, #tpu.memory_space<vmem>>, vector<16xi32>,
      %swap3A_448 = vector.shape_cast %swap3A_447 : vector<16xi32> to vector<16xi32>
      %swap3A_449 = vector.shape_cast %select_n3A_445 : vector<16xi32> to vector<16xi32>
      tpu.vector_store %arg19[%swap3A_446], %swap3A_449 {strides = array<i32>} : memref<80xi32, #tpu.memory_space<vmem>>, vector<16xi32>,
      %get3A_450 = arith.constant 48 : index
      %get3A_451 = tpu.vector_load %arg17[%get3A_450] {strides = array<i32>} : memref<80xi32, #tpu.memory_space<vmem>>, vector<16xi32>,
      %get3A_452 = vector.shape_cast %get3A_451 : vector<16xi32> to vector<16xi32>
      %get3A_453 = arith.constant 48 : index
      %get3A_454 = tpu.vector_load %arg18[%get3A_453] {strides = array<i32>} : memref<80xi32, #tpu.memory_space<vmem>>, vector<16xi32>,
      %get3A_455 = vector.shape_cast %get3A_454 : vector<16xi32> to vector<16xi32>
      %eq3A_456 = arith.cmpi eq, %get3A_452, %get3A_455 : vector<16xi32>
      %jit3A_457 = arith.constant 10000 : i32
      %broadcast_in_dim3A_458 = vector.broadcast %jit3A_457 : i32 to vector<16xi32>
      %select_n3A_459 = arith.select %eq3A_456, %broadcast_in_dim3A_458, %get3A_455 : vector<16xi1>, vector<16xi32>
      %swap3A_460 = arith.constant 48 : index
      %swap3A_461 = tpu.vector_load %arg19[%swap3A_460] {strides = array<i32>} : memref<80xi32, #tpu.memory_space<vmem>>, vector<16xi32>,
      %swap3A_462 = vector.shape_cast %swap3A_461 : vector<16xi32> to vector<16xi32>
      %swap3A_463 = vector.shape_cast %select_n3A_459 : vector<16xi32> to vector<16xi32>
      tpu.vector_store %arg19[%swap3A_460], %swap3A_463 {strides = array<i32>} : memref<80xi32, #tpu.memory_space<vmem>>, vector<16xi32>,
      %get3A_464 = arith.constant 64 : index
      %get3A_465 = tpu.vector_load %arg17[%get3A_464] {strides = array<i32>} : memref<80xi32, #tpu.memory_space<vmem>>, vector<16xi32>,
      %get3A_466 = vector.shape_cast %get3A_465 : vector<16xi32> to vector<16xi32>
      %get3A_467 = arith.constant 64 : index
      %get3A_468 = tpu.vector_load %arg18[%get3A_467] {strides = array<i32>} : memref<80xi32, #tpu.memory_space<vmem>>, vector<16xi32>,
      %get3A_469 = vector.shape_cast %get3A_468 : vector<16xi32> to vector<16xi32>
      %eq3A_470 = arith.cmpi eq, %get3A_466, %get3A_469 : vector<16xi32>
      %jit3A_471 = arith.constant 10000 : i32
      %broadcast_in_dim3A_472 = vector.broadcast %jit3A_471 : i32 to vector<16xi32>
      %select_n3A_473 = arith.select %eq3A_470, %broadcast_in_dim3A_472, %get3A_469 : vector<16xi1>, vector<16xi32>
      %swap3A_474 = arith.constant 64 : index
      %swap3A_475 = tpu.vector_load %arg19[%swap3A_474] {strides = array<i32>} : memref<80xi32, #tpu.memory_space<vmem>>, vector<16xi32>,
      %swap3A_476 = vector.shape_cast %swap3A_475 : vector<16xi32> to vector<16xi32>
      %swap3A_477 = vector.shape_cast %select_n3A_473 : vector<16xi32> to vector<16xi32>
      tpu.vector_store %arg19[%swap3A_474], %swap3A_477 {strides = array<i32>} : memref<80xi32, #tpu.memory_space<vmem>>, vector<16xi32>,
      %dma_start3A_478 = tpu.memref_slice %arg6[%add3A_399] : memref<320000xi32, #tpu.memory_space<hbm>> -> memref<80xi32, #tpu.memory_space<hbm>>
      %dma_start3A_479 = tpu.memref_slice %arg6[%add3A_399] : memref<320000xi32, #tpu.memory_space<hbm>> -> memref<80xi32, #tpu.memory_space<hbm>>
      tpu.enqueue_dma source(%arg19 : memref<80xi32, #tpu.memory_space<vmem>>) target(%dma_start3A_479 : memref<80xi32, #tpu.memory_space<hbm>>) target_semaphore(%arg36 : memref<!tpu.dma_semaphore, #tpu.memory_space<semaphore_mem>>)
      %dma_start3A_480 = arith.constant 0 : i32
      %dma_start3A_481 = arith.constant 0 : i32
      %dma_start3A_482 = tpu.memref_slice %arg21[%dma_start3A_480, %dma_start3A_481] : memref<10240x128xf32, #tpu.memory_space<vmem_shared>> -> memref<10240x128xf32, #tpu.memory_space<vmem_shared>>
      tpu.enqueue_indirect_dma source(%arg20 : memref<80x128xf32, #tpu.memory_space<vmem>>) target(%dma_start3A_482 : memref<10240x128xf32, #tpu.memory_space<vmem_shared>>) offsets(%arg19 : memref<80xi32, #tpu.memory_space<vmem>>) semaphore(%arg37 : memref<!tpu.dma_semaphore, #tpu.memory_space<semaphore_mem>>) {add = true}
      %dma_wait3A_483 = arith.constant 0 : i32
      %dma_wait3A_484 = tpu.memref_slice %arg6[%dma_wait3A_483] : memref<320000xi32, #tpu.memory_space<hbm>> -> memref<80xi32, #tpu.memory_space<hbm>>
      %dma_wait3A_485 = arith.constant 0 : i32
      %dma_wait3A_486 = tpu.memref_slice %arg6[%dma_wait3A_485] : memref<320000xi32, #tpu.memory_space<hbm>> -> memref<80xi32, #tpu.memory_space<hbm>>
      tpu.wait_dma2 semaphore(%arg24 : memref<!tpu.dma_semaphore, #tpu.memory_space<semaphore_mem>>) src(%arg10 : memref<80xi32, #tpu.memory_space<vmem>>) dst(%dma_wait3A_486 : memref<80xi32, #tpu.memory_space<hbm>>)
      tpu.wait_dma2 semaphore(%arg25 : memref<!tpu.dma_semaphore, #tpu.memory_space<semaphore_mem>>) src(%arg5 : memref<80x128xf32, #tpu.memory_space<hbm>>) dst(%arg20 : memref<80x128xf32, #tpu.memory_space<vmem>>)
      %mul3A_487 = arith.constant 4 : i32
      %mul3A_488 = arith.muli %scan3A_122, %mul3A_487 : i32
      %add3A_489 = arith.constant 0 : i32
      %add3A_490 = arith.addi %mul3A_488, %add3A_489 : i32
      %add3A_491 = arith.constant 4 : i32
      %add3A_492 = arith.addi %add3A_490, %add3A_491 : i32
      %mul3A_493 = arith.constant 80 : i32
      %mul3A_494 = arith.muli %add3A_492, %mul3A_493 : i32
      %add3A_495 = arith.addi %mul3A_2, %mul3A_494 : i32
      %dma_start3A_496 = tpu.memref_slice %arg2[%add3A_495] : memref<320000xi32, #tpu.memory_space<hbm>> -> memref<80xi32, #tpu.memory_space<hbm>>
      %dma_start3A_497 = tpu.memref_slice %arg2[%add3A_495] : memref<320000xi32, #tpu.memory_space<hbm>> -> memref<80xi32, #tpu.memory_space<hbm>>
      tpu.enqueue_dma source(%dma_start3A_497 : memref<80xi32, #tpu.memory_space<hbm>>) target(%arg8 : memref<80xi32, #tpu.memory_space<vmem>>) target_semaphore(%arg22 : memref<!tpu.dma_semaphore, #tpu.memory_space<semaphore_mem>>)
      %dma_start3A_498 = tpu.memref_slice %arg3[%add3A_495] : memref<320000xi32, #tpu.memory_space<hbm>> -> memref<80xi32, #tpu.memory_space<hbm>>
      %dma_start3A_499 = tpu.memref_slice %arg3[%add3A_495] : memref<320000xi32, #tpu.memory_space<hbm>> -> memref<80xi32, #tpu.memory_space<hbm>>
      tpu.enqueue_dma source(%dma_start3A_499 : memref<80xi32, #tpu.memory_space<hbm>>) target(%arg9 : memref<80xi32, #tpu.memory_space<vmem>>) target_semaphore(%arg23 : memref<!tpu.dma_semaphore, #tpu.memory_space<semaphore_mem>>)
      %dma_wait3A_500 = arith.constant 0 : i32
      %dma_wait3A_501 = tpu.memref_slice %arg6[%dma_wait3A_500] : memref<320000xi32, #tpu.memory_space<hbm>> -> memref<80xi32, #tpu.memory_space<hbm>>
      %dma_wait3A_502 = arith.constant 0 : i32
      %dma_wait3A_503 = tpu.memref_slice %arg6[%dma_wait3A_502] : memref<320000xi32, #tpu.memory_space<hbm>> -> memref<80xi32, #tpu.memory_space<hbm>>
      tpu.wait_dma2 semaphore(%arg28 : memref<!tpu.dma_semaphore, #tpu.memory_space<semaphore_mem>>) src(%arg13 : memref<80xi32, #tpu.memory_space<vmem>>) dst(%dma_wait3A_503 : memref<80xi32, #tpu.memory_space<hbm>>)
      tpu.wait_dma2 semaphore(%arg29 : memref<!tpu.dma_semaphore, #tpu.memory_space<semaphore_mem>>) src(%arg5 : memref<80x128xf32, #tpu.memory_space<hbm>>) dst(%arg20 : memref<80x128xf32, #tpu.memory_space<vmem>>)
      %mul3A_504 = arith.constant 4 : i32
      %mul3A_505 = arith.muli %scan3A_122, %mul3A_504 : i32
      %add3A_506 = arith.constant 1 : i32
      %add3A_507 = arith.addi %mul3A_505, %add3A_506 : i32
      %add3A_508 = arith.constant 4 : i32
      %add3A_509 = arith.addi %add3A_507, %add3A_508 : i32
      %lt3A = arith.constant 125 : i32
      %lt3A_510 = arith.cmpi slt, %add3A_509, %lt3A : i32
      %convert_element_type3A = arith.extui %lt3A_510 : i1 to i32
      %cond3A = arith.constant 0 : i32
      %cond3A_511 = arith.cmpi ne, %convert_element_type3A, %cond3A : i32
      scf.if %cond3A_511 {
        %mul3A_542 = arith.constant 80 : i32
        %mul3A_543 = arith.muli %add3A_509, %mul3A_542 : i32
        %add3A_544 = arith.addi %mul3A_2, %mul3A_543 : i32
        %dma_start3A_545 = tpu.memref_slice %arg2[%add3A_544] : memref<320000xi32, #tpu.memory_space<hbm>> -> memref<80xi32, #tpu.memory_space<hbm>>
        %dma_start3A_546 = tpu.memref_slice %arg2[%add3A_544] : memref<320000xi32, #tpu.memory_space<hbm>> -> memref<80xi32, #tpu.memory_space<hbm>>
        tpu.enqueue_dma source(%dma_start3A_546 : memref<80xi32, #tpu.memory_space<hbm>>) target(%arg11 : memref<80xi32, #tpu.memory_space<vmem>>) target_semaphore(%arg26 : memref<!tpu.dma_semaphore, #tpu.memory_space<semaphore_mem>>)
        %dma_start3A_547 = tpu.memref_slice %arg3[%add3A_544] : memref<320000xi32, #tpu.memory_space<hbm>> -> memref<80xi32, #tpu.memory_space<hbm>>
        %dma_start3A_548 = tpu.memref_slice %arg3[%add3A_544] : memref<320000xi32, #tpu.memory_space<hbm>> -> memref<80xi32, #tpu.memory_space<hbm>>
        tpu.enqueue_dma source(%dma_start3A_548 : memref<80xi32, #tpu.memory_space<hbm>>) target(%arg12 : memref<80xi32, #tpu.memory_space<vmem>>) target_semaphore(%arg27 : memref<!tpu.dma_semaphore, #tpu.memory_space<semaphore_mem>>)
      } else {
      }
      %dma_wait3A_512 = arith.constant 0 : i32
      %dma_wait3A_513 = tpu.memref_slice %arg6[%dma_wait3A_512] : memref<320000xi32, #tpu.memory_space<hbm>> -> memref<80xi32, #tpu.memory_space<hbm>>
      %dma_wait3A_514 = arith.constant 0 : i32
      %dma_wait3A_515 = tpu.memref_slice %arg6[%dma_wait3A_514] : memref<320000xi32, #tpu.memory_space<hbm>> -> memref<80xi32, #tpu.memory_space<hbm>>
      tpu.wait_dma2 semaphore(%arg32 : memref<!tpu.dma_semaphore, #tpu.memory_space<semaphore_mem>>) src(%arg16 : memref<80xi32, #tpu.memory_space<vmem>>) dst(%dma_wait3A_515 : memref<80xi32, #tpu.memory_space<hbm>>)
      tpu.wait_dma2 semaphore(%arg33 : memref<!tpu.dma_semaphore, #tpu.memory_space<semaphore_mem>>) src(%arg5 : memref<80x128xf32, #tpu.memory_space<hbm>>) dst(%arg20 : memref<80x128xf32, #tpu.memory_space<vmem>>)
      %mul3A_516 = arith.constant 4 : i32
      %mul3A_517 = arith.muli %scan3A_122, %mul3A_516 : i32
      %add3A_518 = arith.constant 2 : i32
      %add3A_519 = arith.addi %mul3A_517, %add3A_518 : i32
      %add3A_520 = arith.constant 4 : i32
      %add3A_521 = arith.addi %add3A_519, %add3A_520 : i32
      %lt3A_522 = arith.constant 125 : i32
      %lt3A_523 = arith.cmpi slt, %add3A_521, %lt3A_522 : i32
      %convert_element_type3A_524 = arith.extui %lt3A_523 : i1 to i32
      %cond3A_525 = arith.constant 0 : i32
      %cond3A_526 = arith.cmpi ne, %convert_element_type3A_524, %cond3A_525 : i32
      scf.if %cond3A_526 {
        %mul3A_542 = arith.constant 80 : i32
        %mul3A_543 = arith.muli %add3A_521, %mul3A_542 : i32
        %add3A_544 = arith.addi %mul3A_2, %mul3A_543 : i32
        %dma_start3A_545 = tpu.memref_slice %arg2[%add3A_544] : memref<320000xi32, #tpu.memory_space<hbm>> -> memref<80xi32, #tpu.memory_space<hbm>>
        %dma_start3A_546 = tpu.memref_slice %arg2[%add3A_544] : memref<320000xi32, #tpu.memory_space<hbm>> -> memref<80xi32, #tpu.memory_space<hbm>>
        tpu.enqueue_dma source(%dma_start3A_546 : memref<80xi32, #tpu.memory_space<hbm>>) target(%arg14 : memref<80xi32, #tpu.memory_space<vmem>>) target_semaphore(%arg30 : memref<!tpu.dma_semaphore, #tpu.memory_space<semaphore_mem>>)
        %dma_start3A_547 = tpu.memref_slice %arg3[%add3A_544] : memref<320000xi32, #tpu.memory_space<hbm>> -> memref<80xi32, #tpu.memory_space<hbm>>
        %dma_start3A_548 = tpu.memref_slice %arg3[%add3A_544] : memref<320000xi32, #tpu.memory_space<hbm>> -> memref<80xi32, #tpu.memory_space<hbm>>
        tpu.enqueue_dma source(%dma_start3A_548 : memref<80xi32, #tpu.memory_space<hbm>>) target(%arg15 : memref<80xi32, #tpu.memory_space<vmem>>) target_semaphore(%arg31 : memref<!tpu.dma_semaphore, #tpu.memory_space<semaphore_mem>>)
      } else {
      }
      %dma_wait3A_527 = arith.constant 0 : i32
      %dma_wait3A_528 = tpu.memref_slice %arg6[%dma_wait3A_527] : memref<320000xi32, #tpu.memory_space<hbm>> -> memref<80xi32, #tpu.memory_space<hbm>>
      %dma_wait3A_529 = arith.constant 0 : i32
      %dma_wait3A_530 = tpu.memref_slice %arg6[%dma_wait3A_529] : memref<320000xi32, #tpu.memory_space<hbm>> -> memref<80xi32, #tpu.memory_space<hbm>>
      tpu.wait_dma2 semaphore(%arg36 : memref<!tpu.dma_semaphore, #tpu.memory_space<semaphore_mem>>) src(%arg19 : memref<80xi32, #tpu.memory_space<vmem>>) dst(%dma_wait3A_530 : memref<80xi32, #tpu.memory_space<hbm>>)
      tpu.wait_dma2 semaphore(%arg37 : memref<!tpu.dma_semaphore, #tpu.memory_space<semaphore_mem>>) src(%arg5 : memref<80x128xf32, #tpu.memory_space<hbm>>) dst(%arg20 : memref<80x128xf32, #tpu.memory_space<vmem>>)
      %mul3A_531 = arith.constant 4 : i32
      %mul3A_532 = arith.muli %scan3A_122, %mul3A_531 : i32
      %add3A_533 = arith.constant 3 : i32
      %add3A_534 = arith.addi %mul3A_532, %add3A_533 : i32
      %add3A_535 = arith.constant 4 : i32
      %add3A_536 = arith.addi %add3A_534, %add3A_535 : i32
      %lt3A_537 = arith.constant 125 : i32
      %lt3A_538 = arith.cmpi slt, %add3A_536, %lt3A_537 : i32
      %convert_element_type3A_539 = arith.extui %lt3A_538 : i1 to i32
      %cond3A_540 = arith.constant 0 : i32
      %cond3A_541 = arith.cmpi ne, %convert_element_type3A_539, %cond3A_540 : i32
      scf.if %cond3A_541 {
        %mul3A_542 = arith.constant 80 : i32
        %mul3A_543 = arith.muli %add3A_536, %mul3A_542 : i32
        %add3A_544 = arith.addi %mul3A_2, %mul3A_543 : i32
        %dma_start3A_545 = tpu.memref_slice %arg2[%add3A_544] : memref<320000xi32, #tpu.memory_space<hbm>> -> memref<80xi32, #tpu.memory_space<hbm>>
        %dma_start3A_546 = tpu.memref_slice %arg2[%add3A_544] : memref<320000xi32, #tpu.memory_space<hbm>> -> memref<80xi32, #tpu.memory_space<hbm>>
        tpu.enqueue_dma source(%dma_start3A_546 : memref<80xi32, #tpu.memory_space<hbm>>) target(%arg17 : memref<80xi32, #tpu.memory_space<vmem>>) target_semaphore(%arg34 : memref<!tpu.dma_semaphore, #tpu.memory_space<semaphore_mem>>)
        %dma_start3A_547 = tpu.memref_slice %arg3[%add3A_544] : memref<320000xi32, #tpu.memory_space<hbm>> -> memref<80xi32, #tpu.memory_space<hbm>>
        %dma_start3A_548 = tpu.memref_slice %arg3[%add3A_544] : memref<320000xi32, #tpu.memory_space<hbm>> -> memref<80xi32, #tpu.memory_space<hbm>>
        tpu.enqueue_dma source(%dma_start3A_548 : memref<80xi32, #tpu.memory_space<hbm>>) target(%arg18 : memref<80xi32, #tpu.memory_space<vmem>>) target_semaphore(%arg35 : memref<!tpu.dma_semaphore, #tpu.memory_space<semaphore_mem>>)
      } else {
      }
    }
    %scan3A_34 = arith.constant 31 : i32
    %add3A_35 = arith.constant 9920 : i32
    %add3A_36 = arith.addi %mul3A_2, %add3A_35 : i32
    %dma_wait3A = arith.constant 0 : i32
    %dma_wait3A_37 = tpu.memref_slice %arg2[%dma_wait3A] : memref<320000xi32, #tpu.memory_space<hbm>> -> memref<80xi32, #tpu.memory_space<hbm>>
    %dma_wait3A_38 = arith.constant 0 : i32
    %dma_wait3A_39 = tpu.memref_slice %arg2[%dma_wait3A_38] : memref<320000xi32, #tpu.memory_space<hbm>> -> memref<80xi32, #tpu.memory_space<hbm>>
    tpu.wait_dma2 semaphore(%arg22 : memref<!tpu.dma_semaphore, #tpu.memory_space<semaphore_mem>>) src(%dma_wait3A_39 : memref<80xi32, #tpu.memory_space<hbm>>) dst(%arg8 : memref<80xi32, #tpu.memory_space<vmem>>)
    %dma_wait3A_40 = arith.constant 0 : i32
    %dma_wait3A_41 = tpu.memref_slice %arg3[%dma_wait3A_40] : memref<320000xi32, #tpu.memory_space<hbm>> -> memref<80xi32, #tpu.memory_space<hbm>>
    %dma_wait3A_42 = arith.constant 0 : i32
    %dma_wait3A_43 = tpu.memref_slice %arg3[%dma_wait3A_42] : memref<320000xi32, #tpu.memory_space<hbm>> -> memref<80xi32, #tpu.memory_space<hbm>>
    tpu.wait_dma2 semaphore(%arg23 : memref<!tpu.dma_semaphore, #tpu.memory_space<semaphore_mem>>) src(%dma_wait3A_43 : memref<80xi32, #tpu.memory_space<hbm>>) dst(%arg9 : memref<80xi32, #tpu.memory_space<vmem>>)
    %get3A = arith.constant 0 : index
    %get3A_44 = tpu.vector_load %arg8[%get3A] {strides = array<i32>} : memref<80xi32, #tpu.memory_space<vmem>>, vector<16xi32>,
    %get3A_45 = vector.shape_cast %get3A_44 : vector<16xi32> to vector<16xi32>
    %get3A_46 = arith.constant 0 : index
    %get3A_47 = tpu.vector_load %arg9[%get3A_46] {strides = array<i32>} : memref<80xi32, #tpu.memory_space<vmem>>, vector<16xi32>,
    %get3A_48 = vector.shape_cast %get3A_47 : vector<16xi32> to vector<16xi32>
    %eq3A = arith.cmpi eq, %get3A_45, %get3A_48 : vector<16xi32>
    %jit3A = arith.constant 10000 : i32
    %broadcast_in_dim3A = vector.broadcast %jit3A : i32 to vector<16xi32>
    %select_n3A = arith.select %eq3A, %broadcast_in_dim3A, %get3A_48 : vector<16xi1>, vector<16xi32>
    %swap3A = arith.constant 0 : index
    %swap3A_49 = tpu.vector_load %arg10[%swap3A] {strides = array<i32>} : memref<80xi32, #tpu.memory_space<vmem>>, vector<16xi32>,
    %swap3A_50 = vector.shape_cast %swap3A_49 : vector<16xi32> to vector<16xi32>
    %swap3A_51 = vector.shape_cast %select_n3A : vector<16xi32> to vector<16xi32>
    tpu.vector_store %arg10[%swap3A], %swap3A_51 {strides = array<i32>} : memref<80xi32, #tpu.memory_space<vmem>>, vector<16xi32>,
    %get3A_52 = arith.constant 16 : index
    %get3A_53 = tpu.vector_load %arg8[%get3A_52] {strides = array<i32>} : memref<80xi32, #tpu.memory_space<vmem>>, vector<16xi32>,
    %get3A_54 = vector.shape_cast %get3A_53 : vector<16xi32> to vector<16xi32>
    %get3A_55 = arith.constant 16 : index
    %get3A_56 = tpu.vector_load %arg9[%get3A_55] {strides = array<i32>} : memref<80xi32, #tpu.memory_space<vmem>>, vector<16xi32>,
    %get3A_57 = vector.shape_cast %get3A_56 : vector<16xi32> to vector<16xi32>
    %eq3A_58 = arith.cmpi eq, %get3A_54, %get3A_57 : vector<16xi32>
    %jit3A_59 = arith.constant 10000 : i32
    %broadcast_in_dim3A_60 = vector.broadcast %jit3A_59 : i32 to vector<16xi32>
    %select_n3A_61 = arith.select %eq3A_58, %broadcast_in_dim3A_60, %get3A_57 : vector<16xi1>, vector<16xi32>
    %swap3A_62 = arith.constant 16 : index
    %swap3A_63 = tpu.vector_load %arg10[%swap3A_62] {strides = array<i32>} : memref<80xi32, #tpu.memory_space<vmem>>, vector<16xi32>,
    %swap3A_64 = vector.shape_cast %swap3A_63 : vector<16xi32> to vector<16xi32>
    %swap3A_65 = vector.shape_cast %select_n3A_61 : vector<16xi32> to vector<16xi32>
    tpu.vector_store %arg10[%swap3A_62], %swap3A_65 {strides = array<i32>} : memref<80xi32, #tpu.memory_space<vmem>>, vector<16xi32>,
    %get3A_66 = arith.constant 32 : index
    %get3A_67 = tpu.vector_load %arg8[%get3A_66] {strides = array<i32>} : memref<80xi32, #tpu.memory_space<vmem>>, vector<16xi32>,
    %get3A_68 = vector.shape_cast %get3A_67 : vector<16xi32> to vector<16xi32>
    %get3A_69 = arith.constant 32 : index
    %get3A_70 = tpu.vector_load %arg9[%get3A_69] {strides = array<i32>} : memref<80xi32, #tpu.memory_space<vmem>>, vector<16xi32>,
    %get3A_71 = vector.shape_cast %get3A_70 : vector<16xi32> to vector<16xi32>
    %eq3A_72 = arith.cmpi eq, %get3A_68, %get3A_71 : vector<16xi32>
    %jit3A_73 = arith.constant 10000 : i32
    %broadcast_in_dim3A_74 = vector.broadcast %jit3A_73 : i32 to vector<16xi32>
    %select_n3A_75 = arith.select %eq3A_72, %broadcast_in_dim3A_74, %get3A_71 : vector<16xi1>, vector<16xi32>
    %swap3A_76 = arith.constant 32 : index
    %swap3A_77 = tpu.vector_load %arg10[%swap3A_76] {strides = array<i32>} : memref<80xi32, #tpu.memory_space<vmem>>, vector<16xi32>,
    %swap3A_78 = vector.shape_cast %swap3A_77 : vector<16xi32> to vector<16xi32>
    %swap3A_79 = vector.shape_cast %select_n3A_75 : vector<16xi32> to vector<16xi32>
    tpu.vector_store %arg10[%swap3A_76], %swap3A_79 {strides = array<i32>} : memref<80xi32, #tpu.memory_space<vmem>>, vector<16xi32>,
    %get3A_80 = arith.constant 48 : index
    %get3A_81 = tpu.vector_load %arg8[%get3A_80] {strides = array<i32>} : memref<80xi32, #tpu.memory_space<vmem>>, vector<16xi32>,
    %get3A_82 = vector.shape_cast %get3A_81 : vector<16xi32> to vector<16xi32>
    %get3A_83 = arith.constant 48 : index
    %get3A_84 = tpu.vector_load %arg9[%get3A_83] {strides = array<i32>} : memref<80xi32, #tpu.memory_space<vmem>>, vector<16xi32>,
    %get3A_85 = vector.shape_cast %get3A_84 : vector<16xi32> to vector<16xi32>
    %eq3A_86 = arith.cmpi eq, %get3A_82, %get3A_85 : vector<16xi32>
    %jit3A_87 = arith.constant 10000 : i32
    %broadcast_in_dim3A_88 = vector.broadcast %jit3A_87 : i32 to vector<16xi32>
    %select_n3A_89 = arith.select %eq3A_86, %broadcast_in_dim3A_88, %get3A_85 : vector<16xi1>, vector<16xi32>
    %swap3A_90 = arith.constant 48 : index
    %swap3A_91 = tpu.vector_load %arg10[%swap3A_90] {strides = array<i32>} : memref<80xi32, #tpu.memory_space<vmem>>, vector<16xi32>,
    %swap3A_92 = vector.shape_cast %swap3A_91 : vector<16xi32> to vector<16xi32>
    %swap3A_93 = vector.shape_cast %select_n3A_89 : vector<16xi32> to vector<16xi32>
    tpu.vector_store %arg10[%swap3A_90], %swap3A_93 {strides = array<i32>} : memref<80xi32, #tpu.memory_space<vmem>>, vector<16xi32>,
    %get3A_94 = arith.constant 64 : index
    %get3A_95 = tpu.vector_load %arg8[%get3A_94] {strides = array<i32>} : memref<80xi32, #tpu.memory_space<vmem>>, vector<16xi32>,
    %get3A_96 = vector.shape_cast %get3A_95 : vector<16xi32> to vector<16xi32>
    %get3A_97 = arith.constant 64 : index
    %get3A_98 = tpu.vector_load %arg9[%get3A_97] {strides = array<i32>} : memref<80xi32, #tpu.memory_space<vmem>>, vector<16xi32>,
    %get3A_99 = vector.shape_cast %get3A_98 : vector<16xi32> to vector<16xi32>
    %eq3A_100 = arith.cmpi eq, %get3A_96, %get3A_99 : vector<16xi32>
    %jit3A_101 = arith.constant 10000 : i32
    %broadcast_in_dim3A_102 = vector.broadcast %jit3A_101 : i32 to vector<16xi32>
    %select_n3A_103 = arith.select %eq3A_100, %broadcast_in_dim3A_102, %get3A_99 : vector<16xi1>, vector<16xi32>
    %swap3A_104 = arith.constant 64 : index
    %swap3A_105 = tpu.vector_load %arg10[%swap3A_104] {strides = array<i32>} : memref<80xi32, #tpu.memory_space<vmem>>, vector<16xi32>,
    %swap3A_106 = vector.shape_cast %swap3A_105 : vector<16xi32> to vector<16xi32>
    %swap3A_107 = vector.shape_cast %select_n3A_103 : vector<16xi32> to vector<16xi32>
    tpu.vector_store %arg10[%swap3A_104], %swap3A_107 {strides = array<i32>} : memref<80xi32, #tpu.memory_space<vmem>>, vector<16xi32>,
    %dma_start3A_108 = tpu.memref_slice %arg6[%add3A_36] : memref<320000xi32, #tpu.memory_space<hbm>> -> memref<80xi32, #tpu.memory_space<hbm>>
    %dma_start3A_109 = tpu.memref_slice %arg6[%add3A_36] : memref<320000xi32, #tpu.memory_space<hbm>> -> memref<80xi32, #tpu.memory_space<hbm>>
    tpu.enqueue_dma source(%arg10 : memref<80xi32, #tpu.memory_space<vmem>>) target(%dma_start3A_109 : memref<80xi32, #tpu.memory_space<hbm>>) target_semaphore(%arg24 : memref<!tpu.dma_semaphore, #tpu.memory_space<semaphore_mem>>)
    %dma_start3A_110 = arith.constant 0 : i32
    %dma_start3A_111 = arith.constant 0 : i32
    %dma_start3A_112 = tpu.memref_slice %arg21[%dma_start3A_110, %dma_start3A_111] : memref<10240x128xf32, #tpu.memory_space<vmem_shared>> -> memref<10240x128xf32, #tpu.memory_space<vmem_shared>>
    tpu.enqueue_indirect_dma source(%arg20 : memref<80x128xf32, #tpu.memory_space<vmem>>) target(%dma_start3A_112 : memref<10240x128xf32, #tpu.memory_space<vmem_shared>>) offsets(%arg10 : memref<80xi32, #tpu.memory_space<vmem>>) semaphore(%arg25 : memref<!tpu.dma_semaphore, #tpu.memory_space<semaphore_mem>>) {add = true}
    %dma_wait3A_113 = arith.constant 0 : i32
    %dma_wait3A_114 = tpu.memref_slice %arg6[%dma_wait3A_113] : memref<320000xi32, #tpu.memory_space<hbm>> -> memref<80xi32, #tpu.memory_space<hbm>>
    %dma_wait3A_115 = arith.constant 0 : i32
    %dma_wait3A_116 = tpu.memref_slice %arg6[%dma_wait3A_115] : memref<320000xi32, #tpu.memory_space<hbm>> -> memref<80xi32, #tpu.memory_space<hbm>>
    tpu.wait_dma2 semaphore(%arg24 : memref<!tpu.dma_semaphore, #tpu.memory_space<semaphore_mem>>) src(%arg10 : memref<80xi32, #tpu.memory_space<vmem>>) dst(%dma_wait3A_116 : memref<80xi32, #tpu.memory_space<hbm>>)
    tpu.wait_dma2 semaphore(%arg25 : memref<!tpu.dma_semaphore, #tpu.memory_space<semaphore_mem>>) src(%arg5 : memref<80x128xf32, #tpu.memory_space<hbm>>) dst(%arg20 : memref<80x128xf32, #tpu.memory_space<vmem>>)
    %barrier3A_117 = arith.constant 0 : index
    tpu.barrier barrier_id(%barrier3A_117)
    %mul3A_118 = arith.constant 640 : i32
    %mul3A_119 = arith.muli %arg1, %mul3A_118 : i32
    %mul3A_120 = arith.constant 640 : i32
    %mul3A_121 = arith.muli %arg1, %mul3A_120 : i32
    "tpu.region"() ({
      %run_scoped3A = tpu.sem_alloc : memref<!tpu.dma_semaphore, #tpu.memory_space<semaphore_mem>>
      %dma_start3A_122 = arith.constant 0 : i32
      %dma_start3A_123 = tpu.memref_slice %arg7[%arg0, %mul3A_121, %dma_start3A_122] : memref<2x10240x128xf32, #tpu.memory_space<hbm>> -> memref<1x640x128xf32, #tpu.memory_space<hbm>>
      %dma_start3A_124 = tpu.memref_squeeze %dma_start3A_123 : memref<1x640x128xf32, #tpu.memory_space<hbm>> -> memref<640x128xf32, #tpu.memory_space<hbm>>
      %dma_start3A_125 = arith.constant 0 : i32
      %dma_start3A_126 = tpu.memref_slice %arg21[%mul3A_119, %dma_start3A_125] : memref<10240x128xf32, #tpu.memory_space<vmem_shared>> -> memref<640x128xf32, #tpu.memory_space<vmem_shared>>
      tpu.enqueue_dma source(%dma_start3A_126 : memref<640x128xf32, #tpu.memory_space<vmem_shared>>) target(%dma_start3A_124 : memref<640x128xf32, #tpu.memory_space<hbm>>) target_semaphore(%run_scoped3A : memref<!tpu.dma_semaphore, #tpu.memory_space<semaphore_mem>>)
      %dma_wait3A_127 = arith.constant 0 : i32
      %dma_wait3A_128 = tpu.memref_slice %arg7[%arg0, %mul3A_121, %dma_wait3A_127] : memref<2x10240x128xf32, #tpu.memory_space<hbm>> -> memref<1x640x128xf32, #tpu.memory_space<hbm>>
      %dma_wait3A_129 = tpu.memref_squeeze %dma_wait3A_128 : memref<1x640x128xf32, #tpu.memory_space<hbm>> -> memref<640x128xf32, #tpu.memory_space<hbm>>
      %dma_wait3A_130 = arith.constant 0 : i32
      %dma_wait3A_131 = tpu.memref_slice %arg21[%mul3A_119, %dma_wait3A_130] : memref<10240x128xf32, #tpu.memory_space<vmem_shared>> -> memref<640x128xf32, #tpu.memory_space<vmem_shared>>
      tpu.wait_dma2 semaphore(%run_scoped3A : memref<!tpu.dma_semaphore, #tpu.memory_space<semaphore_mem>>) src(%dma_wait3A_131 : memref<640x128xf32, #tpu.memory_space<vmem_shared>>) dst(%dma_wait3A_129 : memref<640x128xf32, #tpu.memory_space<hbm>>)
      tpu.yield
    }) : () -> ()
    return
  }
}

#map = affine_map<(d0, d1) -> (0, 0)>
#map1 = affine_map<(d0, d1) -> (0)>
#map2 = affine_map<(d0, d1) -> (0, 0, 0)>
module attributes {stable_mosaic.version = 14 : i64} {
  func.func @k(%arg0: i32, %arg1: i32, %arg2: memref<10000x64xf32, #tpu.memory_space<hbm>>, %arg3: memref<320000xi32, #tpu.memory_space<hbm>>, %arg4: memref<320000xi32, #tpu.memory_space<hbm>>, %arg5: memref<10240x64xf32, #tpu.memory_space<hbm>>, %arg6: memref<2x10240x64xf32, #tpu.memory_space<hbm>>, %arg7: memref<80xi32, #tpu.memory_space<vmem>>, %arg8: memref<80xi32, #tpu.memory_space<vmem>>, %arg9: memref<80xi32, #tpu.memory_space<vmem>>, %arg10: memref<80xi32, #tpu.memory_space<vmem>>, %arg11: memref<80xi32, #tpu.memory_space<vmem>>, %arg12: memref<80xi32, #tpu.memory_space<vmem>>, %arg13: memref<80xi32, #tpu.memory_space<vmem>>, %arg14: memref<80xi32, #tpu.memory_space<vmem>>, %arg15: memref<80x64xf32, #tpu.memory_space<vmem>>, %arg16: memref<80x64xf32, #tpu.memory_space<vmem>>, %arg17: memref<80x64xf32, #tpu.memory_space<vmem>>, %arg18: memref<80x64xf32, #tpu.memory_space<vmem>>, %arg19: memref<10240x64xf32, #tpu.memory_space<vmem_shared>>, %arg20: memref<!tpu.dma_semaphore, #tpu.memory_space<semaphore_mem>>, %arg21: memref<!tpu.dma_semaphore, #tpu.memory_space<semaphore_mem>>, %arg22: memref<!tpu.dma_semaphore, #tpu.memory_space<semaphore_mem>>, %arg23: memref<!tpu.dma_semaphore, #tpu.memory_space<semaphore_mem>>, %arg24: memref<!tpu.dma_semaphore, #tpu.memory_space<semaphore_mem>>, %arg25: memref<!tpu.dma_semaphore, #tpu.memory_space<semaphore_mem>>, %arg26: memref<!tpu.dma_semaphore, #tpu.memory_space<semaphore_mem>>, %arg27: memref<!tpu.dma_semaphore, #tpu.memory_space<semaphore_mem>>, %arg28: memref<!tpu.dma_semaphore, #tpu.memory_space<semaphore_mem>>, %arg29: memref<!tpu.dma_semaphore, #tpu.memory_space<semaphore_mem>>, %arg30: memref<!tpu.dma_semaphore, #tpu.memory_space<semaphore_mem>>, %arg31: memref<!tpu.dma_semaphore, #tpu.memory_space<semaphore_mem>>, %arg32: memref<!tpu.dma_semaphore, #tpu.memory_space<semaphore_mem>>, %arg33: memref<!tpu.dma_semaphore, #tpu.memory_space<semaphore_mem>>, %arg34: memref<!tpu.dma_semaphore, #tpu.memory_space<semaphore_mem>>, %arg35: memref<!tpu.dma_semaphore, #tpu.memory_space<semaphore_mem>>) attributes {dimension_semantics = [#tpu.dimension_semantics<core_parallel>, #tpu.dimension_semantics<subcore_parallel>], iteration_bounds = array<i64: 2, 16>, scalar_prefetch = 0 : i64, scratch_operands = 29 : i64, tpu.core_type = #tpu.core_type<sc_vector_subcore>, window_params = [{transform_indices = #map}, {transform_indices = #map1}, {transform_indices = #map1}, {transform_indices = #map}, {transform_indices = #map2}]} {
    %mul3A = arith.constant 16 : i32
    %mul3A_0 = arith.muli %arg0, %mul3A : i32
    %add3A = arith.addi %mul3A_0, %arg1 : i32
    %mul3A_1 = arith.constant 10000 : i32
    %mul3A_2 = arith.muli %add3A, %mul3A_1 : i32
    %add3A_3 = arith.constant 0 : i32
    %add3A_4 = arith.addi %mul3A_2, %add3A_3 : i32
    %dma_start3A = tpu.memref_slice %arg3[%add3A_4] : memref<320000xi32, #tpu.memory_space<hbm>> -> memref<80xi32, #tpu.memory_space<hbm>>
    %dma_start3A_5 = tpu.memref_slice %arg3[%add3A_4] : memref<320000xi32, #tpu.memory_space<hbm>> -> memref<80xi32, #tpu.memory_space<hbm>>
    tpu.enqueue_dma source(%dma_start3A_5 : memref<80xi32, #tpu.memory_space<hbm>>) target(%arg7 : memref<80xi32, #tpu.memory_space<vmem>>) target_semaphore(%arg20 : memref<!tpu.dma_semaphore, #tpu.memory_space<semaphore_mem>>)
    %dma_start3A_6 = tpu.memref_slice %arg4[%add3A_4] : memref<320000xi32, #tpu.memory_space<hbm>> -> memref<80xi32, #tpu.memory_space<hbm>>
    %dma_start3A_7 = tpu.memref_slice %arg4[%add3A_4] : memref<320000xi32, #tpu.memory_space<hbm>> -> memref<80xi32, #tpu.memory_space<hbm>>
    tpu.enqueue_dma source(%dma_start3A_7 : memref<80xi32, #tpu.memory_space<hbm>>) target(%arg8 : memref<80xi32, #tpu.memory_space<vmem>>) target_semaphore(%arg21 : memref<!tpu.dma_semaphore, #tpu.memory_space<semaphore_mem>>)
    %add3A_8 = arith.constant 80 : i32
    %add3A_9 = arith.addi %mul3A_2, %add3A_8 : i32
    %dma_start3A_10 = tpu.memref_slice %arg3[%add3A_9] : memref<320000xi32, #tpu.memory_space<hbm>> -> memref<80xi32, #tpu.memory_space<hbm>>
    %dma_start3A_11 = tpu.memref_slice %arg3[%add3A_9] : memref<320000xi32, #tpu.memory_space<hbm>> -> memref<80xi32, #tpu.memory_space<hbm>>
    tpu.enqueue_dma source(%dma_start3A_11 : memref<80xi32, #tpu.memory_space<hbm>>) target(%arg9 : memref<80xi32, #tpu.memory_space<vmem>>) target_semaphore(%arg24 : memref<!tpu.dma_semaphore, #tpu.memory_space<semaphore_mem>>)
    %dma_start3A_12 = tpu.memref_slice %arg4[%add3A_9] : memref<320000xi32, #tpu.memory_space<hbm>> -> memref<80xi32, #tpu.memory_space<hbm>>
    %dma_start3A_13 = tpu.memref_slice %arg4[%add3A_9] : memref<320000xi32, #tpu.memory_space<hbm>> -> memref<80xi32, #tpu.memory_space<hbm>>
    tpu.enqueue_dma source(%dma_start3A_13 : memref<80xi32, #tpu.memory_space<hbm>>) target(%arg10 : memref<80xi32, #tpu.memory_space<vmem>>) target_semaphore(%arg25 : memref<!tpu.dma_semaphore, #tpu.memory_space<semaphore_mem>>)
    %add3A_14 = arith.constant 160 : i32
    %add3A_15 = arith.addi %mul3A_2, %add3A_14 : i32
    %dma_start3A_16 = tpu.memref_slice %arg3[%add3A_15] : memref<320000xi32, #tpu.memory_space<hbm>> -> memref<80xi32, #tpu.memory_space<hbm>>
    %dma_start3A_17 = tpu.memref_slice %arg3[%add3A_15] : memref<320000xi32, #tpu.memory_space<hbm>> -> memref<80xi32, #tpu.memory_space<hbm>>
    tpu.enqueue_dma source(%dma_start3A_17 : memref<80xi32, #tpu.memory_space<hbm>>) target(%arg11 : memref<80xi32, #tpu.memory_space<vmem>>) target_semaphore(%arg28 : memref<!tpu.dma_semaphore, #tpu.memory_space<semaphore_mem>>)
    %dma_start3A_18 = tpu.memref_slice %arg4[%add3A_15] : memref<320000xi32, #tpu.memory_space<hbm>> -> memref<80xi32, #tpu.memory_space<hbm>>
    %dma_start3A_19 = tpu.memref_slice %arg4[%add3A_15] : memref<320000xi32, #tpu.memory_space<hbm>> -> memref<80xi32, #tpu.memory_space<hbm>>
    tpu.enqueue_dma source(%dma_start3A_19 : memref<80xi32, #tpu.memory_space<hbm>>) target(%arg12 : memref<80xi32, #tpu.memory_space<vmem>>) target_semaphore(%arg29 : memref<!tpu.dma_semaphore, #tpu.memory_space<semaphore_mem>>)
    %add3A_20 = arith.constant 240 : i32
    %add3A_21 = arith.addi %mul3A_2, %add3A_20 : i32
    %dma_start3A_22 = tpu.memref_slice %arg3[%add3A_21] : memref<320000xi32, #tpu.memory_space<hbm>> -> memref<80xi32, #tpu.memory_space<hbm>>
    %dma_start3A_23 = tpu.memref_slice %arg3[%add3A_21] : memref<320000xi32, #tpu.memory_space<hbm>> -> memref<80xi32, #tpu.memory_space<hbm>>
    tpu.enqueue_dma source(%dma_start3A_23 : memref<80xi32, #tpu.memory_space<hbm>>) target(%arg13 : memref<80xi32, #tpu.memory_space<vmem>>) target_semaphore(%arg32 : memref<!tpu.dma_semaphore, #tpu.memory_space<semaphore_mem>>)
    %dma_start3A_24 = tpu.memref_slice %arg4[%add3A_21] : memref<320000xi32, #tpu.memory_space<hbm>> -> memref<80xi32, #tpu.memory_space<hbm>>
    %dma_start3A_25 = tpu.memref_slice %arg4[%add3A_21] : memref<320000xi32, #tpu.memory_space<hbm>> -> memref<80xi32, #tpu.memory_space<hbm>>
    tpu.enqueue_dma source(%dma_start3A_25 : memref<80xi32, #tpu.memory_space<hbm>>) target(%arg14 : memref<80xi32, #tpu.memory_space<vmem>>) target_semaphore(%arg33 : memref<!tpu.dma_semaphore, #tpu.memory_space<semaphore_mem>>)
    %dma_wait3A = arith.constant 0 : i32
    %dma_wait3A_26 = tpu.memref_slice %arg3[%dma_wait3A] : memref<320000xi32, #tpu.memory_space<hbm>> -> memref<80xi32, #tpu.memory_space<hbm>>
    %dma_wait3A_27 = arith.constant 0 : i32
    %dma_wait3A_28 = tpu.memref_slice %arg3[%dma_wait3A_27] : memref<320000xi32, #tpu.memory_space<hbm>> -> memref<80xi32, #tpu.memory_space<hbm>>
    tpu.wait_dma2 semaphore(%arg20 : memref<!tpu.dma_semaphore, #tpu.memory_space<semaphore_mem>>) src(%dma_wait3A_28 : memref<80xi32, #tpu.memory_space<hbm>>) dst(%arg7 : memref<80xi32, #tpu.memory_space<vmem>>)
    %dma_start3A_29 = arith.constant 0 : i32
    %dma_start3A_30 = arith.constant 0 : i32
    %dma_start3A_31 = tpu.memref_slice %arg2[%dma_start3A_29, %dma_start3A_30] : memref<10000x64xf32, #tpu.memory_space<hbm>> -> memref<10000x64xf32, #tpu.memory_space<hbm>>
    tpu.enqueue_indirect_dma source(%dma_start3A_31 : memref<10000x64xf32, #tpu.memory_space<hbm>>) target(%arg15 : memref<80x64xf32, #tpu.memory_space<vmem>>) offsets(%arg7 : memref<80xi32, #tpu.memory_space<vmem>>) semaphore(%arg22 : memref<!tpu.dma_semaphore, #tpu.memory_space<semaphore_mem>>)
    %dma_wait3A_32 = arith.constant 0 : i32
    %dma_wait3A_33 = tpu.memref_slice %arg3[%dma_wait3A_32] : memref<320000xi32, #tpu.memory_space<hbm>> -> memref<80xi32, #tpu.memory_space<hbm>>
    %dma_wait3A_34 = arith.constant 0 : i32
    %dma_wait3A_35 = tpu.memref_slice %arg3[%dma_wait3A_34] : memref<320000xi32, #tpu.memory_space<hbm>> -> memref<80xi32, #tpu.memory_space<hbm>>
    tpu.wait_dma2 semaphore(%arg24 : memref<!tpu.dma_semaphore, #tpu.memory_space<semaphore_mem>>) src(%dma_wait3A_35 : memref<80xi32, #tpu.memory_space<hbm>>) dst(%arg9 : memref<80xi32, #tpu.memory_space<vmem>>)
    %dma_start3A_36 = arith.constant 0 : i32
    %dma_start3A_37 = arith.constant 0 : i32
    %dma_start3A_38 = tpu.memref_slice %arg2[%dma_start3A_36, %dma_start3A_37] : memref<10000x64xf32, #tpu.memory_space<hbm>> -> memref<10000x64xf32, #tpu.memory_space<hbm>>
    tpu.enqueue_indirect_dma source(%dma_start3A_38 : memref<10000x64xf32, #tpu.memory_space<hbm>>) target(%arg16 : memref<80x64xf32, #tpu.memory_space<vmem>>) offsets(%arg9 : memref<80xi32, #tpu.memory_space<vmem>>) semaphore(%arg26 : memref<!tpu.dma_semaphore, #tpu.memory_space<semaphore_mem>>)
    %dma_wait3A_39 = arith.constant 0 : i32
    %dma_wait3A_40 = tpu.memref_slice %arg3[%dma_wait3A_39] : memref<320000xi32, #tpu.memory_space<hbm>> -> memref<80xi32, #tpu.memory_space<hbm>>
    %dma_wait3A_41 = arith.constant 0 : i32
    %dma_wait3A_42 = tpu.memref_slice %arg3[%dma_wait3A_41] : memref<320000xi32, #tpu.memory_space<hbm>> -> memref<80xi32, #tpu.memory_space<hbm>>
    tpu.wait_dma2 semaphore(%arg28 : memref<!tpu.dma_semaphore, #tpu.memory_space<semaphore_mem>>) src(%dma_wait3A_42 : memref<80xi32, #tpu.memory_space<hbm>>) dst(%arg11 : memref<80xi32, #tpu.memory_space<vmem>>)
    %dma_start3A_43 = arith.constant 0 : i32
    %dma_start3A_44 = arith.constant 0 : i32
    %dma_start3A_45 = tpu.memref_slice %arg2[%dma_start3A_43, %dma_start3A_44] : memref<10000x64xf32, #tpu.memory_space<hbm>> -> memref<10000x64xf32, #tpu.memory_space<hbm>>
    tpu.enqueue_indirect_dma source(%dma_start3A_45 : memref<10000x64xf32, #tpu.memory_space<hbm>>) target(%arg17 : memref<80x64xf32, #tpu.memory_space<vmem>>) offsets(%arg11 : memref<80xi32, #tpu.memory_space<vmem>>) semaphore(%arg30 : memref<!tpu.dma_semaphore, #tpu.memory_space<semaphore_mem>>)
    %dma_wait3A_46 = arith.constant 0 : i32
    %dma_wait3A_47 = tpu.memref_slice %arg3[%dma_wait3A_46] : memref<320000xi32, #tpu.memory_space<hbm>> -> memref<80xi32, #tpu.memory_space<hbm>>
    %dma_wait3A_48 = arith.constant 0 : i32
    %dma_wait3A_49 = tpu.memref_slice %arg3[%dma_wait3A_48] : memref<320000xi32, #tpu.memory_space<hbm>> -> memref<80xi32, #tpu.memory_space<hbm>>
    tpu.wait_dma2 semaphore(%arg32 : memref<!tpu.dma_semaphore, #tpu.memory_space<semaphore_mem>>) src(%dma_wait3A_49 : memref<80xi32, #tpu.memory_space<hbm>>) dst(%arg13 : memref<80xi32, #tpu.memory_space<vmem>>)
    %dma_start3A_50 = arith.constant 0 : i32
    %dma_start3A_51 = arith.constant 0 : i32
    %dma_start3A_52 = tpu.memref_slice %arg2[%dma_start3A_50, %dma_start3A_51] : memref<10000x64xf32, #tpu.memory_space<hbm>> -> memref<10000x64xf32, #tpu.memory_space<hbm>>
    tpu.enqueue_indirect_dma source(%dma_start3A_52 : memref<10000x64xf32, #tpu.memory_space<hbm>>) target(%arg18 : memref<80x64xf32, #tpu.memory_space<vmem>>) offsets(%arg13 : memref<80xi32, #tpu.memory_space<vmem>>) semaphore(%arg34 : memref<!tpu.dma_semaphore, #tpu.memory_space<semaphore_mem>>)
    %mul3A_53 = arith.constant 640 : i32
    %mul3A_54 = arith.muli %arg1, %mul3A_53 : i32
    %mul3A_55 = arith.constant 640 : i32
    %mul3A_56 = arith.muli %arg1, %mul3A_55 : i32
    "tpu.region"() ({
      %run_scoped3A = tpu.sem_alloc : memref<!tpu.dma_semaphore, #tpu.memory_space<semaphore_mem>>
      %dma_start3A_86 = arith.constant 0 : i32
      %dma_start3A_87 = tpu.memref_slice %arg19[%mul3A_56, %dma_start3A_86] : memref<10240x64xf32, #tpu.memory_space<vmem_shared>> -> memref<640x64xf32, #tpu.memory_space<vmem_shared>>
      %dma_start3A_88 = arith.constant 0 : i32
      %dma_start3A_89 = tpu.memref_slice %arg5[%mul3A_54, %dma_start3A_88] : memref<10240x64xf32, #tpu.memory_space<hbm>> -> memref<640x64xf32, #tpu.memory_space<hbm>>
      tpu.enqueue_dma source(%dma_start3A_89 : memref<640x64xf32, #tpu.memory_space<hbm>>) target(%dma_start3A_87 : memref<640x64xf32, #tpu.memory_space<vmem_shared>>) target_semaphore(%run_scoped3A : memref<!tpu.dma_semaphore, #tpu.memory_space<semaphore_mem>>)
      %dma_wait3A_90 = arith.constant 0 : i32
      %dma_wait3A_91 = tpu.memref_slice %arg19[%mul3A_56, %dma_wait3A_90] : memref<10240x64xf32, #tpu.memory_space<vmem_shared>> -> memref<640x64xf32, #tpu.memory_space<vmem_shared>>
      %dma_wait3A_92 = arith.constant 0 : i32
      %dma_wait3A_93 = tpu.memref_slice %arg5[%mul3A_54, %dma_wait3A_92] : memref<10240x64xf32, #tpu.memory_space<hbm>> -> memref<640x64xf32, #tpu.memory_space<hbm>>
      tpu.wait_dma2 semaphore(%run_scoped3A : memref<!tpu.dma_semaphore, #tpu.memory_space<semaphore_mem>>) src(%dma_wait3A_93 : memref<640x64xf32, #tpu.memory_space<hbm>>) dst(%dma_wait3A_91 : memref<640x64xf32, #tpu.memory_space<vmem_shared>>)
      tpu.yield
    }) : () -> ()
    %barrier3A = arith.constant 0 : index
    tpu.barrier barrier_id(%barrier3A)
    %scan3A = arith.constant 0 : i32
    %scan3A_57 = arith.constant 0 : i32
    %scan3A_58 = arith.constant 31 : i32
    %scan3A_59 = arith.addi %scan3A_57, %scan3A_58 : i32
    %scan3A_60 = arith.constant 1 : i32
    scf.for %scan3A_86 = %scan3A_57 to %scan3A_59 step %scan3A_60  : i32 {
      %dma_wait3A_87 = arith.constant 0 : i32
      %dma_wait3A_88 = arith.constant 0 : i32
      %dma_wait3A_89 = tpu.memref_slice %arg2[%dma_wait3A_87, %dma_wait3A_88] : memref<10000x64xf32, #tpu.memory_space<hbm>> -> memref<80x64xf32, #tpu.memory_space<hbm>>
      %dma_wait3A_90 = arith.constant 0 : i32
      %dma_wait3A_91 = arith.constant 0 : i32
      %dma_wait3A_92 = tpu.memref_slice %arg2[%dma_wait3A_90, %dma_wait3A_91] : memref<10000x64xf32, #tpu.memory_space<hbm>> -> memref<80x64xf32, #tpu.memory_space<hbm>>
      tpu.wait_dma2 semaphore(%arg22 : memref<!tpu.dma_semaphore, #tpu.memory_space<semaphore_mem>>) src(%dma_wait3A_92 : memref<80x64xf32, #tpu.memory_space<hbm>>) dst(%arg15 : memref<80x64xf32, #tpu.memory_space<vmem>>)
      %dma_wait3A_93 = arith.constant 0 : i32
      %dma_wait3A_94 = tpu.memref_slice %arg4[%dma_wait3A_93] : memref<320000xi32, #tpu.memory_space<hbm>> -> memref<80xi32, #tpu.memory_space<hbm>>
      %dma_wait3A_95 = arith.constant 0 : i32
      %dma_wait3A_96 = tpu.memref_slice %arg4[%dma_wait3A_95] : memref<320000xi32, #tpu.memory_space<hbm>> -> memref<80xi32, #tpu.memory_space<hbm>>
      tpu.wait_dma2 semaphore(%arg21 : memref<!tpu.dma_semaphore, #tpu.memory_space<semaphore_mem>>) src(%dma_wait3A_96 : memref<80xi32, #tpu.memory_space<hbm>>) dst(%arg8 : memref<80xi32, #tpu.memory_space<vmem>>)
      %dma_start3A_97 = arith.constant 0 : i32
      %dma_start3A_98 = arith.constant 0 : i32
      %dma_start3A_99 = tpu.memref_slice %arg19[%dma_start3A_97, %dma_start3A_98] : memref<10240x64xf32, #tpu.memory_space<vmem_shared>> -> memref<10240x64xf32, #tpu.memory_space<vmem_shared>>
      tpu.enqueue_indirect_dma source(%arg15 : memref<80x64xf32, #tpu.memory_space<vmem>>) target(%dma_start3A_99 : memref<10240x64xf32, #tpu.memory_space<vmem_shared>>) offsets(%arg8 : memref<80xi32, #tpu.memory_space<vmem>>) semaphore(%arg23 : memref<!tpu.dma_semaphore, #tpu.memory_space<semaphore_mem>>) {add = true}
      %dma_wait3A_100 = arith.constant 0 : i32
      %dma_wait3A_101 = arith.constant 0 : i32
      %dma_wait3A_102 = tpu.memref_slice %arg2[%dma_wait3A_100, %dma_wait3A_101] : memref<10000x64xf32, #tpu.memory_space<hbm>> -> memref<80x64xf32, #tpu.memory_space<hbm>>
      %dma_wait3A_103 = arith.constant 0 : i32
      %dma_wait3A_104 = arith.constant 0 : i32
      %dma_wait3A_105 = tpu.memref_slice %arg2[%dma_wait3A_103, %dma_wait3A_104] : memref<10000x64xf32, #tpu.memory_space<hbm>> -> memref<80x64xf32, #tpu.memory_space<hbm>>
      tpu.wait_dma2 semaphore(%arg26 : memref<!tpu.dma_semaphore, #tpu.memory_space<semaphore_mem>>) src(%dma_wait3A_105 : memref<80x64xf32, #tpu.memory_space<hbm>>) dst(%arg16 : memref<80x64xf32, #tpu.memory_space<vmem>>)
      %dma_wait3A_106 = arith.constant 0 : i32
      %dma_wait3A_107 = tpu.memref_slice %arg4[%dma_wait3A_106] : memref<320000xi32, #tpu.memory_space<hbm>> -> memref<80xi32, #tpu.memory_space<hbm>>
      %dma_wait3A_108 = arith.constant 0 : i32
      %dma_wait3A_109 = tpu.memref_slice %arg4[%dma_wait3A_108] : memref<320000xi32, #tpu.memory_space<hbm>> -> memref<80xi32, #tpu.memory_space<hbm>>
      tpu.wait_dma2 semaphore(%arg25 : memref<!tpu.dma_semaphore, #tpu.memory_space<semaphore_mem>>) src(%dma_wait3A_109 : memref<80xi32, #tpu.memory_space<hbm>>) dst(%arg10 : memref<80xi32, #tpu.memory_space<vmem>>)
      %dma_start3A_110 = arith.constant 0 : i32
      %dma_start3A_111 = arith.constant 0 : i32
      %dma_start3A_112 = tpu.memref_slice %arg19[%dma_start3A_110, %dma_start3A_111] : memref<10240x64xf32, #tpu.memory_space<vmem_shared>> -> memref<10240x64xf32, #tpu.memory_space<vmem_shared>>
      tpu.enqueue_indirect_dma source(%arg16 : memref<80x64xf32, #tpu.memory_space<vmem>>) target(%dma_start3A_112 : memref<10240x64xf32, #tpu.memory_space<vmem_shared>>) offsets(%arg10 : memref<80xi32, #tpu.memory_space<vmem>>) semaphore(%arg27 : memref<!tpu.dma_semaphore, #tpu.memory_space<semaphore_mem>>) {add = true}
      %dma_wait3A_113 = arith.constant 0 : i32
      %dma_wait3A_114 = arith.constant 0 : i32
      %dma_wait3A_115 = tpu.memref_slice %arg2[%dma_wait3A_113, %dma_wait3A_114] : memref<10000x64xf32, #tpu.memory_space<hbm>> -> memref<80x64xf32, #tpu.memory_space<hbm>>
      %dma_wait3A_116 = arith.constant 0 : i32
      %dma_wait3A_117 = arith.constant 0 : i32
      %dma_wait3A_118 = tpu.memref_slice %arg2[%dma_wait3A_116, %dma_wait3A_117] : memref<10000x64xf32, #tpu.memory_space<hbm>> -> memref<80x64xf32, #tpu.memory_space<hbm>>
      tpu.wait_dma2 semaphore(%arg30 : memref<!tpu.dma_semaphore, #tpu.memory_space<semaphore_mem>>) src(%dma_wait3A_118 : memref<80x64xf32, #tpu.memory_space<hbm>>) dst(%arg17 : memref<80x64xf32, #tpu.memory_space<vmem>>)
      %dma_wait3A_119 = arith.constant 0 : i32
      %dma_wait3A_120 = tpu.memref_slice %arg4[%dma_wait3A_119] : memref<320000xi32, #tpu.memory_space<hbm>> -> memref<80xi32, #tpu.memory_space<hbm>>
      %dma_wait3A_121 = arith.constant 0 : i32
      %dma_wait3A_122 = tpu.memref_slice %arg4[%dma_wait3A_121] : memref<320000xi32, #tpu.memory_space<hbm>> -> memref<80xi32, #tpu.memory_space<hbm>>
      tpu.wait_dma2 semaphore(%arg29 : memref<!tpu.dma_semaphore, #tpu.memory_space<semaphore_mem>>) src(%dma_wait3A_122 : memref<80xi32, #tpu.memory_space<hbm>>) dst(%arg12 : memref<80xi32, #tpu.memory_space<vmem>>)
      %dma_start3A_123 = arith.constant 0 : i32
      %dma_start3A_124 = arith.constant 0 : i32
      %dma_start3A_125 = tpu.memref_slice %arg19[%dma_start3A_123, %dma_start3A_124] : memref<10240x64xf32, #tpu.memory_space<vmem_shared>> -> memref<10240x64xf32, #tpu.memory_space<vmem_shared>>
      tpu.enqueue_indirect_dma source(%arg17 : memref<80x64xf32, #tpu.memory_space<vmem>>) target(%dma_start3A_125 : memref<10240x64xf32, #tpu.memory_space<vmem_shared>>) offsets(%arg12 : memref<80xi32, #tpu.memory_space<vmem>>) semaphore(%arg31 : memref<!tpu.dma_semaphore, #tpu.memory_space<semaphore_mem>>) {add = true}
      %dma_wait3A_126 = arith.constant 0 : i32
      %dma_wait3A_127 = arith.constant 0 : i32
      %dma_wait3A_128 = tpu.memref_slice %arg2[%dma_wait3A_126, %dma_wait3A_127] : memref<10000x64xf32, #tpu.memory_space<hbm>> -> memref<80x64xf32, #tpu.memory_space<hbm>>
      %dma_wait3A_129 = arith.constant 0 : i32
      %dma_wait3A_130 = arith.constant 0 : i32
      %dma_wait3A_131 = tpu.memref_slice %arg2[%dma_wait3A_129, %dma_wait3A_130] : memref<10000x64xf32, #tpu.memory_space<hbm>> -> memref<80x64xf32, #tpu.memory_space<hbm>>
      tpu.wait_dma2 semaphore(%arg34 : memref<!tpu.dma_semaphore, #tpu.memory_space<semaphore_mem>>) src(%dma_wait3A_131 : memref<80x64xf32, #tpu.memory_space<hbm>>) dst(%arg18 : memref<80x64xf32, #tpu.memory_space<vmem>>)
      %dma_wait3A_132 = arith.constant 0 : i32
      %dma_wait3A_133 = tpu.memref_slice %arg4[%dma_wait3A_132] : memref<320000xi32, #tpu.memory_space<hbm>> -> memref<80xi32, #tpu.memory_space<hbm>>
      %dma_wait3A_134 = arith.constant 0 : i32
      %dma_wait3A_135 = tpu.memref_slice %arg4[%dma_wait3A_134] : memref<320000xi32, #tpu.memory_space<hbm>> -> memref<80xi32, #tpu.memory_space<hbm>>
      tpu.wait_dma2 semaphore(%arg33 : memref<!tpu.dma_semaphore, #tpu.memory_space<semaphore_mem>>) src(%dma_wait3A_135 : memref<80xi32, #tpu.memory_space<hbm>>) dst(%arg14 : memref<80xi32, #tpu.memory_space<vmem>>)
      %dma_start3A_136 = arith.constant 0 : i32
      %dma_start3A_137 = arith.constant 0 : i32
      %dma_start3A_138 = tpu.memref_slice %arg19[%dma_start3A_136, %dma_start3A_137] : memref<10240x64xf32, #tpu.memory_space<vmem_shared>> -> memref<10240x64xf32, #tpu.memory_space<vmem_shared>>
      tpu.enqueue_indirect_dma source(%arg18 : memref<80x64xf32, #tpu.memory_space<vmem>>) target(%dma_start3A_138 : memref<10240x64xf32, #tpu.memory_space<vmem_shared>>) offsets(%arg14 : memref<80xi32, #tpu.memory_space<vmem>>) semaphore(%arg35 : memref<!tpu.dma_semaphore, #tpu.memory_space<semaphore_mem>>) {add = true}
      %dma_wait3A_139 = arith.constant 0 : i32
      %dma_wait3A_140 = arith.constant 0 : i32
      %dma_wait3A_141 = tpu.memref_slice %arg2[%dma_wait3A_139, %dma_wait3A_140] : memref<10000x64xf32, #tpu.memory_space<hbm>> -> memref<80x64xf32, #tpu.memory_space<hbm>>
      %dma_wait3A_142 = arith.constant 0 : i32
      %dma_wait3A_143 = arith.constant 0 : i32
      %dma_wait3A_144 = tpu.memref_slice %arg2[%dma_wait3A_142, %dma_wait3A_143] : memref<10000x64xf32, #tpu.memory_space<hbm>> -> memref<80x64xf32, #tpu.memory_space<hbm>>
      tpu.wait_dma2 semaphore(%arg23 : memref<!tpu.dma_semaphore, #tpu.memory_space<semaphore_mem>>) src(%dma_wait3A_144 : memref<80x64xf32, #tpu.memory_space<hbm>>) dst(%arg15 : memref<80x64xf32, #tpu.memory_space<vmem>>)
      %mul3A_145 = arith.constant 4 : i32
      %mul3A_146 = arith.muli %scan3A_86, %mul3A_145 : i32
      %add3A_147 = arith.constant 0 : i32
      %add3A_148 = arith.addi %mul3A_146, %add3A_147 : i32
      %add3A_149 = arith.constant 4 : i32
      %add3A_150 = arith.addi %add3A_148, %add3A_149 : i32
      %mul3A_151 = arith.constant 80 : i32
      %mul3A_152 = arith.muli %add3A_150, %mul3A_151 : i32
      %add3A_153 = arith.addi %mul3A_2, %mul3A_152 : i32
      %dma_start3A_154 = tpu.memref_slice %arg3[%add3A_153] : memref<320000xi32, #tpu.memory_space<hbm>> -> memref<80xi32, #tpu.memory_space<hbm>>
      %dma_start3A_155 = tpu.memref_slice %arg3[%add3A_153] : memref<320000xi32, #tpu.memory_space<hbm>> -> memref<80xi32, #tpu.memory_space<hbm>>
      tpu.enqueue_dma source(%dma_start3A_155 : memref<80xi32, #tpu.memory_space<hbm>>) target(%arg7 : memref<80xi32, #tpu.memory_space<vmem>>) target_semaphore(%arg20 : memref<!tpu.dma_semaphore, #tpu.memory_space<semaphore_mem>>)
      %dma_start3A_156 = tpu.memref_slice %arg4[%add3A_153] : memref<320000xi32, #tpu.memory_space<hbm>> -> memref<80xi32, #tpu.memory_space<hbm>>
      %dma_start3A_157 = tpu.memref_slice %arg4[%add3A_153] : memref<320000xi32, #tpu.memory_space<hbm>> -> memref<80xi32, #tpu.memory_space<hbm>>
      tpu.enqueue_dma source(%dma_start3A_157 : memref<80xi32, #tpu.memory_space<hbm>>) target(%arg8 : memref<80xi32, #tpu.memory_space<vmem>>) target_semaphore(%arg21 : memref<!tpu.dma_semaphore, #tpu.memory_space<semaphore_mem>>)
      %dma_wait3A_158 = arith.constant 0 : i32
      %dma_wait3A_159 = tpu.memref_slice %arg3[%dma_wait3A_158] : memref<320000xi32, #tpu.memory_space<hbm>> -> memref<80xi32, #tpu.memory_space<hbm>>
      %dma_wait3A_160 = arith.constant 0 : i32
      %dma_wait3A_161 = tpu.memref_slice %arg3[%dma_wait3A_160] : memref<320000xi32, #tpu.memory_space<hbm>> -> memref<80xi32, #tpu.memory_space<hbm>>
      tpu.wait_dma2 semaphore(%arg20 : memref<!tpu.dma_semaphore, #tpu.memory_space<semaphore_mem>>) src(%dma_wait3A_161 : memref<80xi32, #tpu.memory_space<hbm>>) dst(%arg7 : memref<80xi32, #tpu.memory_space<vmem>>)
      %dma_start3A_162 = arith.constant 0 : i32
      %dma_start3A_163 = arith.constant 0 : i32
      %dma_start3A_164 = tpu.memref_slice %arg2[%dma_start3A_162, %dma_start3A_163] : memref<10000x64xf32, #tpu.memory_space<hbm>> -> memref<10000x64xf32, #tpu.memory_space<hbm>>
      tpu.enqueue_indirect_dma source(%dma_start3A_164 : memref<10000x64xf32, #tpu.memory_space<hbm>>) target(%arg15 : memref<80x64xf32, #tpu.memory_space<vmem>>) offsets(%arg7 : memref<80xi32, #tpu.memory_space<vmem>>) semaphore(%arg22 : memref<!tpu.dma_semaphore, #tpu.memory_space<semaphore_mem>>)
      %dma_wait3A_165 = arith.constant 0 : i32
      %dma_wait3A_166 = arith.constant 0 : i32
      %dma_wait3A_167 = tpu.memref_slice %arg2[%dma_wait3A_165, %dma_wait3A_166] : memref<10000x64xf32, #tpu.memory_space<hbm>> -> memref<80x64xf32, #tpu.memory_space<hbm>>
      %dma_wait3A_168 = arith.constant 0 : i32
      %dma_wait3A_169 = arith.constant 0 : i32
      %dma_wait3A_170 = tpu.memref_slice %arg2[%dma_wait3A_168, %dma_wait3A_169] : memref<10000x64xf32, #tpu.memory_space<hbm>> -> memref<80x64xf32, #tpu.memory_space<hbm>>
      tpu.wait_dma2 semaphore(%arg27 : memref<!tpu.dma_semaphore, #tpu.memory_space<semaphore_mem>>) src(%dma_wait3A_170 : memref<80x64xf32, #tpu.memory_space<hbm>>) dst(%arg16 : memref<80x64xf32, #tpu.memory_space<vmem>>)
      %mul3A_171 = arith.constant 4 : i32
      %mul3A_172 = arith.muli %scan3A_86, %mul3A_171 : i32
      %add3A_173 = arith.constant 1 : i32
      %add3A_174 = arith.addi %mul3A_172, %add3A_173 : i32
      %add3A_175 = arith.constant 4 : i32
      %add3A_176 = arith.addi %add3A_174, %add3A_175 : i32
      %lt3A = arith.constant 125 : i32
      %lt3A_177 = arith.cmpi slt, %add3A_176, %lt3A : i32
      %convert_element_type3A = arith.extui %lt3A_177 : i1 to i32
      %cond3A = arith.constant 0 : i32
      %cond3A_178 = arith.cmpi ne, %convert_element_type3A, %cond3A : i32
      scf.if %cond3A_178 {
        %mul3A_213 = arith.constant 80 : i32
        %mul3A_214 = arith.muli %add3A_176, %mul3A_213 : i32
        %add3A_215 = arith.addi %mul3A_2, %mul3A_214 : i32
        %dma_start3A_216 = tpu.memref_slice %arg3[%add3A_215] : memref<320000xi32, #tpu.memory_space<hbm>> -> memref<80xi32, #tpu.memory_space<hbm>>
        %dma_start3A_217 = tpu.memref_slice %arg3[%add3A_215] : memref<320000xi32, #tpu.memory_space<hbm>> -> memref<80xi32, #tpu.memory_space<hbm>>
        tpu.enqueue_dma source(%dma_start3A_217 : memref<80xi32, #tpu.memory_space<hbm>>) target(%arg9 : memref<80xi32, #tpu.memory_space<vmem>>) target_semaphore(%arg24 : memref<!tpu.dma_semaphore, #tpu.memory_space<semaphore_mem>>)
        %dma_start3A_218 = tpu.memref_slice %arg4[%add3A_215] : memref<320000xi32, #tpu.memory_space<hbm>> -> memref<80xi32, #tpu.memory_space<hbm>>
        %dma_start3A_219 = tpu.memref_slice %arg4[%add3A_215] : memref<320000xi32, #tpu.memory_space<hbm>> -> memref<80xi32, #tpu.memory_space<hbm>>
        tpu.enqueue_dma source(%dma_start3A_219 : memref<80xi32, #tpu.memory_space<hbm>>) target(%arg10 : memref<80xi32, #tpu.memory_space<vmem>>) target_semaphore(%arg25 : memref<!tpu.dma_semaphore, #tpu.memory_space<semaphore_mem>>)
        %dma_wait3A_220 = arith.constant 0 : i32
        %dma_wait3A_221 = tpu.memref_slice %arg3[%dma_wait3A_220] : memref<320000xi32, #tpu.memory_space<hbm>> -> memref<80xi32, #tpu.memory_space<hbm>>
        %dma_wait3A_222 = arith.constant 0 : i32
        %dma_wait3A_223 = tpu.memref_slice %arg3[%dma_wait3A_222] : memref<320000xi32, #tpu.memory_space<hbm>> -> memref<80xi32, #tpu.memory_space<hbm>>
        tpu.wait_dma2 semaphore(%arg24 : memref<!tpu.dma_semaphore, #tpu.memory_space<semaphore_mem>>) src(%dma_wait3A_223 : memref<80xi32, #tpu.memory_space<hbm>>) dst(%arg9 : memref<80xi32, #tpu.memory_space<vmem>>)
        %dma_start3A_224 = arith.constant 0 : i32
        %dma_start3A_225 = arith.constant 0 : i32
        %dma_start3A_226 = tpu.memref_slice %arg2[%dma_start3A_224, %dma_start3A_225] : memref<10000x64xf32, #tpu.memory_space<hbm>> -> memref<10000x64xf32, #tpu.memory_space<hbm>>
        tpu.enqueue_indirect_dma source(%dma_start3A_226 : memref<10000x64xf32, #tpu.memory_space<hbm>>) target(%arg16 : memref<80x64xf32, #tpu.memory_space<vmem>>) offsets(%arg9 : memref<80xi32, #tpu.memory_space<vmem>>) semaphore(%arg26 : memref<!tpu.dma_semaphore, #tpu.memory_space<semaphore_mem>>)
      } else {
      }
      %dma_wait3A_179 = arith.constant 0 : i32
      %dma_wait3A_180 = arith.constant 0 : i32
      %dma_wait3A_181 = tpu.memref_slice %arg2[%dma_wait3A_179, %dma_wait3A_180] : memref<10000x64xf32, #tpu.memory_space<hbm>> -> memref<80x64xf32, #tpu.memory_space<hbm>>
      %dma_wait3A_182 = arith.constant 0 : i32
      %dma_wait3A_183 = arith.constant 0 : i32
      %dma_wait3A_184 = tpu.memref_slice %arg2[%dma_wait3A_182, %dma_wait3A_183] : memref<10000x64xf32, #tpu.memory_space<hbm>> -> memref<80x64xf32, #tpu.memory_space<hbm>>
      tpu.wait_dma2 semaphore(%arg31 : memref<!tpu.dma_semaphore, #tpu.memory_space<semaphore_mem>>) src(%dma_wait3A_184 : memref<80x64xf32, #tpu.memory_space<hbm>>) dst(%arg17 : memref<80x64xf32, #tpu.memory_space<vmem>>)
      %mul3A_185 = arith.constant 4 : i32
      %mul3A_186 = arith.muli %scan3A_86, %mul3A_185 : i32
      %add3A_187 = arith.constant 2 : i32
      %add3A_188 = arith.addi %mul3A_186, %add3A_187 : i32
      %add3A_189 = arith.constant 4 : i32
      %add3A_190 = arith.addi %add3A_188, %add3A_189 : i32
      %lt3A_191 = arith.constant 125 : i32
      %lt3A_192 = arith.cmpi slt, %add3A_190, %lt3A_191 : i32
      %convert_element_type3A_193 = arith.extui %lt3A_192 : i1 to i32
      %cond3A_194 = arith.constant 0 : i32
      %cond3A_195 = arith.cmpi ne, %convert_element_type3A_193, %cond3A_194 : i32
      scf.if %cond3A_195 {
        %mul3A_213 = arith.constant 80 : i32
        %mul3A_214 = arith.muli %add3A_190, %mul3A_213 : i32
        %add3A_215 = arith.addi %mul3A_2, %mul3A_214 : i32
        %dma_start3A_216 = tpu.memref_slice %arg3[%add3A_215] : memref<320000xi32, #tpu.memory_space<hbm>> -> memref<80xi32, #tpu.memory_space<hbm>>
        %dma_start3A_217 = tpu.memref_slice %arg3[%add3A_215] : memref<320000xi32, #tpu.memory_space<hbm>> -> memref<80xi32, #tpu.memory_space<hbm>>
        tpu.enqueue_dma source(%dma_start3A_217 : memref<80xi32, #tpu.memory_space<hbm>>) target(%arg11 : memref<80xi32, #tpu.memory_space<vmem>>) target_semaphore(%arg28 : memref<!tpu.dma_semaphore, #tpu.memory_space<semaphore_mem>>)
        %dma_start3A_218 = tpu.memref_slice %arg4[%add3A_215] : memref<320000xi32, #tpu.memory_space<hbm>> -> memref<80xi32, #tpu.memory_space<hbm>>
        %dma_start3A_219 = tpu.memref_slice %arg4[%add3A_215] : memref<320000xi32, #tpu.memory_space<hbm>> -> memref<80xi32, #tpu.memory_space<hbm>>
        tpu.enqueue_dma source(%dma_start3A_219 : memref<80xi32, #tpu.memory_space<hbm>>) target(%arg12 : memref<80xi32, #tpu.memory_space<vmem>>) target_semaphore(%arg29 : memref<!tpu.dma_semaphore, #tpu.memory_space<semaphore_mem>>)
        %dma_wait3A_220 = arith.constant 0 : i32
        %dma_wait3A_221 = tpu.memref_slice %arg3[%dma_wait3A_220] : memref<320000xi32, #tpu.memory_space<hbm>> -> memref<80xi32, #tpu.memory_space<hbm>>
        %dma_wait3A_222 = arith.constant 0 : i32
        %dma_wait3A_223 = tpu.memref_slice %arg3[%dma_wait3A_222] : memref<320000xi32, #tpu.memory_space<hbm>> -> memref<80xi32, #tpu.memory_space<hbm>>
        tpu.wait_dma2 semaphore(%arg28 : memref<!tpu.dma_semaphore, #tpu.memory_space<semaphore_mem>>) src(%dma_wait3A_223 : memref<80xi32, #tpu.memory_space<hbm>>) dst(%arg11 : memref<80xi32, #tpu.memory_space<vmem>>)
        %dma_start3A_224 = arith.constant 0 : i32
        %dma_start3A_225 = arith.constant 0 : i32
        %dma_start3A_226 = tpu.memref_slice %arg2[%dma_start3A_224, %dma_start3A_225] : memref<10000x64xf32, #tpu.memory_space<hbm>> -> memref<10000x64xf32, #tpu.memory_space<hbm>>
        tpu.enqueue_indirect_dma source(%dma_start3A_226 : memref<10000x64xf32, #tpu.memory_space<hbm>>) target(%arg17 : memref<80x64xf32, #tpu.memory_space<vmem>>) offsets(%arg11 : memref<80xi32, #tpu.memory_space<vmem>>) semaphore(%arg30 : memref<!tpu.dma_semaphore, #tpu.memory_space<semaphore_mem>>)
      } else {
      }
      %dma_wait3A_196 = arith.constant 0 : i32
      %dma_wait3A_197 = arith.constant 0 : i32
      %dma_wait3A_198 = tpu.memref_slice %arg2[%dma_wait3A_196, %dma_wait3A_197] : memref<10000x64xf32, #tpu.memory_space<hbm>> -> memref<80x64xf32, #tpu.memory_space<hbm>>
      %dma_wait3A_199 = arith.constant 0 : i32
      %dma_wait3A_200 = arith.constant 0 : i32
      %dma_wait3A_201 = tpu.memref_slice %arg2[%dma_wait3A_199, %dma_wait3A_200] : memref<10000x64xf32, #tpu.memory_space<hbm>> -> memref<80x64xf32, #tpu.memory_space<hbm>>
      tpu.wait_dma2 semaphore(%arg35 : memref<!tpu.dma_semaphore, #tpu.memory_space<semaphore_mem>>) src(%dma_wait3A_201 : memref<80x64xf32, #tpu.memory_space<hbm>>) dst(%arg18 : memref<80x64xf32, #tpu.memory_space<vmem>>)
      %mul3A_202 = arith.constant 4 : i32
      %mul3A_203 = arith.muli %scan3A_86, %mul3A_202 : i32
      %add3A_204 = arith.constant 3 : i32
      %add3A_205 = arith.addi %mul3A_203, %add3A_204 : i32
      %add3A_206 = arith.constant 4 : i32
      %add3A_207 = arith.addi %add3A_205, %add3A_206 : i32
      %lt3A_208 = arith.constant 125 : i32
      %lt3A_209 = arith.cmpi slt, %add3A_207, %lt3A_208 : i32
      %convert_element_type3A_210 = arith.extui %lt3A_209 : i1 to i32
      %cond3A_211 = arith.constant 0 : i32
      %cond3A_212 = arith.cmpi ne, %convert_element_type3A_210, %cond3A_211 : i32
      scf.if %cond3A_212 {
        %mul3A_213 = arith.constant 80 : i32
        %mul3A_214 = arith.muli %add3A_207, %mul3A_213 : i32
        %add3A_215 = arith.addi %mul3A_2, %mul3A_214 : i32
        %dma_start3A_216 = tpu.memref_slice %arg3[%add3A_215] : memref<320000xi32, #tpu.memory_space<hbm>> -> memref<80xi32, #tpu.memory_space<hbm>>
        %dma_start3A_217 = tpu.memref_slice %arg3[%add3A_215] : memref<320000xi32, #tpu.memory_space<hbm>> -> memref<80xi32, #tpu.memory_space<hbm>>
        tpu.enqueue_dma source(%dma_start3A_217 : memref<80xi32, #tpu.memory_space<hbm>>) target(%arg13 : memref<80xi32, #tpu.memory_space<vmem>>) target_semaphore(%arg32 : memref<!tpu.dma_semaphore, #tpu.memory_space<semaphore_mem>>)
        %dma_start3A_218 = tpu.memref_slice %arg4[%add3A_215] : memref<320000xi32, #tpu.memory_space<hbm>> -> memref<80xi32, #tpu.memory_space<hbm>>
        %dma_start3A_219 = tpu.memref_slice %arg4[%add3A_215] : memref<320000xi32, #tpu.memory_space<hbm>> -> memref<80xi32, #tpu.memory_space<hbm>>
        tpu.enqueue_dma source(%dma_start3A_219 : memref<80xi32, #tpu.memory_space<hbm>>) target(%arg14 : memref<80xi32, #tpu.memory_space<vmem>>) target_semaphore(%arg33 : memref<!tpu.dma_semaphore, #tpu.memory_space<semaphore_mem>>)
        %dma_wait3A_220 = arith.constant 0 : i32
        %dma_wait3A_221 = tpu.memref_slice %arg3[%dma_wait3A_220] : memref<320000xi32, #tpu.memory_space<hbm>> -> memref<80xi32, #tpu.memory_space<hbm>>
        %dma_wait3A_222 = arith.constant 0 : i32
        %dma_wait3A_223 = tpu.memref_slice %arg3[%dma_wait3A_222] : memref<320000xi32, #tpu.memory_space<hbm>> -> memref<80xi32, #tpu.memory_space<hbm>>
        tpu.wait_dma2 semaphore(%arg32 : memref<!tpu.dma_semaphore, #tpu.memory_space<semaphore_mem>>) src(%dma_wait3A_223 : memref<80xi32, #tpu.memory_space<hbm>>) dst(%arg13 : memref<80xi32, #tpu.memory_space<vmem>>)
        %dma_start3A_224 = arith.constant 0 : i32
        %dma_start3A_225 = arith.constant 0 : i32
        %dma_start3A_226 = tpu.memref_slice %arg2[%dma_start3A_224, %dma_start3A_225] : memref<10000x64xf32, #tpu.memory_space<hbm>> -> memref<10000x64xf32, #tpu.memory_space<hbm>>
        tpu.enqueue_indirect_dma source(%dma_start3A_226 : memref<10000x64xf32, #tpu.memory_space<hbm>>) target(%arg18 : memref<80x64xf32, #tpu.memory_space<vmem>>) offsets(%arg13 : memref<80xi32, #tpu.memory_space<vmem>>) semaphore(%arg34 : memref<!tpu.dma_semaphore, #tpu.memory_space<semaphore_mem>>)
      } else {
      }
    }
    %scan3A_61 = arith.constant 31 : i32
    %dma_wait3A_62 = arith.constant 0 : i32
    %dma_wait3A_63 = arith.constant 0 : i32
    %dma_wait3A_64 = tpu.memref_slice %arg2[%dma_wait3A_62, %dma_wait3A_63] : memref<10000x64xf32, #tpu.memory_space<hbm>> -> memref<80x64xf32, #tpu.memory_space<hbm>>
    %dma_wait3A_65 = arith.constant 0 : i32
    %dma_wait3A_66 = arith.constant 0 : i32
    %dma_wait3A_67 = tpu.memref_slice %arg2[%dma_wait3A_65, %dma_wait3A_66] : memref<10000x64xf32, #tpu.memory_space<hbm>> -> memref<80x64xf32, #tpu.memory_space<hbm>>
    tpu.wait_dma2 semaphore(%arg22 : memref<!tpu.dma_semaphore, #tpu.memory_space<semaphore_mem>>) src(%dma_wait3A_67 : memref<80x64xf32, #tpu.memory_space<hbm>>) dst(%arg15 : memref<80x64xf32, #tpu.memory_space<vmem>>)
    %dma_wait3A_68 = arith.constant 0 : i32
    %dma_wait3A_69 = tpu.memref_slice %arg4[%dma_wait3A_68] : memref<320000xi32, #tpu.memory_space<hbm>> -> memref<80xi32, #tpu.memory_space<hbm>>
    %dma_wait3A_70 = arith.constant 0 : i32
    %dma_wait3A_71 = tpu.memref_slice %arg4[%dma_wait3A_70] : memref<320000xi32, #tpu.memory_space<hbm>> -> memref<80xi32, #tpu.memory_space<hbm>>
    tpu.wait_dma2 semaphore(%arg21 : memref<!tpu.dma_semaphore, #tpu.memory_space<semaphore_mem>>) src(%dma_wait3A_71 : memref<80xi32, #tpu.memory_space<hbm>>) dst(%arg8 : memref<80xi32, #tpu.memory_space<vmem>>)
    %dma_start3A_72 = arith.constant 0 : i32
    %dma_start3A_73 = arith.constant 0 : i32
    %dma_start3A_74 = tpu.memref_slice %arg19[%dma_start3A_72, %dma_start3A_73] : memref<10240x64xf32, #tpu.memory_space<vmem_shared>> -> memref<10240x64xf32, #tpu.memory_space<vmem_shared>>
    tpu.enqueue_indirect_dma source(%arg15 : memref<80x64xf32, #tpu.memory_space<vmem>>) target(%dma_start3A_74 : memref<10240x64xf32, #tpu.memory_space<vmem_shared>>) offsets(%arg8 : memref<80xi32, #tpu.memory_space<vmem>>) semaphore(%arg23 : memref<!tpu.dma_semaphore, #tpu.memory_space<semaphore_mem>>) {add = true}
    %dma_wait3A_75 = arith.constant 0 : i32
    %dma_wait3A_76 = arith.constant 0 : i32
    %dma_wait3A_77 = tpu.memref_slice %arg2[%dma_wait3A_75, %dma_wait3A_76] : memref<10000x64xf32, #tpu.memory_space<hbm>> -> memref<80x64xf32, #tpu.memory_space<hbm>>
    %dma_wait3A_78 = arith.constant 0 : i32
    %dma_wait3A_79 = arith.constant 0 : i32
    %dma_wait3A_80 = tpu.memref_slice %arg2[%dma_wait3A_78, %dma_wait3A_79] : memref<10000x64xf32, #tpu.memory_space<hbm>> -> memref<80x64xf32, #tpu.memory_space<hbm>>
    tpu.wait_dma2 semaphore(%arg23 : memref<!tpu.dma_semaphore, #tpu.memory_space<semaphore_mem>>) src(%dma_wait3A_80 : memref<80x64xf32, #tpu.memory_space<hbm>>) dst(%arg15 : memref<80x64xf32, #tpu.memory_space<vmem>>)
    %barrier3A_81 = arith.constant 0 : index
    tpu.barrier barrier_id(%barrier3A_81)
    %mul3A_82 = arith.constant 640 : i32
    %mul3A_83 = arith.muli %arg1, %mul3A_82 : i32
    %mul3A_84 = arith.constant 640 : i32
    %mul3A_85 = arith.muli %arg1, %mul3A_84 : i32
    "tpu.region"() ({
      %run_scoped3A = tpu.sem_alloc : memref<!tpu.dma_semaphore, #tpu.memory_space<semaphore_mem>>
      %dma_start3A_86 = arith.constant 0 : i32
      %dma_start3A_87 = tpu.memref_slice %arg6[%arg0, %mul3A_85, %dma_start3A_86] : memref<2x10240x64xf32, #tpu.memory_space<hbm>> -> memref<1x640x64xf32, #tpu.memory_space<hbm>>
      %dma_start3A_88 = tpu.memref_squeeze %dma_start3A_87 : memref<1x640x64xf32, #tpu.memory_space<hbm>> -> memref<640x64xf32, #tpu.memory_space<hbm>>
      %dma_start3A_89 = arith.constant 0 : i32
      %dma_start3A_90 = tpu.memref_slice %arg19[%mul3A_83, %dma_start3A_89] : memref<10240x64xf32, #tpu.memory_space<vmem_shared>> -> memref<640x64xf32, #tpu.memory_space<vmem_shared>>
      tpu.enqueue_dma source(%dma_start3A_90 : memref<640x64xf32, #tpu.memory_space<vmem_shared>>) target(%dma_start3A_88 : memref<640x64xf32, #tpu.memory_space<hbm>>) target_semaphore(%run_scoped3A : memref<!tpu.dma_semaphore, #tpu.memory_space<semaphore_mem>>)
      %dma_wait3A_91 = arith.constant 0 : i32
      %dma_wait3A_92 = tpu.memref_slice %arg6[%arg0, %mul3A_85, %dma_wait3A_91] : memref<2x10240x64xf32, #tpu.memory_space<hbm>> -> memref<1x640x64xf32, #tpu.memory_space<hbm>>
      %dma_wait3A_93 = tpu.memref_squeeze %dma_wait3A_92 : memref<1x640x64xf32, #tpu.memory_space<hbm>> -> memref<640x64xf32, #tpu.memory_space<hbm>>
      %dma_wait3A_94 = arith.constant 0 : i32
      %dma_wait3A_95 = tpu.memref_slice %arg19[%mul3A_83, %dma_wait3A_94] : memref<10240x64xf32, #tpu.memory_space<vmem_shared>> -> memref<640x64xf32, #tpu.memory_space<vmem_shared>>
      tpu.wait_dma2 semaphore(%run_scoped3A : memref<!tpu.dma_semaphore, #tpu.memory_space<semaphore_mem>>) src(%dma_wait3A_95 : memref<640x64xf32, #tpu.memory_space<vmem_shared>>) dst(%dma_wait3A_93 : memref<640x64xf32, #tpu.memory_space<hbm>>)
      tpu.yield
    }) : () -> ()
    return
  }
}

#map = affine_map<(d0, d1) -> (0, 0)>
#map1 = affine_map<(d0, d1) -> (0)>
#map2 = affine_map<(d0, d1) -> (0, 0, 0)>
module attributes {stable_mosaic.version = 14 : i64} {
  func.func @k(%arg0: i32, %arg1: i32, %arg2: memref<10000x128xf32, #tpu.memory_space<hbm>>, %arg3: memref<320000xi32, #tpu.memory_space<hbm>>, %arg4: memref<320000xi32, #tpu.memory_space<hbm>>, %arg5: memref<10240x128xf32, #tpu.memory_space<hbm>>, %arg6: memref<2x10240x128xf32, #tpu.memory_space<hbm>>, %arg7: memref<80xi32, #tpu.memory_space<vmem>>, %arg8: memref<80xi32, #tpu.memory_space<vmem>>, %arg9: memref<80xi32, #tpu.memory_space<vmem>>, %arg10: memref<80xi32, #tpu.memory_space<vmem>>, %arg11: memref<80xi32, #tpu.memory_space<vmem>>, %arg12: memref<80xi32, #tpu.memory_space<vmem>>, %arg13: memref<80xi32, #tpu.memory_space<vmem>>, %arg14: memref<80xi32, #tpu.memory_space<vmem>>, %arg15: memref<80x128xf32, #tpu.memory_space<vmem>>, %arg16: memref<80x128xf32, #tpu.memory_space<vmem>>, %arg17: memref<80x128xf32, #tpu.memory_space<vmem>>, %arg18: memref<80x128xf32, #tpu.memory_space<vmem>>, %arg19: memref<10240x128xf32, #tpu.memory_space<vmem_shared>>, %arg20: memref<!tpu.dma_semaphore, #tpu.memory_space<semaphore_mem>>, %arg21: memref<!tpu.dma_semaphore, #tpu.memory_space<semaphore_mem>>, %arg22: memref<!tpu.dma_semaphore, #tpu.memory_space<semaphore_mem>>, %arg23: memref<!tpu.dma_semaphore, #tpu.memory_space<semaphore_mem>>, %arg24: memref<!tpu.dma_semaphore, #tpu.memory_space<semaphore_mem>>, %arg25: memref<!tpu.dma_semaphore, #tpu.memory_space<semaphore_mem>>, %arg26: memref<!tpu.dma_semaphore, #tpu.memory_space<semaphore_mem>>, %arg27: memref<!tpu.dma_semaphore, #tpu.memory_space<semaphore_mem>>, %arg28: memref<!tpu.dma_semaphore, #tpu.memory_space<semaphore_mem>>, %arg29: memref<!tpu.dma_semaphore, #tpu.memory_space<semaphore_mem>>, %arg30: memref<!tpu.dma_semaphore, #tpu.memory_space<semaphore_mem>>, %arg31: memref<!tpu.dma_semaphore, #tpu.memory_space<semaphore_mem>>, %arg32: memref<!tpu.dma_semaphore, #tpu.memory_space<semaphore_mem>>, %arg33: memref<!tpu.dma_semaphore, #tpu.memory_space<semaphore_mem>>, %arg34: memref<!tpu.dma_semaphore, #tpu.memory_space<semaphore_mem>>, %arg35: memref<!tpu.dma_semaphore, #tpu.memory_space<semaphore_mem>>) attributes {dimension_semantics = [#tpu.dimension_semantics<core_parallel>, #tpu.dimension_semantics<subcore_parallel>], iteration_bounds = array<i64: 2, 16>, scalar_prefetch = 0 : i64, scratch_operands = 29 : i64, tpu.core_type = #tpu.core_type<sc_vector_subcore>, window_params = [{transform_indices = #map}, {transform_indices = #map1}, {transform_indices = #map1}, {transform_indices = #map}, {transform_indices = #map2}]} {
    %mul3A = arith.constant 16 : i32
    %mul3A_0 = arith.muli %arg0, %mul3A : i32
    %add3A = arith.addi %mul3A_0, %arg1 : i32
    %mul3A_1 = arith.constant 10000 : i32
    %mul3A_2 = arith.muli %add3A, %mul3A_1 : i32
    %add3A_3 = arith.constant 0 : i32
    %add3A_4 = arith.addi %mul3A_2, %add3A_3 : i32
    %dma_start3A = tpu.memref_slice %arg3[%add3A_4] : memref<320000xi32, #tpu.memory_space<hbm>> -> memref<80xi32, #tpu.memory_space<hbm>>
    %dma_start3A_5 = tpu.memref_slice %arg3[%add3A_4] : memref<320000xi32, #tpu.memory_space<hbm>> -> memref<80xi32, #tpu.memory_space<hbm>>
    tpu.enqueue_dma source(%dma_start3A_5 : memref<80xi32, #tpu.memory_space<hbm>>) target(%arg7 : memref<80xi32, #tpu.memory_space<vmem>>) target_semaphore(%arg20 : memref<!tpu.dma_semaphore, #tpu.memory_space<semaphore_mem>>)
    %dma_start3A_6 = tpu.memref_slice %arg4[%add3A_4] : memref<320000xi32, #tpu.memory_space<hbm>> -> memref<80xi32, #tpu.memory_space<hbm>>
    %dma_start3A_7 = tpu.memref_slice %arg4[%add3A_4] : memref<320000xi32, #tpu.memory_space<hbm>> -> memref<80xi32, #tpu.memory_space<hbm>>
    tpu.enqueue_dma source(%dma_start3A_7 : memref<80xi32, #tpu.memory_space<hbm>>) target(%arg8 : memref<80xi32, #tpu.memory_space<vmem>>) target_semaphore(%arg21 : memref<!tpu.dma_semaphore, #tpu.memory_space<semaphore_mem>>)
    %add3A_8 = arith.constant 80 : i32
    %add3A_9 = arith.addi %mul3A_2, %add3A_8 : i32
    %dma_start3A_10 = tpu.memref_slice %arg3[%add3A_9] : memref<320000xi32, #tpu.memory_space<hbm>> -> memref<80xi32, #tpu.memory_space<hbm>>
    %dma_start3A_11 = tpu.memref_slice %arg3[%add3A_9] : memref<320000xi32, #tpu.memory_space<hbm>> -> memref<80xi32, #tpu.memory_space<hbm>>
    tpu.enqueue_dma source(%dma_start3A_11 : memref<80xi32, #tpu.memory_space<hbm>>) target(%arg9 : memref<80xi32, #tpu.memory_space<vmem>>) target_semaphore(%arg24 : memref<!tpu.dma_semaphore, #tpu.memory_space<semaphore_mem>>)
    %dma_start3A_12 = tpu.memref_slice %arg4[%add3A_9] : memref<320000xi32, #tpu.memory_space<hbm>> -> memref<80xi32, #tpu.memory_space<hbm>>
    %dma_start3A_13 = tpu.memref_slice %arg4[%add3A_9] : memref<320000xi32, #tpu.memory_space<hbm>> -> memref<80xi32, #tpu.memory_space<hbm>>
    tpu.enqueue_dma source(%dma_start3A_13 : memref<80xi32, #tpu.memory_space<hbm>>) target(%arg10 : memref<80xi32, #tpu.memory_space<vmem>>) target_semaphore(%arg25 : memref<!tpu.dma_semaphore, #tpu.memory_space<semaphore_mem>>)
    %add3A_14 = arith.constant 160 : i32
    %add3A_15 = arith.addi %mul3A_2, %add3A_14 : i32
    %dma_start3A_16 = tpu.memref_slice %arg3[%add3A_15] : memref<320000xi32, #tpu.memory_space<hbm>> -> memref<80xi32, #tpu.memory_space<hbm>>
    %dma_start3A_17 = tpu.memref_slice %arg3[%add3A_15] : memref<320000xi32, #tpu.memory_space<hbm>> -> memref<80xi32, #tpu.memory_space<hbm>>
    tpu.enqueue_dma source(%dma_start3A_17 : memref<80xi32, #tpu.memory_space<hbm>>) target(%arg11 : memref<80xi32, #tpu.memory_space<vmem>>) target_semaphore(%arg28 : memref<!tpu.dma_semaphore, #tpu.memory_space<semaphore_mem>>)
    %dma_start3A_18 = tpu.memref_slice %arg4[%add3A_15] : memref<320000xi32, #tpu.memory_space<hbm>> -> memref<80xi32, #tpu.memory_space<hbm>>
    %dma_start3A_19 = tpu.memref_slice %arg4[%add3A_15] : memref<320000xi32, #tpu.memory_space<hbm>> -> memref<80xi32, #tpu.memory_space<hbm>>
    tpu.enqueue_dma source(%dma_start3A_19 : memref<80xi32, #tpu.memory_space<hbm>>) target(%arg12 : memref<80xi32, #tpu.memory_space<vmem>>) target_semaphore(%arg29 : memref<!tpu.dma_semaphore, #tpu.memory_space<semaphore_mem>>)
    %add3A_20 = arith.constant 240 : i32
    %add3A_21 = arith.addi %mul3A_2, %add3A_20 : i32
    %dma_start3A_22 = tpu.memref_slice %arg3[%add3A_21] : memref<320000xi32, #tpu.memory_space<hbm>> -> memref<80xi32, #tpu.memory_space<hbm>>
    %dma_start3A_23 = tpu.memref_slice %arg3[%add3A_21] : memref<320000xi32, #tpu.memory_space<hbm>> -> memref<80xi32, #tpu.memory_space<hbm>>
    tpu.enqueue_dma source(%dma_start3A_23 : memref<80xi32, #tpu.memory_space<hbm>>) target(%arg13 : memref<80xi32, #tpu.memory_space<vmem>>) target_semaphore(%arg32 : memref<!tpu.dma_semaphore, #tpu.memory_space<semaphore_mem>>)
    %dma_start3A_24 = tpu.memref_slice %arg4[%add3A_21] : memref<320000xi32, #tpu.memory_space<hbm>> -> memref<80xi32, #tpu.memory_space<hbm>>
    %dma_start3A_25 = tpu.memref_slice %arg4[%add3A_21] : memref<320000xi32, #tpu.memory_space<hbm>> -> memref<80xi32, #tpu.memory_space<hbm>>
    tpu.enqueue_dma source(%dma_start3A_25 : memref<80xi32, #tpu.memory_space<hbm>>) target(%arg14 : memref<80xi32, #tpu.memory_space<vmem>>) target_semaphore(%arg33 : memref<!tpu.dma_semaphore, #tpu.memory_space<semaphore_mem>>)
    %dma_wait3A = arith.constant 0 : i32
    %dma_wait3A_26 = tpu.memref_slice %arg3[%dma_wait3A] : memref<320000xi32, #tpu.memory_space<hbm>> -> memref<80xi32, #tpu.memory_space<hbm>>
    %dma_wait3A_27 = arith.constant 0 : i32
    %dma_wait3A_28 = tpu.memref_slice %arg3[%dma_wait3A_27] : memref<320000xi32, #tpu.memory_space<hbm>> -> memref<80xi32, #tpu.memory_space<hbm>>
    tpu.wait_dma2 semaphore(%arg20 : memref<!tpu.dma_semaphore, #tpu.memory_space<semaphore_mem>>) src(%dma_wait3A_28 : memref<80xi32, #tpu.memory_space<hbm>>) dst(%arg7 : memref<80xi32, #tpu.memory_space<vmem>>)
    %dma_start3A_29 = arith.constant 0 : i32
    %dma_start3A_30 = arith.constant 0 : i32
    %dma_start3A_31 = tpu.memref_slice %arg2[%dma_start3A_29, %dma_start3A_30] : memref<10000x128xf32, #tpu.memory_space<hbm>> -> memref<10000x128xf32, #tpu.memory_space<hbm>>
    tpu.enqueue_indirect_dma source(%dma_start3A_31 : memref<10000x128xf32, #tpu.memory_space<hbm>>) target(%arg15 : memref<80x128xf32, #tpu.memory_space<vmem>>) offsets(%arg7 : memref<80xi32, #tpu.memory_space<vmem>>) semaphore(%arg22 : memref<!tpu.dma_semaphore, #tpu.memory_space<semaphore_mem>>)
    %dma_wait3A_32 = arith.constant 0 : i32
    %dma_wait3A_33 = tpu.memref_slice %arg3[%dma_wait3A_32] : memref<320000xi32, #tpu.memory_space<hbm>> -> memref<80xi32, #tpu.memory_space<hbm>>
    %dma_wait3A_34 = arith.constant 0 : i32
    %dma_wait3A_35 = tpu.memref_slice %arg3[%dma_wait3A_34] : memref<320000xi32, #tpu.memory_space<hbm>> -> memref<80xi32, #tpu.memory_space<hbm>>
    tpu.wait_dma2 semaphore(%arg24 : memref<!tpu.dma_semaphore, #tpu.memory_space<semaphore_mem>>) src(%dma_wait3A_35 : memref<80xi32, #tpu.memory_space<hbm>>) dst(%arg9 : memref<80xi32, #tpu.memory_space<vmem>>)
    %dma_start3A_36 = arith.constant 0 : i32
    %dma_start3A_37 = arith.constant 0 : i32
    %dma_start3A_38 = tpu.memref_slice %arg2[%dma_start3A_36, %dma_start3A_37] : memref<10000x128xf32, #tpu.memory_space<hbm>> -> memref<10000x128xf32, #tpu.memory_space<hbm>>
    tpu.enqueue_indirect_dma source(%dma_start3A_38 : memref<10000x128xf32, #tpu.memory_space<hbm>>) target(%arg16 : memref<80x128xf32, #tpu.memory_space<vmem>>) offsets(%arg9 : memref<80xi32, #tpu.memory_space<vmem>>) semaphore(%arg26 : memref<!tpu.dma_semaphore, #tpu.memory_space<semaphore_mem>>)
    %dma_wait3A_39 = arith.constant 0 : i32
    %dma_wait3A_40 = tpu.memref_slice %arg3[%dma_wait3A_39] : memref<320000xi32, #tpu.memory_space<hbm>> -> memref<80xi32, #tpu.memory_space<hbm>>
    %dma_wait3A_41 = arith.constant 0 : i32
    %dma_wait3A_42 = tpu.memref_slice %arg3[%dma_wait3A_41] : memref<320000xi32, #tpu.memory_space<hbm>> -> memref<80xi32, #tpu.memory_space<hbm>>
    tpu.wait_dma2 semaphore(%arg28 : memref<!tpu.dma_semaphore, #tpu.memory_space<semaphore_mem>>) src(%dma_wait3A_42 : memref<80xi32, #tpu.memory_space<hbm>>) dst(%arg11 : memref<80xi32, #tpu.memory_space<vmem>>)
    %dma_start3A_43 = arith.constant 0 : i32
    %dma_start3A_44 = arith.constant 0 : i32
    %dma_start3A_45 = tpu.memref_slice %arg2[%dma_start3A_43, %dma_start3A_44] : memref<10000x128xf32, #tpu.memory_space<hbm>> -> memref<10000x128xf32, #tpu.memory_space<hbm>>
    tpu.enqueue_indirect_dma source(%dma_start3A_45 : memref<10000x128xf32, #tpu.memory_space<hbm>>) target(%arg17 : memref<80x128xf32, #tpu.memory_space<vmem>>) offsets(%arg11 : memref<80xi32, #tpu.memory_space<vmem>>) semaphore(%arg30 : memref<!tpu.dma_semaphore, #tpu.memory_space<semaphore_mem>>)
    %dma_wait3A_46 = arith.constant 0 : i32
    %dma_wait3A_47 = tpu.memref_slice %arg3[%dma_wait3A_46] : memref<320000xi32, #tpu.memory_space<hbm>> -> memref<80xi32, #tpu.memory_space<hbm>>
    %dma_wait3A_48 = arith.constant 0 : i32
    %dma_wait3A_49 = tpu.memref_slice %arg3[%dma_wait3A_48] : memref<320000xi32, #tpu.memory_space<hbm>> -> memref<80xi32, #tpu.memory_space<hbm>>
    tpu.wait_dma2 semaphore(%arg32 : memref<!tpu.dma_semaphore, #tpu.memory_space<semaphore_mem>>) src(%dma_wait3A_49 : memref<80xi32, #tpu.memory_space<hbm>>) dst(%arg13 : memref<80xi32, #tpu.memory_space<vmem>>)
    %dma_start3A_50 = arith.constant 0 : i32
    %dma_start3A_51 = arith.constant 0 : i32
    %dma_start3A_52 = tpu.memref_slice %arg2[%dma_start3A_50, %dma_start3A_51] : memref<10000x128xf32, #tpu.memory_space<hbm>> -> memref<10000x128xf32, #tpu.memory_space<hbm>>
    tpu.enqueue_indirect_dma source(%dma_start3A_52 : memref<10000x128xf32, #tpu.memory_space<hbm>>) target(%arg18 : memref<80x128xf32, #tpu.memory_space<vmem>>) offsets(%arg13 : memref<80xi32, #tpu.memory_space<vmem>>) semaphore(%arg34 : memref<!tpu.dma_semaphore, #tpu.memory_space<semaphore_mem>>)
    %mul3A_53 = arith.constant 640 : i32
    %mul3A_54 = arith.muli %arg1, %mul3A_53 : i32
    %mul3A_55 = arith.constant 640 : i32
    %mul3A_56 = arith.muli %arg1, %mul3A_55 : i32
    "tpu.region"() ({
      %run_scoped3A = tpu.sem_alloc : memref<!tpu.dma_semaphore, #tpu.memory_space<semaphore_mem>>
      %dma_start3A_86 = arith.constant 0 : i32
      %dma_start3A_87 = tpu.memref_slice %arg19[%mul3A_56, %dma_start3A_86] : memref<10240x128xf32, #tpu.memory_space<vmem_shared>> -> memref<640x128xf32, #tpu.memory_space<vmem_shared>>
      %dma_start3A_88 = arith.constant 0 : i32
      %dma_start3A_89 = tpu.memref_slice %arg5[%mul3A_54, %dma_start3A_88] : memref<10240x128xf32, #tpu.memory_space<hbm>> -> memref<640x128xf32, #tpu.memory_space<hbm>>
      tpu.enqueue_dma source(%dma_start3A_89 : memref<640x128xf32, #tpu.memory_space<hbm>>) target(%dma_start3A_87 : memref<640x128xf32, #tpu.memory_space<vmem_shared>>) target_semaphore(%run_scoped3A : memref<!tpu.dma_semaphore, #tpu.memory_space<semaphore_mem>>)
      %dma_wait3A_90 = arith.constant 0 : i32
      %dma_wait3A_91 = tpu.memref_slice %arg19[%mul3A_56, %dma_wait3A_90] : memref<10240x128xf32, #tpu.memory_space<vmem_shared>> -> memref<640x128xf32, #tpu.memory_space<vmem_shared>>
      %dma_wait3A_92 = arith.constant 0 : i32
      %dma_wait3A_93 = tpu.memref_slice %arg5[%mul3A_54, %dma_wait3A_92] : memref<10240x128xf32, #tpu.memory_space<hbm>> -> memref<640x128xf32, #tpu.memory_space<hbm>>
      tpu.wait_dma2 semaphore(%run_scoped3A : memref<!tpu.dma_semaphore, #tpu.memory_space<semaphore_mem>>) src(%dma_wait3A_93 : memref<640x128xf32, #tpu.memory_space<hbm>>) dst(%dma_wait3A_91 : memref<640x128xf32, #tpu.memory_space<vmem_shared>>)
      tpu.yield
    }) : () -> ()
    %barrier3A = arith.constant 0 : index
    tpu.barrier barrier_id(%barrier3A)
    %scan3A = arith.constant 0 : i32
    %scan3A_57 = arith.constant 0 : i32
    %scan3A_58 = arith.constant 31 : i32
    %scan3A_59 = arith.addi %scan3A_57, %scan3A_58 : i32
    %scan3A_60 = arith.constant 1 : i32
    scf.for %scan3A_86 = %scan3A_57 to %scan3A_59 step %scan3A_60  : i32 {
      %dma_wait3A_87 = arith.constant 0 : i32
      %dma_wait3A_88 = arith.constant 0 : i32
      %dma_wait3A_89 = tpu.memref_slice %arg2[%dma_wait3A_87, %dma_wait3A_88] : memref<10000x128xf32, #tpu.memory_space<hbm>> -> memref<80x128xf32, #tpu.memory_space<hbm>>
      %dma_wait3A_90 = arith.constant 0 : i32
      %dma_wait3A_91 = arith.constant 0 : i32
      %dma_wait3A_92 = tpu.memref_slice %arg2[%dma_wait3A_90, %dma_wait3A_91] : memref<10000x128xf32, #tpu.memory_space<hbm>> -> memref<80x128xf32, #tpu.memory_space<hbm>>
      tpu.wait_dma2 semaphore(%arg22 : memref<!tpu.dma_semaphore, #tpu.memory_space<semaphore_mem>>) src(%dma_wait3A_92 : memref<80x128xf32, #tpu.memory_space<hbm>>) dst(%arg15 : memref<80x128xf32, #tpu.memory_space<vmem>>)
      %dma_wait3A_93 = arith.constant 0 : i32
      %dma_wait3A_94 = tpu.memref_slice %arg4[%dma_wait3A_93] : memref<320000xi32, #tpu.memory_space<hbm>> -> memref<80xi32, #tpu.memory_space<hbm>>
      %dma_wait3A_95 = arith.constant 0 : i32
      %dma_wait3A_96 = tpu.memref_slice %arg4[%dma_wait3A_95] : memref<320000xi32, #tpu.memory_space<hbm>> -> memref<80xi32, #tpu.memory_space<hbm>>
      tpu.wait_dma2 semaphore(%arg21 : memref<!tpu.dma_semaphore, #tpu.memory_space<semaphore_mem>>) src(%dma_wait3A_96 : memref<80xi32, #tpu.memory_space<hbm>>) dst(%arg8 : memref<80xi32, #tpu.memory_space<vmem>>)
      %dma_start3A_97 = arith.constant 0 : i32
      %dma_start3A_98 = arith.constant 0 : i32
      %dma_start3A_99 = tpu.memref_slice %arg19[%dma_start3A_97, %dma_start3A_98] : memref<10240x128xf32, #tpu.memory_space<vmem_shared>> -> memref<10240x128xf32, #tpu.memory_space<vmem_shared>>
      tpu.enqueue_indirect_dma source(%arg15 : memref<80x128xf32, #tpu.memory_space<vmem>>) target(%dma_start3A_99 : memref<10240x128xf32, #tpu.memory_space<vmem_shared>>) offsets(%arg8 : memref<80xi32, #tpu.memory_space<vmem>>) semaphore(%arg23 : memref<!tpu.dma_semaphore, #tpu.memory_space<semaphore_mem>>) {add = true}
      %dma_wait3A_100 = arith.constant 0 : i32
      %dma_wait3A_101 = arith.constant 0 : i32
      %dma_wait3A_102 = tpu.memref_slice %arg2[%dma_wait3A_100, %dma_wait3A_101] : memref<10000x128xf32, #tpu.memory_space<hbm>> -> memref<80x128xf32, #tpu.memory_space<hbm>>
      %dma_wait3A_103 = arith.constant 0 : i32
      %dma_wait3A_104 = arith.constant 0 : i32
      %dma_wait3A_105 = tpu.memref_slice %arg2[%dma_wait3A_103, %dma_wait3A_104] : memref<10000x128xf32, #tpu.memory_space<hbm>> -> memref<80x128xf32, #tpu.memory_space<hbm>>
      tpu.wait_dma2 semaphore(%arg26 : memref<!tpu.dma_semaphore, #tpu.memory_space<semaphore_mem>>) src(%dma_wait3A_105 : memref<80x128xf32, #tpu.memory_space<hbm>>) dst(%arg16 : memref<80x128xf32, #tpu.memory_space<vmem>>)
      %dma_wait3A_106 = arith.constant 0 : i32
      %dma_wait3A_107 = tpu.memref_slice %arg4[%dma_wait3A_106] : memref<320000xi32, #tpu.memory_space<hbm>> -> memref<80xi32, #tpu.memory_space<hbm>>
      %dma_wait3A_108 = arith.constant 0 : i32
      %dma_wait3A_109 = tpu.memref_slice %arg4[%dma_wait3A_108] : memref<320000xi32, #tpu.memory_space<hbm>> -> memref<80xi32, #tpu.memory_space<hbm>>
      tpu.wait_dma2 semaphore(%arg25 : memref<!tpu.dma_semaphore, #tpu.memory_space<semaphore_mem>>) src(%dma_wait3A_109 : memref<80xi32, #tpu.memory_space<hbm>>) dst(%arg10 : memref<80xi32, #tpu.memory_space<vmem>>)
      %dma_start3A_110 = arith.constant 0 : i32
      %dma_start3A_111 = arith.constant 0 : i32
      %dma_start3A_112 = tpu.memref_slice %arg19[%dma_start3A_110, %dma_start3A_111] : memref<10240x128xf32, #tpu.memory_space<vmem_shared>> -> memref<10240x128xf32, #tpu.memory_space<vmem_shared>>
      tpu.enqueue_indirect_dma source(%arg16 : memref<80x128xf32, #tpu.memory_space<vmem>>) target(%dma_start3A_112 : memref<10240x128xf32, #tpu.memory_space<vmem_shared>>) offsets(%arg10 : memref<80xi32, #tpu.memory_space<vmem>>) semaphore(%arg27 : memref<!tpu.dma_semaphore, #tpu.memory_space<semaphore_mem>>) {add = true}
      %dma_wait3A_113 = arith.constant 0 : i32
      %dma_wait3A_114 = arith.constant 0 : i32
      %dma_wait3A_115 = tpu.memref_slice %arg2[%dma_wait3A_113, %dma_wait3A_114] : memref<10000x128xf32, #tpu.memory_space<hbm>> -> memref<80x128xf32, #tpu.memory_space<hbm>>
      %dma_wait3A_116 = arith.constant 0 : i32
      %dma_wait3A_117 = arith.constant 0 : i32
      %dma_wait3A_118 = tpu.memref_slice %arg2[%dma_wait3A_116, %dma_wait3A_117] : memref<10000x128xf32, #tpu.memory_space<hbm>> -> memref<80x128xf32, #tpu.memory_space<hbm>>
      tpu.wait_dma2 semaphore(%arg30 : memref<!tpu.dma_semaphore, #tpu.memory_space<semaphore_mem>>) src(%dma_wait3A_118 : memref<80x128xf32, #tpu.memory_space<hbm>>) dst(%arg17 : memref<80x128xf32, #tpu.memory_space<vmem>>)
      %dma_wait3A_119 = arith.constant 0 : i32
      %dma_wait3A_120 = tpu.memref_slice %arg4[%dma_wait3A_119] : memref<320000xi32, #tpu.memory_space<hbm>> -> memref<80xi32, #tpu.memory_space<hbm>>
      %dma_wait3A_121 = arith.constant 0 : i32
      %dma_wait3A_122 = tpu.memref_slice %arg4[%dma_wait3A_121] : memref<320000xi32, #tpu.memory_space<hbm>> -> memref<80xi32, #tpu.memory_space<hbm>>
      tpu.wait_dma2 semaphore(%arg29 : memref<!tpu.dma_semaphore, #tpu.memory_space<semaphore_mem>>) src(%dma_wait3A_122 : memref<80xi32, #tpu.memory_space<hbm>>) dst(%arg12 : memref<80xi32, #tpu.memory_space<vmem>>)
      %dma_start3A_123 = arith.constant 0 : i32
      %dma_start3A_124 = arith.constant 0 : i32
      %dma_start3A_125 = tpu.memref_slice %arg19[%dma_start3A_123, %dma_start3A_124] : memref<10240x128xf32, #tpu.memory_space<vmem_shared>> -> memref<10240x128xf32, #tpu.memory_space<vmem_shared>>
      tpu.enqueue_indirect_dma source(%arg17 : memref<80x128xf32, #tpu.memory_space<vmem>>) target(%dma_start3A_125 : memref<10240x128xf32, #tpu.memory_space<vmem_shared>>) offsets(%arg12 : memref<80xi32, #tpu.memory_space<vmem>>) semaphore(%arg31 : memref<!tpu.dma_semaphore, #tpu.memory_space<semaphore_mem>>) {add = true}
      %dma_wait3A_126 = arith.constant 0 : i32
      %dma_wait3A_127 = arith.constant 0 : i32
      %dma_wait3A_128 = tpu.memref_slice %arg2[%dma_wait3A_126, %dma_wait3A_127] : memref<10000x128xf32, #tpu.memory_space<hbm>> -> memref<80x128xf32, #tpu.memory_space<hbm>>
      %dma_wait3A_129 = arith.constant 0 : i32
      %dma_wait3A_130 = arith.constant 0 : i32
      %dma_wait3A_131 = tpu.memref_slice %arg2[%dma_wait3A_129, %dma_wait3A_130] : memref<10000x128xf32, #tpu.memory_space<hbm>> -> memref<80x128xf32, #tpu.memory_space<hbm>>
      tpu.wait_dma2 semaphore(%arg34 : memref<!tpu.dma_semaphore, #tpu.memory_space<semaphore_mem>>) src(%dma_wait3A_131 : memref<80x128xf32, #tpu.memory_space<hbm>>) dst(%arg18 : memref<80x128xf32, #tpu.memory_space<vmem>>)
      %dma_wait3A_132 = arith.constant 0 : i32
      %dma_wait3A_133 = tpu.memref_slice %arg4[%dma_wait3A_132] : memref<320000xi32, #tpu.memory_space<hbm>> -> memref<80xi32, #tpu.memory_space<hbm>>
      %dma_wait3A_134 = arith.constant 0 : i32
      %dma_wait3A_135 = tpu.memref_slice %arg4[%dma_wait3A_134] : memref<320000xi32, #tpu.memory_space<hbm>> -> memref<80xi32, #tpu.memory_space<hbm>>
      tpu.wait_dma2 semaphore(%arg33 : memref<!tpu.dma_semaphore, #tpu.memory_space<semaphore_mem>>) src(%dma_wait3A_135 : memref<80xi32, #tpu.memory_space<hbm>>) dst(%arg14 : memref<80xi32, #tpu.memory_space<vmem>>)
      %dma_start3A_136 = arith.constant 0 : i32
      %dma_start3A_137 = arith.constant 0 : i32
      %dma_start3A_138 = tpu.memref_slice %arg19[%dma_start3A_136, %dma_start3A_137] : memref<10240x128xf32, #tpu.memory_space<vmem_shared>> -> memref<10240x128xf32, #tpu.memory_space<vmem_shared>>
      tpu.enqueue_indirect_dma source(%arg18 : memref<80x128xf32, #tpu.memory_space<vmem>>) target(%dma_start3A_138 : memref<10240x128xf32, #tpu.memory_space<vmem_shared>>) offsets(%arg14 : memref<80xi32, #tpu.memory_space<vmem>>) semaphore(%arg35 : memref<!tpu.dma_semaphore, #tpu.memory_space<semaphore_mem>>) {add = true}
      %dma_wait3A_139 = arith.constant 0 : i32
      %dma_wait3A_140 = arith.constant 0 : i32
      %dma_wait3A_141 = tpu.memref_slice %arg2[%dma_wait3A_139, %dma_wait3A_140] : memref<10000x128xf32, #tpu.memory_space<hbm>> -> memref<80x128xf32, #tpu.memory_space<hbm>>
      %dma_wait3A_142 = arith.constant 0 : i32
      %dma_wait3A_143 = arith.constant 0 : i32
      %dma_wait3A_144 = tpu.memref_slice %arg2[%dma_wait3A_142, %dma_wait3A_143] : memref<10000x128xf32, #tpu.memory_space<hbm>> -> memref<80x128xf32, #tpu.memory_space<hbm>>
      tpu.wait_dma2 semaphore(%arg23 : memref<!tpu.dma_semaphore, #tpu.memory_space<semaphore_mem>>) src(%dma_wait3A_144 : memref<80x128xf32, #tpu.memory_space<hbm>>) dst(%arg15 : memref<80x128xf32, #tpu.memory_space<vmem>>)
      %mul3A_145 = arith.constant 4 : i32
      %mul3A_146 = arith.muli %scan3A_86, %mul3A_145 : i32
      %add3A_147 = arith.constant 0 : i32
      %add3A_148 = arith.addi %mul3A_146, %add3A_147 : i32
      %add3A_149 = arith.constant 4 : i32
      %add3A_150 = arith.addi %add3A_148, %add3A_149 : i32
      %mul3A_151 = arith.constant 80 : i32
      %mul3A_152 = arith.muli %add3A_150, %mul3A_151 : i32
      %add3A_153 = arith.addi %mul3A_2, %mul3A_152 : i32
      %dma_start3A_154 = tpu.memref_slice %arg3[%add3A_153] : memref<320000xi32, #tpu.memory_space<hbm>> -> memref<80xi32, #tpu.memory_space<hbm>>
      %dma_start3A_155 = tpu.memref_slice %arg3[%add3A_153] : memref<320000xi32, #tpu.memory_space<hbm>> -> memref<80xi32, #tpu.memory_space<hbm>>
      tpu.enqueue_dma source(%dma_start3A_155 : memref<80xi32, #tpu.memory_space<hbm>>) target(%arg7 : memref<80xi32, #tpu.memory_space<vmem>>) target_semaphore(%arg20 : memref<!tpu.dma_semaphore, #tpu.memory_space<semaphore_mem>>)
      %dma_start3A_156 = tpu.memref_slice %arg4[%add3A_153] : memref<320000xi32, #tpu.memory_space<hbm>> -> memref<80xi32, #tpu.memory_space<hbm>>
      %dma_start3A_157 = tpu.memref_slice %arg4[%add3A_153] : memref<320000xi32, #tpu.memory_space<hbm>> -> memref<80xi32, #tpu.memory_space<hbm>>
      tpu.enqueue_dma source(%dma_start3A_157 : memref<80xi32, #tpu.memory_space<hbm>>) target(%arg8 : memref<80xi32, #tpu.memory_space<vmem>>) target_semaphore(%arg21 : memref<!tpu.dma_semaphore, #tpu.memory_space<semaphore_mem>>)
      %dma_wait3A_158 = arith.constant 0 : i32
      %dma_wait3A_159 = tpu.memref_slice %arg3[%dma_wait3A_158] : memref<320000xi32, #tpu.memory_space<hbm>> -> memref<80xi32, #tpu.memory_space<hbm>>
      %dma_wait3A_160 = arith.constant 0 : i32
      %dma_wait3A_161 = tpu.memref_slice %arg3[%dma_wait3A_160] : memref<320000xi32, #tpu.memory_space<hbm>> -> memref<80xi32, #tpu.memory_space<hbm>>
      tpu.wait_dma2 semaphore(%arg20 : memref<!tpu.dma_semaphore, #tpu.memory_space<semaphore_mem>>) src(%dma_wait3A_161 : memref<80xi32, #tpu.memory_space<hbm>>) dst(%arg7 : memref<80xi32, #tpu.memory_space<vmem>>)
      %dma_start3A_162 = arith.constant 0 : i32
      %dma_start3A_163 = arith.constant 0 : i32
      %dma_start3A_164 = tpu.memref_slice %arg2[%dma_start3A_162, %dma_start3A_163] : memref<10000x128xf32, #tpu.memory_space<hbm>> -> memref<10000x128xf32, #tpu.memory_space<hbm>>
      tpu.enqueue_indirect_dma source(%dma_start3A_164 : memref<10000x128xf32, #tpu.memory_space<hbm>>) target(%arg15 : memref<80x128xf32, #tpu.memory_space<vmem>>) offsets(%arg7 : memref<80xi32, #tpu.memory_space<vmem>>) semaphore(%arg22 : memref<!tpu.dma_semaphore, #tpu.memory_space<semaphore_mem>>)
      %dma_wait3A_165 = arith.constant 0 : i32
      %dma_wait3A_166 = arith.constant 0 : i32
      %dma_wait3A_167 = tpu.memref_slice %arg2[%dma_wait3A_165, %dma_wait3A_166] : memref<10000x128xf32, #tpu.memory_space<hbm>> -> memref<80x128xf32, #tpu.memory_space<hbm>>
      %dma_wait3A_168 = arith.constant 0 : i32
      %dma_wait3A_169 = arith.constant 0 : i32
      %dma_wait3A_170 = tpu.memref_slice %arg2[%dma_wait3A_168, %dma_wait3A_169] : memref<10000x128xf32, #tpu.memory_space<hbm>> -> memref<80x128xf32, #tpu.memory_space<hbm>>
      tpu.wait_dma2 semaphore(%arg27 : memref<!tpu.dma_semaphore, #tpu.memory_space<semaphore_mem>>) src(%dma_wait3A_170 : memref<80x128xf32, #tpu.memory_space<hbm>>) dst(%arg16 : memref<80x128xf32, #tpu.memory_space<vmem>>)
      %mul3A_171 = arith.constant 4 : i32
      %mul3A_172 = arith.muli %scan3A_86, %mul3A_171 : i32
      %add3A_173 = arith.constant 1 : i32
      %add3A_174 = arith.addi %mul3A_172, %add3A_173 : i32
      %add3A_175 = arith.constant 4 : i32
      %add3A_176 = arith.addi %add3A_174, %add3A_175 : i32
      %lt3A = arith.constant 125 : i32
      %lt3A_177 = arith.cmpi slt, %add3A_176, %lt3A : i32
      %convert_element_type3A = arith.extui %lt3A_177 : i1 to i32
      %cond3A = arith.constant 0 : i32
      %cond3A_178 = arith.cmpi ne, %convert_element_type3A, %cond3A : i32
      scf.if %cond3A_178 {
        %mul3A_213 = arith.constant 80 : i32
        %mul3A_214 = arith.muli %add3A_176, %mul3A_213 : i32
        %add3A_215 = arith.addi %mul3A_2, %mul3A_214 : i32
        %dma_start3A_216 = tpu.memref_slice %arg3[%add3A_215] : memref<320000xi32, #tpu.memory_space<hbm>> -> memref<80xi32, #tpu.memory_space<hbm>>
        %dma_start3A_217 = tpu.memref_slice %arg3[%add3A_215] : memref<320000xi32, #tpu.memory_space<hbm>> -> memref<80xi32, #tpu.memory_space<hbm>>
        tpu.enqueue_dma source(%dma_start3A_217 : memref<80xi32, #tpu.memory_space<hbm>>) target(%arg9 : memref<80xi32, #tpu.memory_space<vmem>>) target_semaphore(%arg24 : memref<!tpu.dma_semaphore, #tpu.memory_space<semaphore_mem>>)
        %dma_start3A_218 = tpu.memref_slice %arg4[%add3A_215] : memref<320000xi32, #tpu.memory_space<hbm>> -> memref<80xi32, #tpu.memory_space<hbm>>
        %dma_start3A_219 = tpu.memref_slice %arg4[%add3A_215] : memref<320000xi32, #tpu.memory_space<hbm>> -> memref<80xi32, #tpu.memory_space<hbm>>
        tpu.enqueue_dma source(%dma_start3A_219 : memref<80xi32, #tpu.memory_space<hbm>>) target(%arg10 : memref<80xi32, #tpu.memory_space<vmem>>) target_semaphore(%arg25 : memref<!tpu.dma_semaphore, #tpu.memory_space<semaphore_mem>>)
        %dma_wait3A_220 = arith.constant 0 : i32
        %dma_wait3A_221 = tpu.memref_slice %arg3[%dma_wait3A_220] : memref<320000xi32, #tpu.memory_space<hbm>> -> memref<80xi32, #tpu.memory_space<hbm>>
        %dma_wait3A_222 = arith.constant 0 : i32
        %dma_wait3A_223 = tpu.memref_slice %arg3[%dma_wait3A_222] : memref<320000xi32, #tpu.memory_space<hbm>> -> memref<80xi32, #tpu.memory_space<hbm>>
        tpu.wait_dma2 semaphore(%arg24 : memref<!tpu.dma_semaphore, #tpu.memory_space<semaphore_mem>>) src(%dma_wait3A_223 : memref<80xi32, #tpu.memory_space<hbm>>) dst(%arg9 : memref<80xi32, #tpu.memory_space<vmem>>)
        %dma_start3A_224 = arith.constant 0 : i32
        %dma_start3A_225 = arith.constant 0 : i32
        %dma_start3A_226 = tpu.memref_slice %arg2[%dma_start3A_224, %dma_start3A_225] : memref<10000x128xf32, #tpu.memory_space<hbm>> -> memref<10000x128xf32, #tpu.memory_space<hbm>>
        tpu.enqueue_indirect_dma source(%dma_start3A_226 : memref<10000x128xf32, #tpu.memory_space<hbm>>) target(%arg16 : memref<80x128xf32, #tpu.memory_space<vmem>>) offsets(%arg9 : memref<80xi32, #tpu.memory_space<vmem>>) semaphore(%arg26 : memref<!tpu.dma_semaphore, #tpu.memory_space<semaphore_mem>>)
      } else {
      }
      %dma_wait3A_179 = arith.constant 0 : i32
      %dma_wait3A_180 = arith.constant 0 : i32
      %dma_wait3A_181 = tpu.memref_slice %arg2[%dma_wait3A_179, %dma_wait3A_180] : memref<10000x128xf32, #tpu.memory_space<hbm>> -> memref<80x128xf32, #tpu.memory_space<hbm>>
      %dma_wait3A_182 = arith.constant 0 : i32
      %dma_wait3A_183 = arith.constant 0 : i32
      %dma_wait3A_184 = tpu.memref_slice %arg2[%dma_wait3A_182, %dma_wait3A_183] : memref<10000x128xf32, #tpu.memory_space<hbm>> -> memref<80x128xf32, #tpu.memory_space<hbm>>
      tpu.wait_dma2 semaphore(%arg31 : memref<!tpu.dma_semaphore, #tpu.memory_space<semaphore_mem>>) src(%dma_wait3A_184 : memref<80x128xf32, #tpu.memory_space<hbm>>) dst(%arg17 : memref<80x128xf32, #tpu.memory_space<vmem>>)
      %mul3A_185 = arith.constant 4 : i32
      %mul3A_186 = arith.muli %scan3A_86, %mul3A_185 : i32
      %add3A_187 = arith.constant 2 : i32
      %add3A_188 = arith.addi %mul3A_186, %add3A_187 : i32
      %add3A_189 = arith.constant 4 : i32
      %add3A_190 = arith.addi %add3A_188, %add3A_189 : i32
      %lt3A_191 = arith.constant 125 : i32
      %lt3A_192 = arith.cmpi slt, %add3A_190, %lt3A_191 : i32
      %convert_element_type3A_193 = arith.extui %lt3A_192 : i1 to i32
      %cond3A_194 = arith.constant 0 : i32
      %cond3A_195 = arith.cmpi ne, %convert_element_type3A_193, %cond3A_194 : i32
      scf.if %cond3A_195 {
        %mul3A_213 = arith.constant 80 : i32
        %mul3A_214 = arith.muli %add3A_190, %mul3A_213 : i32
        %add3A_215 = arith.addi %mul3A_2, %mul3A_214 : i32
        %dma_start3A_216 = tpu.memref_slice %arg3[%add3A_215] : memref<320000xi32, #tpu.memory_space<hbm>> -> memref<80xi32, #tpu.memory_space<hbm>>
        %dma_start3A_217 = tpu.memref_slice %arg3[%add3A_215] : memref<320000xi32, #tpu.memory_space<hbm>> -> memref<80xi32, #tpu.memory_space<hbm>>
        tpu.enqueue_dma source(%dma_start3A_217 : memref<80xi32, #tpu.memory_space<hbm>>) target(%arg11 : memref<80xi32, #tpu.memory_space<vmem>>) target_semaphore(%arg28 : memref<!tpu.dma_semaphore, #tpu.memory_space<semaphore_mem>>)
        %dma_start3A_218 = tpu.memref_slice %arg4[%add3A_215] : memref<320000xi32, #tpu.memory_space<hbm>> -> memref<80xi32, #tpu.memory_space<hbm>>
        %dma_start3A_219 = tpu.memref_slice %arg4[%add3A_215] : memref<320000xi32, #tpu.memory_space<hbm>> -> memref<80xi32, #tpu.memory_space<hbm>>
        tpu.enqueue_dma source(%dma_start3A_219 : memref<80xi32, #tpu.memory_space<hbm>>) target(%arg12 : memref<80xi32, #tpu.memory_space<vmem>>) target_semaphore(%arg29 : memref<!tpu.dma_semaphore, #tpu.memory_space<semaphore_mem>>)
        %dma_wait3A_220 = arith.constant 0 : i32
        %dma_wait3A_221 = tpu.memref_slice %arg3[%dma_wait3A_220] : memref<320000xi32, #tpu.memory_space<hbm>> -> memref<80xi32, #tpu.memory_space<hbm>>
        %dma_wait3A_222 = arith.constant 0 : i32
        %dma_wait3A_223 = tpu.memref_slice %arg3[%dma_wait3A_222] : memref<320000xi32, #tpu.memory_space<hbm>> -> memref<80xi32, #tpu.memory_space<hbm>>
        tpu.wait_dma2 semaphore(%arg28 : memref<!tpu.dma_semaphore, #tpu.memory_space<semaphore_mem>>) src(%dma_wait3A_223 : memref<80xi32, #tpu.memory_space<hbm>>) dst(%arg11 : memref<80xi32, #tpu.memory_space<vmem>>)
        %dma_start3A_224 = arith.constant 0 : i32
        %dma_start3A_225 = arith.constant 0 : i32
        %dma_start3A_226 = tpu.memref_slice %arg2[%dma_start3A_224, %dma_start3A_225] : memref<10000x128xf32, #tpu.memory_space<hbm>> -> memref<10000x128xf32, #tpu.memory_space<hbm>>
        tpu.enqueue_indirect_dma source(%dma_start3A_226 : memref<10000x128xf32, #tpu.memory_space<hbm>>) target(%arg17 : memref<80x128xf32, #tpu.memory_space<vmem>>) offsets(%arg11 : memref<80xi32, #tpu.memory_space<vmem>>) semaphore(%arg30 : memref<!tpu.dma_semaphore, #tpu.memory_space<semaphore_mem>>)
      } else {
      }
      %dma_wait3A_196 = arith.constant 0 : i32
      %dma_wait3A_197 = arith.constant 0 : i32
      %dma_wait3A_198 = tpu.memref_slice %arg2[%dma_wait3A_196, %dma_wait3A_197] : memref<10000x128xf32, #tpu.memory_space<hbm>> -> memref<80x128xf32, #tpu.memory_space<hbm>>
      %dma_wait3A_199 = arith.constant 0 : i32
      %dma_wait3A_200 = arith.constant 0 : i32
      %dma_wait3A_201 = tpu.memref_slice %arg2[%dma_wait3A_199, %dma_wait3A_200] : memref<10000x128xf32, #tpu.memory_space<hbm>> -> memref<80x128xf32, #tpu.memory_space<hbm>>
      tpu.wait_dma2 semaphore(%arg35 : memref<!tpu.dma_semaphore, #tpu.memory_space<semaphore_mem>>) src(%dma_wait3A_201 : memref<80x128xf32, #tpu.memory_space<hbm>>) dst(%arg18 : memref<80x128xf32, #tpu.memory_space<vmem>>)
      %mul3A_202 = arith.constant 4 : i32
      %mul3A_203 = arith.muli %scan3A_86, %mul3A_202 : i32
      %add3A_204 = arith.constant 3 : i32
      %add3A_205 = arith.addi %mul3A_203, %add3A_204 : i32
      %add3A_206 = arith.constant 4 : i32
      %add3A_207 = arith.addi %add3A_205, %add3A_206 : i32
      %lt3A_208 = arith.constant 125 : i32
      %lt3A_209 = arith.cmpi slt, %add3A_207, %lt3A_208 : i32
      %convert_element_type3A_210 = arith.extui %lt3A_209 : i1 to i32
      %cond3A_211 = arith.constant 0 : i32
      %cond3A_212 = arith.cmpi ne, %convert_element_type3A_210, %cond3A_211 : i32
      scf.if %cond3A_212 {
        %mul3A_213 = arith.constant 80 : i32
        %mul3A_214 = arith.muli %add3A_207, %mul3A_213 : i32
        %add3A_215 = arith.addi %mul3A_2, %mul3A_214 : i32
        %dma_start3A_216 = tpu.memref_slice %arg3[%add3A_215] : memref<320000xi32, #tpu.memory_space<hbm>> -> memref<80xi32, #tpu.memory_space<hbm>>
        %dma_start3A_217 = tpu.memref_slice %arg3[%add3A_215] : memref<320000xi32, #tpu.memory_space<hbm>> -> memref<80xi32, #tpu.memory_space<hbm>>
        tpu.enqueue_dma source(%dma_start3A_217 : memref<80xi32, #tpu.memory_space<hbm>>) target(%arg13 : memref<80xi32, #tpu.memory_space<vmem>>) target_semaphore(%arg32 : memref<!tpu.dma_semaphore, #tpu.memory_space<semaphore_mem>>)
        %dma_start3A_218 = tpu.memref_slice %arg4[%add3A_215] : memref<320000xi32, #tpu.memory_space<hbm>> -> memref<80xi32, #tpu.memory_space<hbm>>
        %dma_start3A_219 = tpu.memref_slice %arg4[%add3A_215] : memref<320000xi32, #tpu.memory_space<hbm>> -> memref<80xi32, #tpu.memory_space<hbm>>
        tpu.enqueue_dma source(%dma_start3A_219 : memref<80xi32, #tpu.memory_space<hbm>>) target(%arg14 : memref<80xi32, #tpu.memory_space<vmem>>) target_semaphore(%arg33 : memref<!tpu.dma_semaphore, #tpu.memory_space<semaphore_mem>>)
        %dma_wait3A_220 = arith.constant 0 : i32
        %dma_wait3A_221 = tpu.memref_slice %arg3[%dma_wait3A_220] : memref<320000xi32, #tpu.memory_space<hbm>> -> memref<80xi32, #tpu.memory_space<hbm>>
        %dma_wait3A_222 = arith.constant 0 : i32
        %dma_wait3A_223 = tpu.memref_slice %arg3[%dma_wait3A_222] : memref<320000xi32, #tpu.memory_space<hbm>> -> memref<80xi32, #tpu.memory_space<hbm>>
        tpu.wait_dma2 semaphore(%arg32 : memref<!tpu.dma_semaphore, #tpu.memory_space<semaphore_mem>>) src(%dma_wait3A_223 : memref<80xi32, #tpu.memory_space<hbm>>) dst(%arg13 : memref<80xi32, #tpu.memory_space<vmem>>)
        %dma_start3A_224 = arith.constant 0 : i32
        %dma_start3A_225 = arith.constant 0 : i32
        %dma_start3A_226 = tpu.memref_slice %arg2[%dma_start3A_224, %dma_start3A_225] : memref<10000x128xf32, #tpu.memory_space<hbm>> -> memref<10000x128xf32, #tpu.memory_space<hbm>>
        tpu.enqueue_indirect_dma source(%dma_start3A_226 : memref<10000x128xf32, #tpu.memory_space<hbm>>) target(%arg18 : memref<80x128xf32, #tpu.memory_space<vmem>>) offsets(%arg13 : memref<80xi32, #tpu.memory_space<vmem>>) semaphore(%arg34 : memref<!tpu.dma_semaphore, #tpu.memory_space<semaphore_mem>>)
      } else {
      }
    }
    %scan3A_61 = arith.constant 31 : i32
    %dma_wait3A_62 = arith.constant 0 : i32
    %dma_wait3A_63 = arith.constant 0 : i32
    %dma_wait3A_64 = tpu.memref_slice %arg2[%dma_wait3A_62, %dma_wait3A_63] : memref<10000x128xf32, #tpu.memory_space<hbm>> -> memref<80x128xf32, #tpu.memory_space<hbm>>
    %dma_wait3A_65 = arith.constant 0 : i32
    %dma_wait3A_66 = arith.constant 0 : i32
    %dma_wait3A_67 = tpu.memref_slice %arg2[%dma_wait3A_65, %dma_wait3A_66] : memref<10000x128xf32, #tpu.memory_space<hbm>> -> memref<80x128xf32, #tpu.memory_space<hbm>>
    tpu.wait_dma2 semaphore(%arg22 : memref<!tpu.dma_semaphore, #tpu.memory_space<semaphore_mem>>) src(%dma_wait3A_67 : memref<80x128xf32, #tpu.memory_space<hbm>>) dst(%arg15 : memref<80x128xf32, #tpu.memory_space<vmem>>)
    %dma_wait3A_68 = arith.constant 0 : i32
    %dma_wait3A_69 = tpu.memref_slice %arg4[%dma_wait3A_68] : memref<320000xi32, #tpu.memory_space<hbm>> -> memref<80xi32, #tpu.memory_space<hbm>>
    %dma_wait3A_70 = arith.constant 0 : i32
    %dma_wait3A_71 = tpu.memref_slice %arg4[%dma_wait3A_70] : memref<320000xi32, #tpu.memory_space<hbm>> -> memref<80xi32, #tpu.memory_space<hbm>>
    tpu.wait_dma2 semaphore(%arg21 : memref<!tpu.dma_semaphore, #tpu.memory_space<semaphore_mem>>) src(%dma_wait3A_71 : memref<80xi32, #tpu.memory_space<hbm>>) dst(%arg8 : memref<80xi32, #tpu.memory_space<vmem>>)
    %dma_start3A_72 = arith.constant 0 : i32
    %dma_start3A_73 = arith.constant 0 : i32
    %dma_start3A_74 = tpu.memref_slice %arg19[%dma_start3A_72, %dma_start3A_73] : memref<10240x128xf32, #tpu.memory_space<vmem_shared>> -> memref<10240x128xf32, #tpu.memory_space<vmem_shared>>
    tpu.enqueue_indirect_dma source(%arg15 : memref<80x128xf32, #tpu.memory_space<vmem>>) target(%dma_start3A_74 : memref<10240x128xf32, #tpu.memory_space<vmem_shared>>) offsets(%arg8 : memref<80xi32, #tpu.memory_space<vmem>>) semaphore(%arg23 : memref<!tpu.dma_semaphore, #tpu.memory_space<semaphore_mem>>) {add = true}
    %dma_wait3A_75 = arith.constant 0 : i32
    %dma_wait3A_76 = arith.constant 0 : i32
    %dma_wait3A_77 = tpu.memref_slice %arg2[%dma_wait3A_75, %dma_wait3A_76] : memref<10000x128xf32, #tpu.memory_space<hbm>> -> memref<80x128xf32, #tpu.memory_space<hbm>>
    %dma_wait3A_78 = arith.constant 0 : i32
    %dma_wait3A_79 = arith.constant 0 : i32
    %dma_wait3A_80 = tpu.memref_slice %arg2[%dma_wait3A_78, %dma_wait3A_79] : memref<10000x128xf32, #tpu.memory_space<hbm>> -> memref<80x128xf32, #tpu.memory_space<hbm>>
    tpu.wait_dma2 semaphore(%arg23 : memref<!tpu.dma_semaphore, #tpu.memory_space<semaphore_mem>>) src(%dma_wait3A_80 : memref<80x128xf32, #tpu.memory_space<hbm>>) dst(%arg15 : memref<80x128xf32, #tpu.memory_space<vmem>>)
    %barrier3A_81 = arith.constant 0 : index
    tpu.barrier barrier_id(%barrier3A_81)
    %mul3A_82 = arith.constant 640 : i32
    %mul3A_83 = arith.muli %arg1, %mul3A_82 : i32
    %mul3A_84 = arith.constant 640 : i32
    %mul3A_85 = arith.muli %arg1, %mul3A_84 : i32
    "tpu.region"() ({
      %run_scoped3A = tpu.sem_alloc : memref<!tpu.dma_semaphore, #tpu.memory_space<semaphore_mem>>
      %dma_start3A_86 = arith.constant 0 : i32
      %dma_start3A_87 = tpu.memref_slice %arg6[%arg0, %mul3A_85, %dma_start3A_86] : memref<2x10240x128xf32, #tpu.memory_space<hbm>> -> memref<1x640x128xf32, #tpu.memory_space<hbm>>
      %dma_start3A_88 = tpu.memref_squeeze %dma_start3A_87 : memref<1x640x128xf32, #tpu.memory_space<hbm>> -> memref<640x128xf32, #tpu.memory_space<hbm>>
      %dma_start3A_89 = arith.constant 0 : i32
      %dma_start3A_90 = tpu.memref_slice %arg19[%mul3A_83, %dma_start3A_89] : memref<10240x128xf32, #tpu.memory_space<vmem_shared>> -> memref<640x128xf32, #tpu.memory_space<vmem_shared>>
      tpu.enqueue_dma source(%dma_start3A_90 : memref<640x128xf32, #tpu.memory_space<vmem_shared>>) target(%dma_start3A_88 : memref<640x128xf32, #tpu.memory_space<hbm>>) target_semaphore(%run_scoped3A : memref<!tpu.dma_semaphore, #tpu.memory_space<semaphore_mem>>)
      %dma_wait3A_91 = arith.constant 0 : i32
      %dma_wait3A_92 = tpu.memref_slice %arg6[%arg0, %mul3A_85, %dma_wait3A_91] : memref<2x10240x128xf32, #tpu.memory_space<hbm>> -> memref<1x640x128xf32, #tpu.memory_space<hbm>>
      %dma_wait3A_93 = tpu.memref_squeeze %dma_wait3A_92 : memref<1x640x128xf32, #tpu.memory_space<hbm>> -> memref<640x128xf32, #tpu.memory_space<hbm>>
      %dma_wait3A_94 = arith.constant 0 : i32
      %dma_wait3A_95 = tpu.memref_slice %arg19[%mul3A_83, %dma_wait3A_94] : memref<10240x128xf32, #tpu.memory_space<vmem_shared>> -> memref<640x128xf32, #tpu.memory_space<vmem_shared>>
      tpu.wait_dma2 semaphore(%run_scoped3A : memref<!tpu.dma_semaphore, #tpu.memory_space<semaphore_mem>>) src(%dma_wait3A_95 : memref<640x128xf32, #tpu.memory_space<vmem_shared>>) dst(%dma_wait3A_93 : memref<640x128xf32, #tpu.memory_space<hbm>>)
      tpu.yield
    }) : () -> ()
    return
  }
}

module attributes {stable_mosaic.version = 14 : i64} {
  func.func @body(%arg0: i32, %arg1: memref<2x1000x128xf32, #tpu.memory_space<vmem>>, %arg2: memref<1000x128xf32, #tpu.memory_space<vmem>>, %arg3: memref<128x128xf32, #tpu.memory_space<vmem>>, %arg4: memref<1000x128xf32, #tpu.memory_space<vmem>>, %arg5: memref<1000x1xf32, #tpu.memory_space<vmem>>) attributes {dimension_semantics = [#tpu.dimension_semantics<arbitrary>], iteration_bounds = array<i64: 10>, scalar_prefetch = 0 : i64, scratch_operands = 0 : i64, tpu.core_type = #tpu.core_type<tc>, window_params = [{transform_indices = @transform_0, window_bounds = array<i64: 2, 1000, 128>}, {transform_indices = @transform_1, window_bounds = array<i64: 1000, 128>}, {pipeline_mode = #tpu.pipeline_mode<synchronous>, transform_indices = @transform_2, window_bounds = array<i64: 128, 128>}, {transform_indices = @transform_3, window_bounds = array<i64: 1000, 128>}, {transform_indices = @transform_4, window_bounds = array<i64: 1000, 1>}]} {
    %get3A = arith.constant 0 : index
    %get3A_0 = arith.constant 0 : index
    %get3A_1 = arith.constant 0 : index
    %get3A_2 = vector.load %arg1[%get3A, %get3A_0, %get3A_1] : memref<2x1000x128xf32, #tpu.memory_space<vmem>>, vector<1x1000x128xf32>
    %get3A_3 = vector.shape_cast %get3A_2 : vector<1x1000x128xf32> to vector<1000x128xf32>
    %get3A_4 = arith.constant 1 : index
    %get3A_5 = arith.constant 0 : index
    %get3A_6 = arith.constant 0 : index
    %get3A_7 = vector.load %arg1[%get3A_4, %get3A_5, %get3A_6] : memref<2x1000x128xf32, #tpu.memory_space<vmem>>, vector<1x1000x128xf32>
    %get3A_8 = vector.shape_cast %get3A_7 : vector<1x1000x128xf32> to vector<1000x128xf32>
    %slice3A = vector.extract_strided_slice %get3A_3 {offsets = [0, 0], sizes = [1000, 1], strides = [1, 1]} : vector<1000x128xf32> to vector<1000x1xf32>
    %slice3A_9 = vector.extract_strided_slice %get3A_8 {offsets = [0, 0], sizes = [1000, 1], strides = [1, 1]} : vector<1000x128xf32> to vector<1000x1xf32>
    %add3A = arith.addf %slice3A, %slice3A_9 : vector<1000x1xf32>
    %add3A_10 = arith.constant 1.000000e+00 : f32
    %add3A_11 = vector.broadcast %add3A_10 : f32 to vector<1000x1xf32>
    %add3A_12 = arith.addf %add3A, %add3A_11 : vector<1000x1xf32>
    %rsqrt3A = math.rsqrt %add3A_12 : vector<1000x1xf32>
    %get3A_13 = arith.constant 0 : index
    %get3A_14 = arith.constant 0 : index
    %get3A_15 = vector.load %arg2[%get3A_13, %get3A_14] : memref<1000x128xf32, #tpu.memory_space<vmem>>, vector<1000x128xf32>
    %get3A_16 = arith.constant 0 : index
    %get3A_17 = arith.constant 0 : index
    %get3A_18 = vector.load %arg3[%get3A_16, %get3A_17] : memref<128x128xf32, #tpu.memory_space<vmem>>, vector<128x128xf32>
    %dot_general3A = arith.constant dense<0.000000e+00> : vector<1000x128xf32>
    %dot_general3A_19 = tpu.matmul %get3A_15, %get3A_18, %dot_general3A {dimension_numbers = #tpu.dot_dimension_numbers<[1], [0], [0], [1], [0, 0, 1, 1], [], []>, transpose_lhs_hint = false} : vector<1000x128xf32>, vector<128x128xf32>, vector<1000x128xf32> -> vector<1000x128xf32>
    %mul3A = vector.broadcast %rsqrt3A : vector<1000x1xf32> to vector<1000x128xf32>
    %mul3A_20 = arith.mulf %mul3A, %dot_general3A_19 : vector<1000x128xf32>
    %swap3A = arith.constant 0 : index
    %swap3A_21 = arith.constant 0 : index
    %swap3A_22 = vector.load %arg4[%swap3A, %swap3A_21] : memref<1000x128xf32, #tpu.memory_space<vmem>>, vector<1000x128xf32>
    tpu.vector_store %arg4[%swap3A, %swap3A_21], %mul3A_20 {strides = array<i32>} : memref<1000x128xf32, #tpu.memory_space<vmem>>, vector<1000x128xf32>,
    %swap3A_23 = arith.constant 0 : index
    %swap3A_24 = arith.constant 0 : index
    %swap3A_25 = vector.load %arg5[%swap3A_23, %swap3A_24] : memref<1000x1xf32, #tpu.memory_space<vmem>>, vector<1000x1xf32>
    tpu.vector_store %arg5[%swap3A_23, %swap3A_24], %rsqrt3A {strides = array<i32>} : memref<1000x1xf32, #tpu.memory_space<vmem>>, vector<1000x1xf32>,
    return
  }
  func.func @transform_0(%arg0: i32) -> (i32, i32, i32) {
    %c0_i32 = arith.constant 0 : i32
    %c0_i32_0 = arith.constant 0 : i32
    %c0_i32_1 = arith.constant 0 : i32
    return %c0_i32, %arg0, %c0_i32_0 : i32, i32, i32
  }
  func.func @transform_1(%arg0: i32) -> (i32, i32) {
    %c0_i32 = arith.constant 0 : i32
    %c0_i32_0 = arith.constant 0 : i32
    return %arg0, %c0_i32 : i32, i32
  }
  func.func @transform_2(%arg0: i32) -> (i32, i32) {
    %c0_i32 = arith.constant 0 : i32
    %c0_i32_0 = arith.constant 0 : i32
    %c0_i32_1 = arith.constant 0 : i32
    return %c0_i32, %c0_i32_0 : i32, i32
  }
  func.func @transform_3(%arg0: i32) -> (i32, i32) {
    %c0_i32 = arith.constant 0 : i32
    %c0_i32_0 = arith.constant 0 : i32
    return %arg0, %c0_i32 : i32, i32
  }
  func.func @transform_4(%arg0: i32) -> (i32, i32) {
    %c0_i32 = arith.constant 0 : i32
    %c0_i32_0 = arith.constant 0 : i32
    return %arg0, %c0_i32 : i32, i32
  }
}

module attributes {stable_mosaic.version = 14 : i64} {
  func.func @body(%arg0: i32, %arg1: memref<2x1000x128xf32, #tpu.memory_space<vmem>>, %arg2: memref<1000x128xf32, #tpu.memory_space<vmem>>, %arg3: memref<1000x1xf32, #tpu.memory_space<vmem>>, %arg4: memref<1x128xf32, #tpu.memory_space<vmem>>, %arg5: memref<128x64xf32, #tpu.memory_space<vmem>>, %arg6: memref<1000x64xf32, #tpu.memory_space<vmem>>) attributes {dimension_semantics = [#tpu.dimension_semantics<arbitrary>], iteration_bounds = array<i64: 10>, scalar_prefetch = 0 : i64, scratch_operands = 0 : i64, tpu.core_type = #tpu.core_type<tc>, window_params = [{transform_indices = @transform_0, window_bounds = array<i64: 2, 1000, 128>}, {transform_indices = @transform_1, window_bounds = array<i64: 1000, 128>}, {transform_indices = @transform_2, window_bounds = array<i64: 1000, 1>}, {pipeline_mode = #tpu.pipeline_mode<synchronous>, transform_indices = @transform_3, window_bounds = array<i64: 1, 128>}, {pipeline_mode = #tpu.pipeline_mode<synchronous>, transform_indices = @transform_4, window_bounds = array<i64: 128, 64>}, {transform_indices = @transform_5, window_bounds = array<i64: 1000, 64>}]} {
    %get3A = arith.constant 0 : index
    %get3A_0 = arith.constant 0 : index
    %get3A_1 = vector.load %arg3[%get3A, %get3A_0] : memref<1000x1xf32, #tpu.memory_space<vmem>>, vector<1000x1xf32>
    %get3A_2 = arith.constant 0 : index
    %get3A_3 = arith.constant 0 : index
    %get3A_4 = arith.constant 0 : index
    %get3A_5 = vector.load %arg1[%get3A_2, %get3A_3, %get3A_4] : memref<2x1000x128xf32, #tpu.memory_space<vmem>>, vector<1x1000x128xf32>
    %get3A_6 = vector.shape_cast %get3A_5 : vector<1x1000x128xf32> to vector<1000x128xf32>
    %get3A_7 = arith.constant 1 : index
    %get3A_8 = arith.constant 0 : index
    %get3A_9 = arith.constant 0 : index
    %get3A_10 = vector.load %arg1[%get3A_7, %get3A_8, %get3A_9] : memref<2x1000x128xf32, #tpu.memory_space<vmem>>, vector<1x1000x128xf32>
    %get3A_11 = vector.shape_cast %get3A_10 : vector<1x1000x128xf32> to vector<1000x128xf32>
    %add3A = arith.addf %get3A_6, %get3A_11 : vector<1000x128xf32>
    %get3A_12 = arith.constant 0 : index
    %get3A_13 = arith.constant 0 : index
    %get3A_14 = vector.load %arg2[%get3A_12, %get3A_13] : memref<1000x128xf32, #tpu.memory_space<vmem>>, vector<1000x128xf32>
    %add3A_15 = arith.addf %add3A, %get3A_14 : vector<1000x128xf32>
    %mul3A = vector.broadcast %get3A_1 : vector<1000x1xf32> to vector<1000x128xf32>
    %mul3A_16 = arith.mulf %mul3A, %add3A_15 : vector<1000x128xf32>
    %get3A_17 = arith.constant 0 : index
    %get3A_18 = arith.constant 0 : index
    %get3A_19 = vector.load %arg4[%get3A_17, %get3A_18] : memref<1x128xf32, #tpu.memory_space<vmem>>, vector<1x128xf32>
    %add3A_20 = vector.broadcast %get3A_19 : vector<1x128xf32> to vector<1000x128xf32>
    %add3A_21 = arith.addf %mul3A_16, %add3A_20 : vector<1000x128xf32>
    %gt3A = arith.constant 0.000000e+00 : f32
    %gt3A_22 = vector.broadcast %gt3A : f32 to vector<1000x128xf32>
    %gt3A_23 = arith.cmpf ogt, %add3A_21, %gt3A_22 : vector<1000x128xf32>
    %min3A = arith.constant 0.000000e+00 : f32
    %min3A_24 = vector.broadcast %min3A : f32 to vector<1000x128xf32>
    %min3A_25 = arith.minimumf %add3A_21, %min3A_24 : vector<1000x128xf32>
    %exp3A = math.exp %min3A_25 : vector<1000x128xf32>
    %sub3A = arith.constant 1.000000e+00 : f32
    %sub3A_26 = vector.broadcast %sub3A : f32 to vector<1000x128xf32>
    %sub3A_27 = arith.subf %exp3A, %sub3A_26 : vector<1000x128xf32>
    %select_n3A = arith.select %gt3A_23, %add3A_21, %sub3A_27 : vector<1000x128xi1>, vector<1000x128xf32>
    %get3A_28 = arith.constant 0 : index
    %get3A_29 = arith.constant 0 : index
    %get3A_30 = vector.load %arg3[%get3A_28, %get3A_29] : memref<1000x1xf32, #tpu.memory_space<vmem>>, vector<1000x1xf32>
    %get3A_31 = arith.constant 0 : index
    %get3A_32 = arith.constant 0 : index
    %get3A_33 = vector.load %arg5[%get3A_31, %get3A_32] : memref<128x64xf32, #tpu.memory_space<vmem>>, vector<128x64xf32>
    %dot_general3A = arith.constant dense<0.000000e+00> : vector<1000x64xf32>
    %dot_general3A_34 = tpu.matmul %select_n3A, %get3A_33, %dot_general3A {dimension_numbers = #tpu.dot_dimension_numbers<[1], [0], [0], [1], [0, 0, 1, 1], [], []>, transpose_lhs_hint = false} : vector<1000x128xf32>, vector<128x64xf32>, vector<1000x64xf32> -> vector<1000x64xf32>
    %mul3A_35 = vector.broadcast %get3A_30 : vector<1000x1xf32> to vector<1000x64xf32>
    %mul3A_36 = arith.mulf %mul3A_35, %dot_general3A_34 : vector<1000x64xf32>
    %swap3A = arith.constant 0 : index
    %swap3A_37 = arith.constant 0 : index
    %swap3A_38 = vector.load %arg6[%swap3A, %swap3A_37] : memref<1000x64xf32, #tpu.memory_space<vmem>>, vector<1000x64xf32>
    tpu.vector_store %arg6[%swap3A, %swap3A_37], %mul3A_36 {strides = array<i32>} : memref<1000x64xf32, #tpu.memory_space<vmem>>, vector<1000x64xf32>,
    return
  }
  func.func @transform_0(%arg0: i32) -> (i32, i32, i32) {
    %c0_i32 = arith.constant 0 : i32
    %c0_i32_0 = arith.constant 0 : i32
    %c0_i32_1 = arith.constant 0 : i32
    return %c0_i32, %arg0, %c0_i32_0 : i32, i32, i32
  }
  func.func @transform_1(%arg0: i32) -> (i32, i32) {
    %c0_i32 = arith.constant 0 : i32
    %c0_i32_0 = arith.constant 0 : i32
    return %arg0, %c0_i32 : i32, i32
  }
  func.func @transform_2(%arg0: i32) -> (i32, i32) {
    %c0_i32 = arith.constant 0 : i32
    %c0_i32_0 = arith.constant 0 : i32
    return %arg0, %c0_i32 : i32, i32
  }
  func.func @transform_3(%arg0: i32) -> (i32, i32) {
    %c0_i32 = arith.constant 0 : i32
    %c0_i32_0 = arith.constant 0 : i32
    %c0_i32_1 = arith.constant 0 : i32
    return %c0_i32, %c0_i32_0 : i32, i32
  }
  func.func @transform_4(%arg0: i32) -> (i32, i32) {
    %c0_i32 = arith.constant 0 : i32
    %c0_i32_0 = arith.constant 0 : i32
    %c0_i32_1 = arith.constant 0 : i32
    return %c0_i32, %c0_i32_0 : i32, i32
  }
  func.func @transform_5(%arg0: i32) -> (i32, i32) {
    %c0_i32 = arith.constant 0 : i32
    %c0_i32_0 = arith.constant 0 : i32
    return %arg0, %c0_i32 : i32, i32
  }
}

module attributes {stable_mosaic.version = 14 : i64} {
  func.func @body(%arg0: memref<4x8xf32, #tpu.memory_space<vmem>>, %arg1: memref<8x128xf32, #tpu.memory_space<vmem>>, %arg2: memref<128x128xf32, #tpu.memory_space<vmem>>, %arg3: memref<1x128xf32, #tpu.memory_space<vmem>>, %arg4: memref<8x64xf32, #tpu.memory_space<vmem>>, %arg5: memref<64x64xf32, #tpu.memory_space<vmem>>, %arg6: memref<1x64xf32, #tpu.memory_space<vmem>>, %arg7: memref<4x1xf32, #tpu.memory_space<vmem>>) attributes {dimension_semantics = [], scalar_prefetch = 0 : i64, scratch_operands = 0 : i64, tpu.core_type = #tpu.core_type<tc>} {
    %get3A = arith.constant 0 : index
    %get3A_0 = arith.constant 0 : index
    %get3A_1 = vector.load %arg0[%get3A, %get3A_0] : memref<4x8xf32, #tpu.memory_space<vmem>>, vector<4x8xf32>
    %get3A_2 = arith.constant 0 : index
    %get3A_3 = arith.constant 0 : index
    %get3A_4 = vector.load %arg1[%get3A_2, %get3A_3] : memref<8x128xf32, #tpu.memory_space<vmem>>, vector<8x128xf32>
    %dot_general3A = arith.constant dense<0.000000e+00> : vector<4x128xf32>
    %dot_general3A_5 = tpu.matmul %get3A_1, %get3A_4, %dot_general3A {dimension_numbers = #tpu.dot_dimension_numbers<[1], [0], [0], [1], [0, 0, 1, 1], [], []>, transpose_lhs_hint = false} : vector<4x8xf32>, vector<8x128xf32>, vector<4x128xf32> -> vector<4x128xf32>
    %ge3A = arith.constant 0.000000e+00 : f32
    %ge3A_6 = vector.broadcast %ge3A : f32 to vector<4x128xf32>
    %ge3A_7 = arith.cmpf oge, %dot_general3A_5, %ge3A_6 : vector<4x128xf32>
    %mul3A = arith.constant 2.000000e-01 : f32
    %mul3A_8 = vector.broadcast %mul3A : f32 to vector<4x128xf32>
    %mul3A_9 = arith.mulf %mul3A_8, %dot_general3A_5 : vector<4x128xf32>
    %select_n3A = arith.select %ge3A_7, %dot_general3A_5, %mul3A_9 : vector<4x128xi1>, vector<4x128xf32>
    %get3A_10 = arith.constant 0 : index
    %get3A_11 = arith.constant 0 : index
    %get3A_12 = vector.load %arg2[%get3A_10, %get3A_11] : memref<128x128xf32, #tpu.memory_space<vmem>>, vector<128x128xf32>
    %dot_general3A_13 = arith.constant dense<0.000000e+00> : vector<4x128xf32>
    %dot_general3A_14 = tpu.matmul %select_n3A, %get3A_12, %dot_general3A_13 {dimension_numbers = #tpu.dot_dimension_numbers<[1], [0], [0], [1], [0, 0, 1, 1], [], []>, transpose_lhs_hint = false} : vector<4x128xf32>, vector<128x128xf32>, vector<4x128xf32> -> vector<4x128xf32>
    %get3A_15 = arith.constant 0 : index
    %get3A_16 = arith.constant 0 : index
    %get3A_17 = vector.load %arg3[%get3A_15, %get3A_16] : memref<1x128xf32, #tpu.memory_space<vmem>>, vector<1x128xf32>
    %add3A = vector.broadcast %get3A_17 : vector<1x128xf32> to vector<4x128xf32>
    %add3A_18 = arith.addf %dot_general3A_14, %add3A : vector<4x128xf32>
    %ge3A_19 = arith.constant 0.000000e+00 : f32
    %ge3A_20 = vector.broadcast %ge3A_19 : f32 to vector<4x128xf32>
    %ge3A_21 = arith.cmpf oge, %add3A_18, %ge3A_20 : vector<4x128xf32>
    %mul3A_22 = arith.constant 0.00999999977 : f32
    %mul3A_23 = vector.broadcast %mul3A_22 : f32 to vector<4x128xf32>
    %mul3A_24 = arith.mulf %mul3A_23, %add3A_18 : vector<4x128xf32>
    %select_n3A_25 = arith.select %ge3A_21, %add3A_18, %mul3A_24 : vector<4x128xi1>, vector<4x128xf32>
    %get3A_26 = arith.constant 0 : index
    %get3A_27 = arith.constant 0 : index
    %get3A_28 = vector.load %arg0[%get3A_26, %get3A_27] : memref<4x8xf32, #tpu.memory_space<vmem>>, vector<4x8xf32>
    %get3A_29 = arith.constant 0 : index
    %get3A_30 = arith.constant 0 : index
    %get3A_31 = vector.load %arg4[%get3A_29, %get3A_30] : memref<8x64xf32, #tpu.memory_space<vmem>>, vector<8x64xf32>
    %dot_general3A_32 = arith.constant dense<0.000000e+00> : vector<4x64xf32>
    %dot_general3A_33 = tpu.matmul %get3A_28, %get3A_31, %dot_general3A_32 {dimension_numbers = #tpu.dot_dimension_numbers<[1], [0], [0], [1], [0, 0, 1, 1], [], []>, transpose_lhs_hint = false} : vector<4x8xf32>, vector<8x64xf32>, vector<4x64xf32> -> vector<4x64xf32>
    %ge3A_34 = arith.constant 0.000000e+00 : f32
    %ge3A_35 = vector.broadcast %ge3A_34 : f32 to vector<4x64xf32>
    %ge3A_36 = arith.cmpf oge, %dot_general3A_33, %ge3A_35 : vector<4x64xf32>
    %mul3A_37 = arith.constant 2.000000e-01 : f32
    %mul3A_38 = vector.broadcast %mul3A_37 : f32 to vector<4x64xf32>
    %mul3A_39 = arith.mulf %mul3A_38, %dot_general3A_33 : vector<4x64xf32>
    %select_n3A_40 = arith.select %ge3A_36, %dot_general3A_33, %mul3A_39 : vector<4x64xi1>, vector<4x64xf32>
    %get3A_41 = arith.constant 0 : index
    %get3A_42 = arith.constant 0 : index
    %get3A_43 = vector.load %arg5[%get3A_41, %get3A_42] : memref<64x64xf32, #tpu.memory_space<vmem>>, vector<64x64xf32>
    %dot_general3A_44 = arith.constant dense<0.000000e+00> : vector<4x64xf32>
    %dot_general3A_45 = tpu.matmul %select_n3A_40, %get3A_43, %dot_general3A_44 {dimension_numbers = #tpu.dot_dimension_numbers<[1], [0], [0], [1], [0, 0, 1, 1], [], []>, transpose_lhs_hint = false} : vector<4x64xf32>, vector<64x64xf32>, vector<4x64xf32> -> vector<4x64xf32>
    %get3A_46 = arith.constant 0 : index
    %get3A_47 = arith.constant 0 : index
    %get3A_48 = vector.load %arg6[%get3A_46, %get3A_47] : memref<1x64xf32, #tpu.memory_space<vmem>>, vector<1x64xf32>
    %add3A_49 = vector.broadcast %get3A_48 : vector<1x64xf32> to vector<4x64xf32>
    %add3A_50 = arith.addf %dot_general3A_45, %add3A_49 : vector<4x64xf32>
    %ge3A_51 = arith.constant 0.000000e+00 : f32
    %ge3A_52 = vector.broadcast %ge3A_51 : f32 to vector<4x64xf32>
    %ge3A_53 = arith.cmpf oge, %add3A_50, %ge3A_52 : vector<4x64xf32>
    %mul3A_54 = arith.constant 0.00999999977 : f32
    %mul3A_55 = vector.broadcast %mul3A_54 : f32 to vector<4x64xf32>
    %mul3A_56 = arith.mulf %mul3A_55, %add3A_50 : vector<4x64xf32>
    %select_n3A_57 = arith.select %ge3A_53, %add3A_50, %mul3A_56 : vector<4x64xi1>, vector<4x64xf32>
    %mul3A_58 = arith.mulf %select_n3A_25, %select_n3A_25 : vector<4x128xf32>
    %reduce_sum3A = arith.constant dense<0.000000e+00> : vector<4xf32>
    %reduce_sum3A_59 = vector.multi_reduction <add>, %mul3A_58, %reduce_sum3A [1] : vector<4x128xf32> to vector<4xf32>
    %broadcast_in_dim3A = vector.shape_cast %reduce_sum3A_59 : vector<4xf32> to vector<4x1xf32>
    %mul3A_60 = arith.mulf %select_n3A_57, %select_n3A_57 : vector<4x64xf32>
    %reduce_sum3A_61 = arith.constant dense<0.000000e+00> : vector<4xf32>
    %reduce_sum3A_62 = vector.multi_reduction <add>, %mul3A_60, %reduce_sum3A_61 [1] : vector<4x64xf32> to vector<4xf32>
    %broadcast_in_dim3A_63 = vector.shape_cast %reduce_sum3A_62 : vector<4xf32> to vector<4x1xf32>
    %add3A_64 = arith.addf %broadcast_in_dim3A, %broadcast_in_dim3A_63 : vector<4x1xf32>
    %sqrt3A = math.sqrt %add3A_64 : vector<4x1xf32>
    %swap3A = arith.constant 0 : index
    %swap3A_65 = arith.constant 0 : index
    %swap3A_66 = vector.load %arg7[%swap3A, %swap3A_65] : memref<4x1xf32, #tpu.memory_space<vmem>>, vector<4x1xf32>
    tpu.vector_store %arg7[%swap3A, %swap3A_65], %sqrt3A {strides = array<i32>} : memref<4x1xf32, #tpu.memory_space<vmem>>, vector<4x1xf32>,
    return
  }
}

module attributes {stable_mosaic.version = 14 : i64} {
  func.func @body(%arg0: i32, %arg1: memref<2x1000x64xf32, #tpu.memory_space<vmem>>, %arg2: memref<1000x64xf32, #tpu.memory_space<vmem>>, %arg3: memref<1000x1xf32, #tpu.memory_space<vmem>>, %arg4: memref<1x64xf32, #tpu.memory_space<vmem>>, %arg5: memref<1000x64xf32, #tpu.memory_space<vmem>>) attributes {dimension_semantics = [#tpu.dimension_semantics<arbitrary>], iteration_bounds = array<i64: 10>, scalar_prefetch = 0 : i64, scratch_operands = 0 : i64, tpu.core_type = #tpu.core_type<tc>, window_params = [{transform_indices = @transform_0, window_bounds = array<i64: 2, 1000, 64>}, {transform_indices = @transform_1, window_bounds = array<i64: 1000, 64>}, {transform_indices = @transform_2, window_bounds = array<i64: 1000, 1>}, {pipeline_mode = #tpu.pipeline_mode<synchronous>, transform_indices = @transform_3, window_bounds = array<i64: 1, 64>}, {transform_indices = @transform_4, window_bounds = array<i64: 1000, 64>}]} {
    %get3A = arith.constant 0 : index
    %get3A_0 = arith.constant 0 : index
    %get3A_1 = arith.constant 0 : index
    %get3A_2 = vector.load %arg1[%get3A, %get3A_0, %get3A_1] : memref<2x1000x64xf32, #tpu.memory_space<vmem>>, vector<1x1000x64xf32>
    %get3A_3 = vector.shape_cast %get3A_2 : vector<1x1000x64xf32> to vector<1000x64xf32>
    %get3A_4 = arith.constant 1 : index
    %get3A_5 = arith.constant 0 : index
    %get3A_6 = arith.constant 0 : index
    %get3A_7 = vector.load %arg1[%get3A_4, %get3A_5, %get3A_6] : memref<2x1000x64xf32, #tpu.memory_space<vmem>>, vector<1x1000x64xf32>
    %get3A_8 = vector.shape_cast %get3A_7 : vector<1x1000x64xf32> to vector<1000x64xf32>
    %add3A = arith.addf %get3A_3, %get3A_8 : vector<1000x64xf32>
    %get3A_9 = arith.constant 0 : index
    %get3A_10 = arith.constant 0 : index
    %get3A_11 = vector.load %arg2[%get3A_9, %get3A_10] : memref<1000x64xf32, #tpu.memory_space<vmem>>, vector<1000x64xf32>
    %add3A_12 = arith.addf %add3A, %get3A_11 : vector<1000x64xf32>
    %get3A_13 = arith.constant 0 : index
    %get3A_14 = arith.constant 0 : index
    %get3A_15 = vector.load %arg3[%get3A_13, %get3A_14] : memref<1000x1xf32, #tpu.memory_space<vmem>>, vector<1000x1xf32>
    %mul3A = vector.broadcast %get3A_15 : vector<1000x1xf32> to vector<1000x64xf32>
    %mul3A_16 = arith.mulf %mul3A, %add3A_12 : vector<1000x64xf32>
    %get3A_17 = arith.constant 0 : index
    %get3A_18 = arith.constant 0 : index
    %get3A_19 = vector.load %arg4[%get3A_17, %get3A_18] : memref<1x64xf32, #tpu.memory_space<vmem>>, vector<1x64xf32>
    %add3A_20 = vector.broadcast %get3A_19 : vector<1x64xf32> to vector<1000x64xf32>
    %add3A_21 = arith.addf %mul3A_16, %add3A_20 : vector<1000x64xf32>
    %reduce_max3A = arith.constant dense<0xFF800000> : vector<1000xf32>
    %reduce_max3A_22 = vector.multi_reduction <maximumf>, %add3A_21, %reduce_max3A [1] : vector<1000x64xf32> to vector<1000xf32>
    %broadcast_in_dim3A = vector.shape_cast %reduce_max3A_22 : vector<1000xf32> to vector<1000x1xf32>
    %sub3A = vector.broadcast %broadcast_in_dim3A : vector<1000x1xf32> to vector<1000x64xf32>
    %sub3A_23 = arith.subf %add3A_21, %sub3A : vector<1000x64xf32>
    %exp3A = math.exp %sub3A_23 : vector<1000x64xf32>
    %sub3A_24 = vector.broadcast %broadcast_in_dim3A : vector<1000x1xf32> to vector<1000x64xf32>
    %sub3A_25 = arith.subf %add3A_21, %sub3A_24 : vector<1000x64xf32>
    %reduce_sum3A = arith.constant dense<0.000000e+00> : vector<1000xf32>
    %reduce_sum3A_26 = vector.multi_reduction <add>, %exp3A, %reduce_sum3A [1] : vector<1000x64xf32> to vector<1000xf32>
    %broadcast_in_dim3A_27 = vector.shape_cast %reduce_sum3A_26 : vector<1000xf32> to vector<1000x1xf32>
    %log3A = math.log %broadcast_in_dim3A_27 : vector<1000x1xf32>
    %sub3A_28 = vector.broadcast %log3A : vector<1000x1xf32> to vector<1000x64xf32>
    %sub3A_29 = arith.subf %sub3A_25, %sub3A_28 : vector<1000x64xf32>
    %swap3A = arith.constant 0 : index
    %swap3A_30 = arith.constant 0 : index
    %swap3A_31 = vector.load %arg5[%swap3A, %swap3A_30] : memref<1000x64xf32, #tpu.memory_space<vmem>>, vector<1000x64xf32>
    tpu.vector_store %arg5[%swap3A, %swap3A_30], %sub3A_29 {strides = array<i32>} : memref<1000x64xf32, #tpu.memory_space<vmem>>, vector<1000x64xf32>,
    return
  }
  func.func @transform_0(%arg0: i32) -> (i32, i32, i32) {
    %c0_i32 = arith.constant 0 : i32
    %c0_i32_0 = arith.constant 0 : i32
    %c0_i32_1 = arith.constant 0 : i32
    return %c0_i32, %arg0, %c0_i32_0 : i32, i32, i32
  }
  func.func @transform_1(%arg0: i32) -> (i32, i32) {
    %c0_i32 = arith.constant 0 : i32
    %c0_i32_0 = arith.constant 0 : i32
    return %arg0, %c0_i32 : i32, i32
  }
  func.func @transform_2(%arg0: i32) -> (i32, i32) {
    %c0_i32 = arith.constant 0 : i32
    %c0_i32_0 = arith.constant 0 : i32
    return %arg0, %c0_i32 : i32, i32
  }
  func.func @transform_3(%arg0: i32) -> (i32, i32) {
    %c0_i32 = arith.constant 0 : i32
    %c0_i32_0 = arith.constant 0 : i32
    %c0_i32_1 = arith.constant 0 : i32
    return %c0_i32, %c0_i32_0 : i32, i32
  }
  func.func @transform_4(%arg0: i32) -> (i32, i32) {
    %c0_i32 = arith.constant 0 : i32
    %c0_i32_0 = arith.constant 0 : i32
    return %arg0, %c0_i32 : i32, i32
  }
}

</mosaic_0001>

<sc_bundles>
// kernel: kernel.12.cloned.1.call-start
scs
__scs_entry_jumppad:
0x0: {  	(pc) =	sbr.rel $0x88, $3  }
0x1: {  	(tag) =	ssettag $0x0;
	lr =	simm.s32 $0x1  }
0x2: {  	[smem:$0x3F94] =	sst lr;
	_ =	strace $0xD0000000  }
0x3: {  	_ = 	snop  }
0x4: {  	_ = 	snop  }
0x5: {  	_ = 	snop  }
0x6: {  	_ = 	snop  }
0x7: {  	_ = 	snop  }
__scs_overlays_trampoline_lowered:
0x8: {  	[smem:$0x3FA3] =	sst s0  }
0x9: {  	[smem:$0x3FA4] =	sst s1  }
0xa: {  	[smem:$0x3FA5] =	sst s2  }
0xb: {  	[smem:$0x3FA6] =	sst s3  }
0xc: {  	[smem:$0x3FA7] =	sst s4  }
0xd: {  	[smem:$0x3FA8] =	sst s5  }
0xe: {  	[smem:$0x3FA9] =	sst s6  }
0xf: {  	[smem:$0x3FAA] =	sst s7  }
0x10: {  	[smem:$0x3FAB] =	sst s8  }
0x11: {  	[smem:$0x3FAC] =	sst s9;
	s0 =	simm.s32 @!p0 $0x0  }
0x12: {  	s1 =	sld [smem:$0x3F92];
	s0 =	simm.s32 @p0 $0x1  }
0x13: {  	[smem:$0x3FAD] =	sst s0;
	s0 =	simm.s32 @!p1 $0x0  }
0x14: {  	s2 =	sld [smem:$0x3F91];
	s0 =	simm.s32 @p1 $0x1  }
0x15: {  	[smem:$0x3FAE] =	sst s0;
	s0 =	simm.s32 @!p2 $0x0  }
0x16: {  	s3 =	sld [smem:$0x3FDB];
	s0 =	simm.s32 @p2 $0x1  }
0x17: {  	s4 =	simm.s32 $0x1BF5;
	[smem:$0x3FB0] =	sst s0  }
0x18: {  	s0 =	sld [smem:$0x3F93];
	_ =	swait.ge [sflag:s4], $0x0  }
0x19: {  	s7 =	sld [smem:$0x3F94]  }
0x1a: {  	s8 =	sadd.s32 $0xFFFFE003, lr  }
0x1b: {  	s9 =	sadd.s32 $0xFFFFFEF7, lr;
	s5 =	simm.s32 $0xFFFFFFFF;
	p2 =	slt.u32 s8, $0xFFFFF086  }
0x1c: {  	p1 =	slt.u32 s9, $0xF7A;
	s5 =	simm.s32 @!p2 $0x0  }
0x1d: {  	s5 =	simm.s32 @p1 $0x1;
	p0 =	seq.s32 s7, s2  }
0x1e: {  	s7 =	smul.u32 @!p0 $0xF7A, s2;
	p2 =	seq.s32 @!p0 s5, $0x0  }
0x1f: {  	s9 =	smul.u32 $0xF7A, s1;
	s8 =	simm.s32 @!p0 $0x1BF5;
	p2 =	por !p2, p0  }
0x20: {  	[sflag:s8] =	ssyncset.s32 @!p0 $0xFFFFF086;
	s6 =	sadd.s32 @!p0 s3, s7;
	s7 =	simm.s32 @!p0 $0x108  }
0x21: {  	s3 =	sadd.s32 s3, s9;
	s6 =	sadd.s32 @!p0 $0x88, s6;
	s7 =	simm.s32 @p2 $0x1082  }
0x22: {  	[simem:s7], [sflag:s8] =	dma.local @!p0 [hbm:s6], $0xF7A  }
0x23: {  	s9 =	sor.u32 $0xD0000000, s2;
	s6 =	simm.s32 $0x108;
	_ =	swait.ge @!p0 [sflag:s8], $0x0  }
0x24: {  	s3 =	sadd.s32 $0x88, s3;
	s6 =	simm.s32 @!p1 $0x1082;
	[sflag:s4] =	ssyncset.s32 $0xFFFFF086  }
0x25: {  	[simem:s6], [sflag:s4] =	dma.local [hbm:s3], $0xF7A  }
0x26: {  	[smem:$0x3F94] =	sst s1;
	(tag) =	ssettag s2;
	_ =	strace s9  }
0x27: {  	s1 =	sld [smem:$0x3FA4]  }
0x28: {  	s2 =	sld [smem:$0x3FA5]  }
0x29: {  	s4 =	sld [smem:$0x3FA7]  }
0x2a: {  	p0 =	seq.s32 s5, $0x0;
	s5 =	sld [smem:$0x3FA8]  }
0x2b: {  	s6 =	sld [smem:$0x3FA9]  }
0x2c: {  	s7 =	sld [smem:$0x3FAA]  }
0x2d: {  	s3 =	simm.s32 $0x108;
	s8 =	sld [smem:$0x3FAB]  }
0x2e: {  	s3 =	simm.s32 @!p0 $0x1082;
	s9 =	sld [smem:$0x3FAC]  }
0x2f: {  	lr =	sadd.s32 s0, s3;
	s0 =	sld [smem:$0x3FA3]  }
0x30: {  	s3 =	sld [smem:$0x3FA6]  }
0x31: {  	[smem:$0x3FAF] =	sst s10  }
0x32: {  	s10 =	sld [smem:$0x3FAD];
	_ =	sdelay $0x3  }
0x33: {  	p0 =	seq.s32 s10, $0x1;
	s10 =	sld [smem:$0x3FAF];
	_ =	sdelay $0x3  }
0x34: {  	[smem:$0x3FAF] =	sst s10  }
0x35: {  	s10 =	sld [smem:$0x3FAE];
	_ =	sdelay $0x3  }
0x36: {  	p1 =	seq.s32 s10, $0x1;
	s10 =	sld [smem:$0x3FAF];
	_ =	sdelay $0x3  }
0x37: {  	[smem:$0x3FAF] =	sst s10  }
0x38: {  	s10 =	sld [smem:$0x3FB0]  }
0x39: {  	_ = 	snop;
	(pc) =	sbr.ind lr, $3  }
0x3a: {  	_ = 	snop  }
0x3b: {  	_ = 	snop  }
0x3c: {  	p2 =	seq.s32 s10, $0x1;
	s10 =	sld [smem:$0x3FAF]  }
0x3d: {  	_ =	shalt  }
0x3e: {  	_ =	shalt  }
0x3f: {  	_ =	shalt  }
0x40: {  	_ =	shalt  }
0x41: {  	_ =	shalt  }
0x42: {  	_ =	shalt  }
0x43: {  	_ =	shalt  }
0x44: {  	_ =	shalt  }
0x45: {  	_ =	shalt  }
0x46: {  	_ =	shalt  }
0x47: {  	_ =	shalt  }
0x48: {  	_ =	shalt  }
0x49: {  	_ =	shalt  }
0x4a: {  	_ =	shalt  }
0x4b: {  	_ =	shalt  }
0x4c: {  	_ =	shalt  }
0x4d: {  	_ =	shalt  }
0x4e: {  	_ =	shalt  }
0x4f: {  	_ =	shalt  }
0x50: {  	_ =	shalt  }
0x51: {  	_ =	shalt  }
0x52: {  	_ =	shalt  }
0x53: {  	_ =	shalt  }
0x54: {  	_ =	shalt  }
0x55: {  	_ =	shalt  }
0x56: {  	_ =	shalt  }
0x57: {  	_ =	shalt  }
0x58: {  	_ =	shalt  }
0x59: {  	_ =	shalt  }
0x5a: {  	_ =	shalt  }
0x5b: {  	_ =	shalt  }
0x5c: {  	_ =	shalt  }
0x5d: {  	_ =	shalt  }
0x5e: {  	_ =	shalt  }
0x5f: {  	_ =	shalt  }
0x60: {  	_ =	shalt  }
0x61: {  	_ =	shalt  }
0x62: {  	_ =	shalt  }
0x63: {  	_ =	shalt  }
0x64: {  	_ =	shalt  }
0x65: {  	_ =	shalt  }
0x66: {  	_ =	shalt  }
0x67: {  	_ =	shalt  }
0x68: {  	_ =	shalt  }
0x69: {  	_ =	shalt  }
0x6a: {  	_ =	shalt  }
0x6b: {  	_ =	shalt  }
0x6c: {  	_ =	shalt  }
0x6d: {  	_ =	shalt  }
0x6e: {  	_ =	shalt  }
0x6f: {  	_ =	shalt  }
0x70: {  	_ =	shalt  }
0x71: {  	_ =	shalt  }
0x72: {  	_ =	shalt  }
0x73: {  	_ =	shalt  }
0x74: {  	_ =	shalt  }
0x75: {  	_ =	shalt  }
0x76: {  	_ =	shalt  }
0x77: {  	_ =	shalt  }
0x78: {  	_ =	shalt  }
0x79: {  	_ =	shalt  }
0x7a: {  	_ =	shalt  }
0x7b: {  	_ =	shalt  }
0x7c: {  	_ =	shalt  }
0x7d: {  	_ =	shalt  }
0x7e: {  	_ =	shalt  }
0x7f: {  	_ =	shalt  }
0x80: {  	_ =	shalt  }
0x81: {  	_ =	shalt  }
0x82: {  	_ =	shalt  }
0x83: {  	_ =	shalt  }
0x84: {  	_ =	shalt  }
0x85: {  	_ =	shalt  }
0x86: {  	_ =	shalt  }
0x87: {  	_ =	shalt  }
.Lfunc_end0:
.L_simem_size_0:
called_computation.1_lowered:
.L_overlay_start_0:
0x88: {  	s2 =	sld [smem:$0x3FD9]  }
0x89: {  	s3 =	sld [smem:$0x3FFE];
	_ =	sdelay $0x1  }
0x8a: {  	s1 =	srdreg.scid  }
0x8b: {  	s0 =	sand.u32 $0x1, s1  }
0x8c: {  	s16 =	sshll.u32 s0, $0xA;
	s2 =	sadd.s32 s3, s2  }
0x8d: {  	s2 =	sadd.s32 s2, s16  }
0x8e: {  	[smem:$0x3FBB] =	sst s2  }
0x8f: {  	_ = 	snop  }
0x90: {  	(tm) =	ssettm $0x1  }
0x91: {  	s17 =	sld [smem:$0x3FFB];
	_ =	sdelay $0x3  }
0x92: {  	_ =	strace s17  }
0x93: {  	s2 =	sld [smem:$0x3FFC];
	_ =	sdelay $0x3  }
0x94: {  	_ =	strace s2  }
0x95: {  	s2 =	sld [smem:$0x3FFD];
	_ =	sdelay $0x3  }
0x96: {  	_ =	strace s2  }
0x97: {  	_ =	strace $0x8FFFFFFF  }
0x98: {  	s18 =	sld [smem:$0x3FDB];
	_ =	sdelay $0x1  }
0x99: {  	s19 =	simm.s32 $_scs_section_size  }
0x9a: {  	s4 =	simm.s32 $_size__tile_overlayer_lowered;
	s5 =	simm.s32 $_tile_overlayer_lowered  }
0x9b: {  	s22 =	simm.s32 $0x1BFF;
	s21 =	sshll.u32 s5, $0x1;
	s2 =	sadd.s32 s19, s18  }
0x9c: {  	s6 =	simm.s32 $0x0;
	s20 =	sshll.u32 s4, $0x1;
	s4 =	sadd.s32 s21, s2  }
0x9d: {  	[timem:s6], [sflag:s22] =	dma.local [hbm:s4], s20  }
0x9e: {  	_ =	swait.ge [sflag:s22], s20  }
0x9f: {  	s3 =	ssub.s32 $0x0, s20;
	[sflag:s22] =	ssyncset.done $0x0  }
0xa0: {  	[sflag:s22] =	ssyncadd.s32 s3;
	_ =	sdelay $0x1  }
0xa1: {  	s23 =	simm.s32 $0x1B8B  }
0xa2: {  	_ =	swait.ge [sflag:s23], $0x1  }
0xa3: {  	[sflag:s23] =	ssyncset.done $0x0  }
0xa4: {  	s25 =	simm.s32 $0x1B8E;
	s24 =	sld [smem:$0x3FFE];
	[sflag:s23] =	ssyncadd.s32 $0xFFFFFFFF  }
0xa5: {  	s26 =	simm.s32 $execute0_lowered;
	[smem:$0x3FD2] =	sst s25  }
0xa6: {  	s4 =	sshll.u32 s26, $0x1;
	_ =	strace $0x80000049;
	[dreg:$0x1] =	wrdreg $0xFFFFFFFF  }
0xa7: {  	s28 =	simm.s32 $_size_execute0_lowered;
	s2 =	sadd.s32 s2, s4;
	[dreg:$0x0] =	wrdreg $0x0  }
0xa8: {  	s4 =	sshll.u32 s28, $0x1;
	[dreg:$0x2] =	wrdreg s2  }
0xa9: {  	[dreg:$0x3] =	wrdreg s4  }
0xaa: {  	[dreg:$0x4] =	wrdreg $0xC0  }
0xab: {  	_ =	task [dreg:s6], $0x5FFFF  }
0xac: {  	[dreg:$0x1] =	wrdreg $0xFFFFFFFF  }
0xad: {  	[dreg:$0x0] =	wrdreg $0x60  }
0xae: {  	[dreg:$0x2] =	wrdreg s24  }
0xaf: {  	[dreg:$0x3] =	wrdreg $0xA4000  }
0xb0: {  	[dreg:$0x4] =	wrdreg $0x9  }
0xb1: {  	_ =	task.clear_ibuf [dreg:s6], $0x5FFFF;
	_ =	strace $0x90000049  }
0xb2: {  	s29 =	simm.s32 $0x9;
	_ =	strace $0x8000004B  }
0xb3: {  	_ =	swait.ge [sflag:s29], $0x1  }
0xb4: {  	[sflag:s29] =	ssyncadd.s32 $0xFFFFFFFF  }
0xb5: {  	_ =	strace $0x9000004B  }
0xb6: {  	_ =	sfence  }
0xb7: {  	s30 =	sld [smem:$0x0];
	_ =	sdelay $0x2  }
0xb8: {  	s31 =	sshll.u32 s1, $0xD;
	s1 =	sshrl.u32 s1, $0x2  }
0xb9: {  	s3 =	sand.u32 $0x4000, s31;
	s1 =	sadd.s32 s1, s30  }
0xba: {  	s0 =	sor.u32 s3, s0;
	s1 =	sshll.u32 s1, $0x11  }
0xbb: {  	s0 =	sor.u32 s1, s0  }
0xbc: {  	s0 =	sadd.s32 $0x8F2B, s0  }
0xbd: {  	[sflag:s0] =	ssyncadd.remote.s32 $0x1  }
0xbe: {  	_ =	sfence.sel $0xFFFF  }
0xbf: {  	[dreg:$0x0] =	wrdreg $0xFFFFFFFF;
	(pc) =	sbr.abs _section_cstart, $3  }
0xc0: {  	[dreg:$0x1] =	wrdreg $0xFFFFFFFF  }
0xc1: {  	_ =	task.clear_ibuf [dreg:s6], $0x2FFFF;
	_ =	strace $0x9FFFFFFF  }
0xc2: {  	(tm) =	ssettm $0x7FFFFFFF  }
0xc3: {  	_ =	shalt  }
tec
execute0_lowered:
.L_overlay_start_1:
0x0: {  	(tag) =	ssettag $0x1  }
0x1: {  	s0 =	rddreg [dreg:$0x0]  }
0x2: {  	s1 =	rddreg [dreg:$0x1];
	s3 =	simm.s32 $0x0;
	s10 =	stileid.u32  }
0x3: {  	s2 =	srdreg.scid;
	s30 =	simm.s32 $0x180;
	s31 =	simm.s32 $0x280  }
0x4: {  	[smem:$0x7FF] =	sst s3;
	s4 =	sadd.s32 $0x34A00, s0;
	s5 =	smul.u32 $0x14000, s10  }
0x5: {  	s2 =	sand.u32 $0x1, s2;
	s11 =	sadd.s32 $0x2C00, s0;
	s28 =	smul.u32 $0x50000, s10  }
0x6: {  	s12 =	sadd.s32 $0x85000, s0;
	_ =	strace $0x8000004A;
	s6 =	smul.u32 $0x140000, s2  }
0x7: {  	s7 =	sshll.u32 s2, $0x4;
	s23 =	ssub.s32 $0x2, s2;
	[dreg:$0x4] =	wrdreg s12  }
0x8: {  	s2 =	smul.u32 $0x27100, s2;
	[dreg:$0x3] =	wrdreg s11;
	s8 =	sshrl.u32 s5, $0x3  }
0x9: {  	s7 =	sor.u32 s10, s7;
	s9 =	sshrl.u32 s23, $0x1;
	s10 =	smul.u32 $0x2710, s10  }
0xa: {  	s17 =	sshrl.u32 s28, $0x2;
	s5 =	sadd.s32 s5, s6;
	s7 =	smul.u32 $0x2710, s7  }
0xb: {  	s8 =	sadd.s32 s8, s0;
	s24 =	ssub.s32 s23, s9;
	s18 =	sadd.s32 s17, s1  }
0xc: {  	s1 =	simm.s32 $0x11;
	s17 =	simm.s32 $0x3;
	s5 =	sshrl.u32 s5, $0x3  }
0xd: {  	s2 =	sadd.s32 s10, s2;
	[dreg:$0xd] =	wrdreg s18;
	s20 =	sadd.s32 $0xCA00, s8  }
0xe: {  	s8 =	simm.s32 $0x50;
	s10 =	simm.s32 $0x5;
	s18 =	simm.s32 $0x2  }
0xf: {  	s0 =	sadd.s32 s5, s0;
	s25 =	sshrl.u32 s7, $0x3;
	s19 =	sadd.s32 $0x230, s2  }
0x10: {  	[dreg:$0xe] =	wrdreg s20;
	s5 =	smax.u32 s24, $0x1;
	s23 =	sadd.s32 $0x1E0, s2  }
0x11: {  	s20 =	simm.s32 $0xE;
	s7 =	sadd.s32 s11, s25;
	s26 =	sadd.s32 $0xA, s25  }
0x12: {  	s13 =	sadd.s32 s12, s25;
	s14 =	sadd.s32 $0x14, s25;
	[dreg:$0x10] =	wrdreg s5  }
0x13: {  	s6 =	sadd.s32 $0x1E, s25;
	s0 =	sadd.s32 $0x8EE00, s0;
	[dreg:$0x5] =	wrdreg s7  }
0x14: {  	s21 =	sshrl.u32 s19, $0x3;
	s24 =	sshrl.u32 s23, $0x3;
	[dreg:$0x6] =	wrdreg s13  }
0x15: {  	s25 =	sadd.s32 $0x190, s2;
	s29 =	sadd.s32 s11, s26;
	[dreg:$0xf] =	wrdreg s0  }
0x16: {  	s19 =	simm.s32 $0xF;
	s7 =	sadd.s32 s12, s26;
	[dreg:$0x7] =	wrdreg s29  }
0x17: {  	s23 =	simm.s32 $0xC;
	s15 =	sadd.s32 s11, s14;
	[dreg:$0x8] =	wrdreg s7  }
0x18: {  	s16 =	sadd.s32 s11, s6;
	s6 =	sadd.s32 s12, s6;
	[dreg:$0x9] =	wrdreg s15  }
0x19: {  	s22 =	sadd.s32 s21, s12;
	s0 =	sadd.s32 s21, s11;
	[dreg:$0xb] =	wrdreg s16  }
0x1a: {  	s26 =	sadd.s32 s24, s12;
	s28 =	sshrl.u32 s25, $0x3;
	[dreg:$0xc] =	wrdreg s6  }
0x1b: {  	s13 =	simm.s32 $0x5400;
	s25 =	simm.s32 $0x7;
	[dreg:$0x11] =	wrdreg s22  }
0x1c: {  	s21 =	simm.s32 $0x4;
	s7 =	sadd.s32 s12, s14;
	[dreg:$0x12] =	wrdreg s0  }
0x1d: {  	[dreg:$0x13] =	wrdreg s26;
	s0 =	sadd.s32 s24, s11;
	s5 =	sadd.s32 s28, s12  }
0x1e: {  	s29 =	sadd.s32 $0x140, s2;
	s26 =	simm.s32 $0x380;
	s12 =	simm.s32 $0x9  }
0x1f: {  	s14 =	simm.s32 $0xD;
	s16 =	simm.s32 $0x6;
	s6 =	simm.s32 $0xA  }
.Ltmp0:
0x20: {  	s22 =	simm.s32 $0x8;
	[dreg:$0xa] =	wrdreg s7;
	(pc) =	sbr.rel .LBB2_1-.Ltmp0, $4  }
0x21: {  	s24 =	simm.s32 $0x10;
	s2 =	simm.s32 $0x0;
	[dreg:$0x14] =	wrdreg s0  }
0x22: {  	s15 =	simm.s32 $0x400;
	[dreg:$0x15] =	wrdreg s5;
	s0 =	sadd.s32 s28, s11  }
0x23: {  	[dreg:$0x17] =	wrdreg s29;
	s7 =	simm.s32 $0x1;
	s11 =	simm.s32 $0x2C00  }
0x24: {  	s5 =	simm.s32 $0xB;
	[dreg:$0x16] =	wrdreg s0;
	s0 =	simm.s32 $0x80  }
.LBB2_4:
0x25: {  	_ =	swait.ge [sflag:s23], $0x2800  }
0x26: {  	[sflag:s23] =	ssyncset.done $0x0  }
0x27: {  	[sflag:s23] =	ssyncadd.s32 $0xFFFFD800  }
0x28: {  	_ =	swait.ge [sflag:s24], $0x2800  }
0x29: {  	[sflag:s24] =	ssyncset.done $0x0  }
0x2a: {  	[sflag:s24] =	ssyncadd.s32 $0xFFFFD800  }
0x2b: {  	_ =	swait.ge [sflag:s17], $0x2800  }
0x2c: {  	[sflag:s17] =	ssyncset.done $0x0  }
0x2d: {  	[sflag:s17] =	ssyncadd.s32 $0xFFFFD800  }
0x2e: {  	_ =	swait.ge [sflag:s18], $0x50  }
0x2f: {  	[sflag:s18] =	ssyncset.done $0x0  }
0x30: {  	[sflag:s18] =	ssyncadd.s32 $0xFFFFFFB0  }
0x31: {  	s0 =	simm.s32 $0x80;
	s2 =	simm.s32 $0x400;
	s1 =	rddreg [dreg:$0x1]  }
0x32: {  	[spmem:s1] =	stream.indirect.scatter.add.f32 [tilespmem:s2], [sflag:$0x4], $0x80, s0, s8, $0xb8;
	[tilespmem:$0x1E400] =	vst v63  }
0x33: {  	_ =	swait.ge [sflag:s21], $0x2800  }
0x34: {  	[sflag:s21] =	ssyncset.done $0x0  }
0x35: {  	[sflag:s21] =	ssyncadd.s32 $0xFFFFD800  }
0x36: {  	[bflag:$0x0] =	sbarrier.arrive $0xFFFF  }
0x37: {  	s28 =	rddreg [dreg:$0xf]  }
0x38: {  	s13 =	rddreg [dreg:$0x19]  }
0x39: {  	s1 =	simm.s32 $0x11;
	s26 =	rddreg [dreg:$0x1a]  }
0x3a: {  	[hbm:s28], [sflag:s13] =	dma.local [spmem:s26], $0x2800  }
0x3b: {  	_ =	swait.ge [sflag:s1], $0x2800  }
0x3c: {  	s28 =	rddreg [dreg:$0x18]  }
0x3d: {  	s29 =	rddreg [dreg:$0x10];
	s2 =	sadd.s32 $0x1, s28  }
0x3e: {  	p0 =	sne.s32 s2, s29  }
.Ltmp1:
0x3f: {  	_ = 	snop;
	(pc) =	sbr.rel @!p0 .LBB2_5-.Ltmp1, $4  }
0x40: {  	_ = 	snop  }
0x41: {  	s30 =	simm.s32 $0x180  }
0x42: {  	s31 =	simm.s32 $0x280;
	s11 =	simm.s32 $0x2C00;
	[sflag:s1] =	ssyncset.done $0x0  }
0x43: {  	s26 =	simm.s32 $0x380;
	s13 =	simm.s32 $0x5400;
	[sflag:s1] =	ssyncadd.s32 $0xFFFFD800  }
.LBB2_1:
0x44: {  	[dreg:$0x18] =	wrdreg s2  }
0x45: {  	s28 =	rddreg [dreg:$0x5]  }
0x46: {  	[tilespmem:s3], [sflag:$0x1] =	stream.linear.gather [hbm4b:s28+s3], $0x50, $0x38;
	[tilespmem:$0x1E400] =	vst v63  }
0x47: {  	s28 =	rddreg [dreg:$0x6]  }
0x48: {  	[tilespmem:s0], [sflag:$0x2] =	stream.linear.gather [hbm4b:s28+s3], $0x50, $0x38;
	[tilespmem:$0x1E400] =	vst v63  }
0x49: {  	s29 =	simm.s32 $0x100;
	s28 =	rddreg [dreg:$0x7]  }
0x4a: {  	[tilespmem:s29], [sflag:$0x5] =	stream.linear.gather [hbm4b:s28+s3], $0x50, $0x38;
	[tilespmem:$0x1E400] =	vst v63  }
0x4b: {  	s28 =	rddreg [dreg:$0x8]  }
0x4c: {  	[tilespmem:s30], [sflag:$0x6] =	stream.linear.gather [hbm4b:s28+s3], $0x50, $0x38;
	[tilespmem:$0x1E400] =	vst v63  }
0x4d: {  	s0 =	simm.s32 $0x200;
	s28 =	rddreg [dreg:$0x9]  }
0x4e: {  	[tilespmem:s0], [sflag:$0x9] =	stream.linear.gather [hbm4b:s28+s3], $0x50, $0x38;
	[tilespmem:$0x1E400] =	vst v63  }
0x4f: {  	s28 =	rddreg [dreg:$0xa]  }
0x50: {  	[tilespmem:s31], [sflag:$0xA] =	stream.linear.gather [hbm4b:s28+s3], $0x50, $0x38;
	[tilespmem:$0x1E400] =	vst v63  }
0x51: {  	s2 =	simm.s32 $0x300;
	s28 =	rddreg [dreg:$0xb]  }
0x52: {  	[tilespmem:s2], [sflag:$0xD] =	stream.linear.gather [hbm4b:s28+s3], $0x50, $0x38;
	[tilespmem:$0x1E400] =	vst v63  }
0x53: {  	s28 =	rddreg [dreg:$0xc]  }
0x54: {  	[tilespmem:s26], [sflag:$0xE] =	stream.linear.gather [hbm4b:s28+s3], $0x50, $0x38;
	[tilespmem:$0x1E400] =	vst v63  }
0x55: {  	_ =	swait.ge [sflag:s7], $0x50  }
0x56: {  	[sflag:s7] =	ssyncset.done $0x0  }
0x57: {  	s9 =	simm.s32 $0x400;
	[sflag:s7] =	ssyncadd.s32 $0xFFFFFFB0  }
0x58: {  	[tilespmem:s9], [sflag:$0x3] =	stream.indirect.gather [hbm4b:s4+s8], $0x80, s3, s8, $0xb8;
	[tilespmem:$0x1E400] =	vst v63  }
0x59: {  	_ =	swait.ge [sflag:s10], $0x50  }
0x5a: {  	[sflag:s10] =	ssyncset.done $0x0  }
0x5b: {  	[sflag:s10] =	ssyncadd.s32 $0xFFFFFFB0  }
0x5c: {  	[tilespmem:s11], [sflag:$0x7] =	stream.indirect.gather [hbm4b:s4+s8], $0x80, s29, s8, $0xb8;
	[tilespmem:$0x1E400] =	vst v63  }
0x5d: {  	_ =	swait.ge [sflag:s12], $0x50  }
0x5e: {  	[sflag:s12] =	ssyncset.done $0x0  }
0x5f: {  	[sflag:s12] =	ssyncadd.s32 $0xFFFFFFB0  }
0x60: {  	[tilespmem:s13], [sflag:$0xB] =	stream.indirect.gather [hbm4b:s4+s8], $0x80, s0, s8, $0xb8;
	[tilespmem:$0x1E400] =	vst v63  }
0x61: {  	_ =	swait.ge [sflag:s14], $0x50  }
0x62: {  	s28 =	stileid.u32;
	[sflag:s14] =	ssyncset.done $0x0  }
0x63: {  	s28 =	sshll.u32 s28, $0x6;
	s0 =	simm.s32 $0x7C00;
	[sflag:s14] =	ssyncadd.s32 $0xFFFFFFB0  }
0x64: {  	[tilespmem:s0], [sflag:$0xF] =	stream.indirect.gather [hbm4b:s4+s8], $0x80, s2, s8, $0xb8;
	[tilespmem:$0x1E400] =	vst v63  }
0x65: {  	s2 =	sor.u32 $0x1C11, s28;
	s28 =	rddreg [dreg:$0xd]  }
0x66: {  	s9 =	sshrl.u32 s28, $0x3;
	s28 =	rddreg [dreg:$0xe]  }
0x67: {  	[dreg:$0x19] =	wrdreg s2  }
0x68: {  	[dreg:$0x1a] =	wrdreg s9  }
0x69: {  	[spmem:s9], [sflag:s2] =	dma.local [hbm:s28], $0x2800  }
0x6a: {  	_ =	swait.ge [sflag:s1], $0x2800  }
0x6b: {  	[sflag:s1] =	ssyncset.done $0x0  }
0x6c: {  	[sflag:s1] =	ssyncadd.s32 $0xFFFFD800  }
0x6d: {  	[bflag:$0x0] =	sbarrier.arrive $0xFFFF  }
0x6e: {  	s29 =	simm.s32 $0x0;
	s28 =	rddreg [dreg:$0x17]  }
.LBB2_2:
0x6f: {  	_ =	swait.ge [sflag:s17], $0x2800  }
0x70: {  	[sflag:s17] =	ssyncset.done $0x0  }
0x71: {  	[sflag:s17] =	ssyncadd.s32 $0xFFFFD800  }
0x72: {  	_ =	swait.ge [sflag:s18], $0x50  }
0x73: {  	[sflag:s18] =	ssyncset.done $0x0  }
0x74: {  	[sflag:s18] =	ssyncadd.s32 $0xFFFFFFB0  }
0x75: {  	s2 =	simm.s32 $0x80;
	s1 =	rddreg [dreg:$0x1]  }
0x76: {  	[spmem:s1] =	stream.indirect.scatter.add.f32 [tilespmem:s15], [sflag:$0x4], $0x80, s2, s8, $0xb8;
	[tilespmem:$0x1E400] =	vst v63  }
0x77: {  	_ =	swait.ge [sflag:s25], $0x2800  }
0x78: {  	[sflag:s25] =	ssyncset.done $0x0  }
0x79: {  	[sflag:s25] =	ssyncadd.s32 $0xFFFFD800  }
0x7a: {  	_ =	swait.ge [sflag:s16], $0x50  }
0x7b: {  	[sflag:s16] =	ssyncset.done $0x0  }
0x7c: {  	[sflag:s16] =	ssyncadd.s32 $0xFFFFFFB0  }
0x7d: {  	[spmem:s1] =	stream.indirect.scatter.add.f32 [tilespmem:s11], [sflag:$0x8], $0x80, s30, s8, $0xb8;
	[tilespmem:$0x1E400] =	vst v63  }
0x7e: {  	_ =	swait.ge [sflag:s5], $0x2800  }
0x7f: {  	[sflag:s5] =	ssyncset.done $0x0  }
0x80: {  	[sflag:s5] =	ssyncadd.s32 $0xFFFFD800  }
0x81: {  	_ =	swait.ge [sflag:s6], $0x50  }
0x82: {  	[sflag:s6] =	ssyncset.done $0x0  }
0x83: {  	[sflag:s6] =	ssyncadd.s32 $0xFFFFFFB0  }
0x84: {  	[spmem:s1] =	stream.indirect.scatter.add.f32 [tilespmem:s13], [sflag:$0xC], $0x80, s31, s8, $0xb8;
	[tilespmem:$0x1E400] =	vst v63  }
0x85: {  	_ =	swait.ge [sflag:s19], $0x2800  }
0x86: {  	[sflag:s19] =	ssyncset.done $0x0  }
0x87: {  	[sflag:s19] =	ssyncadd.s32 $0xFFFFD800  }
0x88: {  	_ =	swait.ge [sflag:s20], $0x50  }
0x89: {  	[sflag:s20] =	ssyncset.done $0x0  }
0x8a: {  	[sflag:s20] =	ssyncadd.s32 $0xFFFFFFB0  }
0x8b: {  	[spmem:s1] =	stream.indirect.scatter.add.f32 [tilespmem:s0], [sflag:$0x10], $0x80, s26, s8, $0xb8;
	[tilespmem:$0x1E400] =	vst v63  }
0x8c: {  	_ =	swait.ge [sflag:s21], $0x2800  }
0x8d: {  	s30 =	sshrl.u32 s28, $0x3;
	[sflag:s21] =	ssyncset.done $0x0;
	s31 =	rddreg [dreg:$0x3]  }
0x8e: {  	[sflag:s21] =	ssyncadd.s32 $0xFFFFD800;
	s31 =	sadd.s32 s31, s30  }
0x8f: {  	[tilespmem:s3], [sflag:$0x1] =	stream.linear.gather [hbm4b:s31+s3], $0x50, $0x38;
	[tilespmem:$0x1E400] =	vst v63  }
0x90: {  	s31 =	rddreg [dreg:$0x4]  }
0x91: {  	s30 =	sadd.s32 s31, s30  }
0x92: {  	[tilespmem:s2], [sflag:$0x2] =	stream.linear.gather [hbm4b:s30+s3], $0x50, $0x38;
	[tilespmem:$0x1E400] =	vst v63  }
0x93: {  	_ =	swait.ge [sflag:s7], $0x50  }
0x94: {  	p0 =	seq.s32 s29, $0x4B0;
	[sflag:s7] =	ssyncset.done $0x0  }
.Ltmp2:
0x95: {  	[sflag:s7] =	ssyncadd.s32 $0xFFFFFFB0;
	(pc) =	sbr.rel @p0 .LBB2_4-.Ltmp2, $4  }
0x96: {  	[tilespmem:s15], [sflag:$0x3] =	stream.indirect.gather [hbm4b:s4+s8], $0x80, s3, s8, $0xb8;
	[tilespmem:$0x1E400] =	vst v63  }
0x97: {  	s9 =	simm.s32 $0x5400;
	s11 =	simm.s32 $0x380;
	_ =	swait.ge [sflag:s22], $0x2800  }
0x98: {  	s13 =	simm.s32 $0x2C00;
	s1 =	simm.s32 $0x7C00;
	[sflag:s22] =	ssyncset.done $0x0  }
0x99: {  	s0 =	simm.s32 $0x180;
	s26 =	simm.s32 $0x280;
	[sflag:s22] =	ssyncadd.s32 $0xFFFFD800  }
0x9a: {  	s30 =	rddreg [dreg:$0x16]  }
0x9b: {  	s31 =	simm.s32 $0x100;
	s30 =	sadd.s32 s29, s30  }
0x9c: {  	[tilespmem:s31], [sflag:$0x5] =	stream.linear.gather [hbm4b:s30+s3], $0x50, $0x38;
	[tilespmem:$0x1E400] =	vst v63  }
0x9d: {  	s30 =	rddreg [dreg:$0x15]  }
0x9e: {  	s30 =	sadd.s32 s29, s30  }
0x9f: {  	[tilespmem:s0], [sflag:$0x6] =	stream.linear.gather [hbm4b:s30+s3], $0x50, $0x38;
	[tilespmem:$0x1E400] =	vst v63  }
0xa0: {  	_ =	swait.ge [sflag:s10], $0x50  }
0xa1: {  	[sflag:s10] =	ssyncset.done $0x0  }
0xa2: {  	[sflag:s10] =	ssyncadd.s32 $0xFFFFFFB0  }
0xa3: {  	[tilespmem:s13], [sflag:$0x7] =	stream.indirect.gather [hbm4b:s4+s8], $0x80, s31, s8, $0xb8;
	[tilespmem:$0x1E400] =	vst v63  }
0xa4: {  	_ =	swait.ge [sflag:s23], $0x2800  }
0xa5: {  	[sflag:s23] =	ssyncset.done $0x0;
	s30 =	rddreg [dreg:$0x14]  }
0xa6: {  	s13 =	simm.s32 $0x200;
	[sflag:s23] =	ssyncadd.s32 $0xFFFFD800;
	s30 =	sadd.s32 s29, s30  }
0xa7: {  	[tilespmem:s13], [sflag:$0x9] =	stream.linear.gather [hbm4b:s30+s3], $0x50, $0x38;
	[tilespmem:$0x1E400] =	vst v63  }
0xa8: {  	s30 =	rddreg [dreg:$0x13]  }
0xa9: {  	s30 =	sadd.s32 s29, s30  }
0xaa: {  	[tilespmem:s26], [sflag:$0xA] =	stream.linear.gather [hbm4b:s30+s3], $0x50, $0x38;
	[tilespmem:$0x1E400] =	vst v63  }
0xab: {  	_ =	swait.ge [sflag:s12], $0x50  }
0xac: {  	[sflag:s12] =	ssyncset.done $0x0  }
0xad: {  	[sflag:s12] =	ssyncadd.s32 $0xFFFFFFB0  }
0xae: {  	[tilespmem:s9], [sflag:$0xB] =	stream.indirect.gather [hbm4b:s4+s8], $0x80, s13, s8, $0xb8;
	[tilespmem:$0x1E400] =	vst v63  }
0xaf: {  	_ =	swait.ge [sflag:s24], $0x2800  }
0xb0: {  	[sflag:s24] =	ssyncset.done $0x0;
	s30 =	rddreg [dreg:$0x12]  }
0xb1: {  	s26 =	simm.s32 $0x300;
	[sflag:s24] =	ssyncadd.s32 $0xFFFFD800;
	s30 =	sadd.s32 s29, s30  }
0xb2: {  	[tilespmem:s26], [sflag:$0xD] =	stream.linear.gather [hbm4b:s30+s3], $0x50, $0x38;
	[tilespmem:$0x1E400] =	vst v63  }
0xb3: {  	s30 =	rddreg [dreg:$0x11]  }
0xb4: {  	s30 =	sadd.s32 s29, s30  }
0xb5: {  	[tilespmem:s11], [sflag:$0xE] =	stream.linear.gather [hbm4b:s30+s3], $0x50, $0x38;
	[tilespmem:$0x1E400] =	vst v63  }
.Ltmp3:
0xb6: {  	s28 =	sadd.s32 $0x140, s28;
	_ =	swait.ge [sflag:s14], $0x50;
	(pc) =	sbr.rel .LBB2_2-.Ltmp3, $4  }
0xb7: {  	s0 =	simm.s32 $0x7C00;
	s31 =	simm.s32 $0x280;
	[sflag:s14] =	ssyncset.done $0x0  }
0xb8: {  	s13 =	simm.s32 $0x5400;
	s29 =	sadd.s32 $0x28, s29;
	[sflag:s14] =	ssyncadd.s32 $0xFFFFFFB0  }
0xb9: {  	[tilespmem:s1], [sflag:$0xF] =	stream.indirect.gather [hbm4b:s4+s8], $0x80, s26, s8, $0xb8;
	[tilespmem:$0x1E400] =	vst v63  }
0xba: {  	s30 =	simm.s32 $0x180;
	s11 =	simm.s32 $0x2C00;
	s26 =	simm.s32 $0x380  }
.LBB2_5:
0xbb: {  	_ =	sfence.sel $0x180000  }
0xbc: {  	[bflag:$0x0] =	sbarrier.arrive $0xFFFF  }
0xbd: {  	_ =	strace $0x9000004A  }
0xbe: {  	s0 =	stileid.u32;
	[bflag:$0x2] =	sbarrier.arrive $0xFFFF  }
0xbf: {  	p0 =	sne.s32 s0, $0x0;
	s0 =	rddreg [dreg:$0x2]  }
0xc0: {  	s0 =	sadd.s32 @!p0 $0x100000, s0  }
0xc1: {  	[sflag:s0] =	ssyncadd.tile.s32 @!p0 $0x1;
	_ =	shalt  }
.Lfunc_end2:
_tile_overlayer_lowered:
.L_overlay_start_2:
0xc2: {  	(tag) =	ssettag $0x2  }
0xc3: {  	s0 =	rddreg [dreg:$0x0];
	s2 =	stileid.u32  }
0xc4: {  	s1 =	rddreg [dreg:$0x1];
	p0 =	sne.s32 s2, $0x0  }
0xc5: {  	s3 =	rddreg [dreg:$0x2];
	[bflag:$0x3] =	sbarrier.arrive $0xFFFF;
	s2 =	simm.s32 @!p0 $0x1C11  }
0xc6: {  	[timem:s3], [sflag:s2] =	dma.local @!p0 [hbm:s0], s1  }
0xc7: {  	s0 =	simm.s32 @!p0 $0x11  }
0xc8: {  	_ =	swait.ge @!p0 [sflag:s0], s1  }
0xc9: {  	s1 =	ssub.s32 @!p0 $0x0, s1;
	[sflag:s0] =	ssyncset.done @!p0 $0x0  }
0xca: {  	[sflag:s0] =	ssyncadd.s32 @!p0 s1  }
0xcb: {  	[bflag:$0x3] =	sbarrier.arrive $0xFFFF  }
0xcc: {  	_ =	shalt  }

// kernel: kernel.15.cloned.1.call-start
scs
__scs_entry_jumppad:
0x0: {  	(pc) =	sbr.rel $0x88, $3  }
0x1: {  	(tag) =	ssettag $0x0;
	lr =	simm.s32 $0x1  }
0x2: {  	[smem:$0x3F94] =	sst lr;
	_ =	strace $0xD0000000  }
0x3: {  	_ = 	snop  }
0x4: {  	_ = 	snop  }
0x5: {  	_ = 	snop  }
0x6: {  	_ = 	snop  }
0x7: {  	_ = 	snop  }
__scs_overlays_trampoline_lowered:
0x8: {  	[smem:$0x3FA3] =	sst s0  }
0x9: {  	[smem:$0x3FA4] =	sst s1  }
0xa: {  	[smem:$0x3FA5] =	sst s2  }
0xb: {  	[smem:$0x3FA6] =	sst s3  }
0xc: {  	[smem:$0x3FA7] =	sst s4  }
0xd: {  	[smem:$0x3FA8] =	sst s5  }
0xe: {  	[smem:$0x3FA9] =	sst s6  }
0xf: {  	[smem:$0x3FAA] =	sst s7  }
0x10: {  	[smem:$0x3FAB] =	sst s8  }
0x11: {  	[smem:$0x3FAC] =	sst s9;
	s0 =	simm.s32 @!p0 $0x0  }
0x12: {  	s1 =	sld [smem:$0x3F92];
	s0 =	simm.s32 @p0 $0x1  }
0x13: {  	[smem:$0x3FAD] =	sst s0;
	s0 =	simm.s32 @!p1 $0x0  }
0x14: {  	s2 =	sld [smem:$0x3F91];
	s0 =	simm.s32 @p1 $0x1  }
0x15: {  	[smem:$0x3FAE] =	sst s0;
	s0 =	simm.s32 @!p2 $0x0  }
0x16: {  	s3 =	sld [smem:$0x3FDB];
	s0 =	simm.s32 @p2 $0x1  }
0x17: {  	s4 =	simm.s32 $0x1BF5;
	[smem:$0x3FB0] =	sst s0  }
0x18: {  	s0 =	sld [smem:$0x3F93];
	_ =	swait.ge [sflag:s4], $0x0  }
0x19: {  	s7 =	sld [smem:$0x3F94]  }
0x1a: {  	s8 =	sadd.s32 $0xFFFFE003, lr  }
0x1b: {  	s9 =	sadd.s32 $0xFFFFFEF7, lr;
	s5 =	simm.s32 $0xFFFFFFFF;
	p2 =	slt.u32 s8, $0xFFFFF086  }
0x1c: {  	p1 =	slt.u32 s9, $0xF7A;
	s5 =	simm.s32 @!p2 $0x0  }
0x1d: {  	s5 =	simm.s32 @p1 $0x1;
	p0 =	seq.s32 s7, s2  }
0x1e: {  	s7 =	smul.u32 @!p0 $0xF7A, s2;
	p2 =	seq.s32 @!p0 s5, $0x0  }
0x1f: {  	s9 =	smul.u32 $0xF7A, s1;
	s8 =	simm.s32 @!p0 $0x1BF5;
	p2 =	por !p2, p0  }
0x20: {  	[sflag:s8] =	ssyncset.s32 @!p0 $0xFFFFF086;
	s6 =	sadd.s32 @!p0 s3, s7;
	s7 =	simm.s32 @!p0 $0x108  }
0x21: {  	s3 =	sadd.s32 s3, s9;
	s6 =	sadd.s32 @!p0 $0x88, s6;
	s7 =	simm.s32 @p2 $0x1082  }
0x22: {  	[simem:s7], [sflag:s8] =	dma.local @!p0 [hbm:s6], $0xF7A  }
0x23: {  	s9 =	sor.u32 $0xD0000000, s2;
	s6 =	simm.s32 $0x108;
	_ =	swait.ge @!p0 [sflag:s8], $0x0  }
0x24: {  	s3 =	sadd.s32 $0x88, s3;
	s6 =	simm.s32 @!p1 $0x1082;
	[sflag:s4] =	ssyncset.s32 $0xFFFFF086  }
0x25: {  	[simem:s6], [sflag:s4] =	dma.local [hbm:s3], $0xF7A  }
0x26: {  	[smem:$0x3F94] =	sst s1;
	(tag) =	ssettag s2;
	_ =	strace s9  }
0x27: {  	s1 =	sld [smem:$0x3FA4]  }
0x28: {  	s2 =	sld [smem:$0x3FA5]  }
0x29: {  	s4 =	sld [smem:$0x3FA7]  }
0x2a: {  	p0 =	seq.s32 s5, $0x0;
	s5 =	sld [smem:$0x3FA8]  }
0x2b: {  	s6 =	sld [smem:$0x3FA9]  }
0x2c: {  	s7 =	sld [smem:$0x3FAA]  }
0x2d: {  	s3 =	simm.s32 $0x108;
	s8 =	sld [smem:$0x3FAB]  }
0x2e: {  	s3 =	simm.s32 @!p0 $0x1082;
	s9 =	sld [smem:$0x3FAC]  }
0x2f: {  	lr =	sadd.s32 s0, s3;
	s0 =	sld [smem:$0x3FA3]  }
0x30: {  	s3 =	sld [smem:$0x3FA6]  }
0x31: {  	[smem:$0x3FAF] =	sst s10  }
0x32: {  	s10 =	sld [smem:$0x3FAD];
	_ =	sdelay $0x3  }
0x33: {  	p0 =	seq.s32 s10, $0x1;
	s10 =	sld [smem:$0x3FAF];
	_ =	sdelay $0x3  }
0x34: {  	[smem:$0x3FAF] =	sst s10  }
0x35: {  	s10 =	sld [smem:$0x3FAE];
	_ =	sdelay $0x3  }
0x36: {  	p1 =	seq.s32 s10, $0x1;
	s10 =	sld [smem:$0x3FAF];
	_ =	sdelay $0x3  }
0x37: {  	[smem:$0x3FAF] =	sst s10  }
0x38: {  	s10 =	sld [smem:$0x3FB0]  }
0x39: {  	_ = 	snop;
	(pc) =	sbr.ind lr, $3  }
0x3a: {  	_ = 	snop  }
0x3b: {  	_ = 	snop  }
0x3c: {  	p2 =	seq.s32 s10, $0x1;
	s10 =	sld [smem:$0x3FAF]  }
0x3d: {  	_ =	shalt  }
0x3e: {  	_ =	shalt  }
0x3f: {  	_ =	shalt  }
0x40: {  	_ =	shalt  }
0x41: {  	_ =	shalt  }
0x42: {  	_ =	shalt  }
0x43: {  	_ =	shalt  }
0x44: {  	_ =	shalt  }
0x45: {  	_ =	shalt  }
0x46: {  	_ =	shalt  }
0x47: {  	_ =	shalt  }
0x48: {  	_ =	shalt  }
0x49: {  	_ =	shalt  }
0x4a: {  	_ =	shalt  }
0x4b: {  	_ =	shalt  }
0x4c: {  	_ =	shalt  }
0x4d: {  	_ =	shalt  }
0x4e: {  	_ =	shalt  }
0x4f: {  	_ =	shalt  }
0x50: {  	_ =	shalt  }
0x51: {  	_ =	shalt  }
0x52: {  	_ =	shalt  }
0x53: {  	_ =	shalt  }
0x54: {  	_ =	shalt  }
0x55: {  	_ =	shalt  }
0x56: {  	_ =	shalt  }
0x57: {  	_ =	shalt  }
0x58: {  	_ =	shalt  }
0x59: {  	_ =	shalt  }
0x5a: {  	_ =	shalt  }
0x5b: {  	_ =	shalt  }
0x5c: {  	_ =	shalt  }
0x5d: {  	_ =	shalt  }
0x5e: {  	_ =	shalt  }
0x5f: {  	_ =	shalt  }
0x60: {  	_ =	shalt  }
0x61: {  	_ =	shalt  }
0x62: {  	_ =	shalt  }
0x63: {  	_ =	shalt  }
0x64: {  	_ =	shalt  }
0x65: {  	_ =	shalt  }
0x66: {  	_ =	shalt  }
0x67: {  	_ =	shalt  }
0x68: {  	_ =	shalt  }
0x69: {  	_ =	shalt  }
0x6a: {  	_ =	shalt  }
0x6b: {  	_ =	shalt  }
0x6c: {  	_ =	shalt  }
0x6d: {  	_ =	shalt  }
0x6e: {  	_ =	shalt  }
0x6f: {  	_ =	shalt  }
0x70: {  	_ =	shalt  }
0x71: {  	_ =	shalt  }
0x72: {  	_ =	shalt  }
0x73: {  	_ =	shalt  }
0x74: {  	_ =	shalt  }
0x75: {  	_ =	shalt  }
0x76: {  	_ =	shalt  }
0x77: {  	_ =	shalt  }
0x78: {  	_ =	shalt  }
0x79: {  	_ =	shalt  }
0x7a: {  	_ =	shalt  }
0x7b: {  	_ =	shalt  }
0x7c: {  	_ =	shalt  }
0x7d: {  	_ =	shalt  }
0x7e: {  	_ =	shalt  }
0x7f: {  	_ =	shalt  }
0x80: {  	_ =	shalt  }
0x81: {  	_ =	shalt  }
0x82: {  	_ =	shalt  }
0x83: {  	_ =	shalt  }
0x84: {  	_ =	shalt  }
0x85: {  	_ =	shalt  }
0x86: {  	_ =	shalt  }
0x87: {  	_ =	shalt  }
.Lfunc_end0:
.L_simem_size_0:
called_computation.2_lowered:
.L_overlay_start_0:
0x88: {  	s2 =	sld [smem:$0x3FD9]  }
0x89: {  	s3 =	sld [smem:$0x3FFE];
	_ =	sdelay $0x1  }
0x8a: {  	s1 =	srdreg.scid  }
0x8b: {  	s0 =	sand.u32 $0x1, s1  }
0x8c: {  	s14 =	sshll.u32 s0, $0xA;
	s2 =	sadd.s32 s3, s2  }
0x8d: {  	s2 =	sadd.s32 s2, s14  }
0x8e: {  	[smem:$0x3FBB] =	sst s2  }
0x8f: {  	_ = 	snop  }
0x90: {  	s2 =	sld [smem:$0x3FD0];
	_ =	sdelay $0x2  }
0x91: {  	s15 =	simm.s32 $0xA;
	s4 =	simm.s32 $0x10  }
0x92: {  	[smem:s4], [sflag:s15] =	dma.local [hbm:s2], $0x1  }
0x93: {  	_ =	swait.eq [sflag:s15], $0x1  }
0x94: {  	[sflag:s15] =	ssyncset.done $0x0  }
0x95: {  	[sflag:s15] =	ssyncadd.s32 $0xFFFFFFFF  }
0x96: {  	s16 =	sld [smem:$0x10];
	(tm) =	ssettm $0x1  }
0x97: {  	s17 =	sld [smem:$0x3FFB];
	_ =	sdelay $0x3  }
0x98: {  	_ =	strace s17  }
0x99: {  	s3 =	sld [smem:$0x3FFC];
	_ =	sdelay $0x3  }
0x9a: {  	_ =	strace s3  }
0x9b: {  	s3 =	sld [smem:$0x3FFD];
	_ =	sdelay $0x3  }
0x9c: {  	_ =	strace s3  }
0x9d: {  	_ =	strace $0x8FFFFFFF  }
0x9e: {  	s18 =	sld [smem:$0x3FDB];
	_ =	sdelay $0x1  }
0x9f: {  	s19 =	simm.s32 $_scs_section_size  }
0xa0: {  	s5 =	simm.s32 $_size__tile_overlayer_lowered;
	s6 =	simm.s32 $_tile_overlayer_lowered  }
0xa1: {  	s22 =	simm.s32 $0x1BFF;
	s21 =	sshll.u32 s6, $0x1;
	s3 =	sadd.s32 s19, s18  }
0xa2: {  	s7 =	simm.s32 $0x0;
	s20 =	sshll.u32 s5, $0x1;
	s5 =	sadd.s32 s21, s3  }
0xa3: {  	[timem:s7], [sflag:s22] =	dma.local [hbm:s5], s20  }
0xa4: {  	_ =	swait.ge [sflag:s22], s20  }
0xa5: {  	s4 =	ssub.s32 $0x0, s20;
	[sflag:s22] =	ssyncset.done $0x0  }
0xa6: {  	[sflag:s22] =	ssyncadd.s32 s4;
	_ =	sdelay $0x1  }
0xa7: {  	s23 =	simm.s32 $0x1B8B  }
0xa8: {  	_ =	swait.ge [sflag:s23], $0x1  }
0xa9: {  	[sflag:s23] =	ssyncset.done $0x0  }
0xaa: {  	s25 =	simm.s32 $0x1B8E;
	s24 =	sld [smem:$0x3FFE];
	[sflag:s23] =	ssyncadd.s32 $0xFFFFFFFF  }
0xab: {  	s26 =	simm.s32 $execute0_lowered;
	[smem:$0x3FD2] =	sst s25  }
0xac: {  	s5 =	sshll.u32 s26, $0x1;
	_ =	strace $0x8000004C;
	[dreg:$0x1] =	wrdreg $0xFFFFFFFF  }
0xad: {  	s28 =	simm.s32 $_size_execute0_lowered;
	s3 =	sadd.s32 s3, s5;
	[dreg:$0x0] =	wrdreg $0x0  }
0xae: {  	s5 =	sshll.u32 s28, $0x1;
	[dreg:$0x2] =	wrdreg s3  }
0xaf: {  	[dreg:$0x3] =	wrdreg s5  }
0xb0: {  	[dreg:$0x4] =	wrdreg $0xC0  }
0xb1: {  	_ =	task [dreg:s7], $0x5FFFF  }
0xb2: {  	[dreg:$0x1] =	wrdreg $0xFFFFFFFF  }
0xb3: {  	[dreg:$0x0] =	wrdreg $0x60  }
0xb4: {  	[dreg:$0x2] =	wrdreg s16  }
0xb5: {  	[dreg:$0x3] =	wrdreg s24  }
0xb6: {  	[dreg:$0x4] =	wrdreg $0x52800  }
0xb7: {  	[dreg:$0x5] =	wrdreg $0x9  }
0xb8: {  	_ =	task.clear_ibuf [dreg:s7], $0x6FFFF;
	_ =	strace $0x9000004C  }
0xb9: {  	s29 =	simm.s32 $0x9;
	_ =	strace $0x8000004E  }
0xba: {  	_ =	swait.ge [sflag:s29], $0x1  }
0xbb: {  	[sflag:s29] =	ssyncadd.s32 $0xFFFFFFFF  }
0xbc: {  	_ =	strace $0x9000004E  }
0xbd: {  	_ =	sfence  }
0xbe: {  	s30 =	sld [smem:$0x0];
	_ =	sdelay $0x2  }
0xbf: {  	s31 =	sshll.u32 s1, $0xD;
	s1 =	sshrl.u32 s1, $0x2  }
0xc0: {  	s3 =	sand.u32 $0x4000, s31;
	s1 =	sadd.s32 s1, s30  }
0xc1: {  	s0 =	sor.u32 s3, s0;
	s1 =	sshll.u32 s1, $0x11  }
0xc2: {  	s0 =	sor.u32 s1, s0  }
0xc3: {  	s0 =	sadd.s32 $0x8F2B, s0  }
0xc4: {  	[sflag:s0] =	ssyncadd.remote.s32 $0x1  }
0xc5: {  	_ =	sfence.sel $0xFFFF  }
0xc6: {  	[dreg:$0x0] =	wrdreg $0xFFFFFFFF;
	(pc) =	sbr.abs _section_cstart, $3  }
0xc7: {  	[dreg:$0x1] =	wrdreg $0xFFFFFFFF  }
0xc8: {  	_ =	task.clear_ibuf [dreg:s7], $0x2FFFF;
	_ =	strace $0x9FFFFFFF  }
0xc9: {  	(tm) =	ssettm $0x7FFFFFFF  }
tec
execute0_lowered:
.L_overlay_start_1:
0x0: {  	(tag) =	ssettag $0x1  }
0x1: {  	s1 =	rddreg [dreg:$0x0]  }
0x2: {  	s0 =	rddreg [dreg:$0x1]  }
0x3: {  	s3 =	rddreg [dreg:$0x2];
	s4 =	simm.s32 $0x0  }
0x4: {  	s11 =	stileid.u32;
	s2 =	srdreg.scid;
	s29 =	simm.s32 $0xF0  }
0x5: {  	s31 =	simm.s32 $0x190;
	s28 =	simm.s32 $0x0;
	[smem:$0x7FF] =	sst s4  }
0x6: {  	s5 =	smul.u32 $0xA000, s11;
	s2 =	sand.u32 $0x1, s2;
	s12 =	sadd.s32 $0x2C00, s0  }
0x7: {  	s13 =	sadd.s32 $0x85000, s0;
	s15 =	smul.u32 $0x2710, s11;
	_ =	strace $0x8000004D  }
0x8: {  	s6 =	smul.u32 $0xA0000, s2;
	s7 =	sshll.u32 s2, $0x4;
	[dreg:$0x5] =	wrdreg s13  }
0x9: {  	s9 =	ssub.s32 $0x2, s2;
	s2 =	smul.u32 $0x27100, s2;
	[dreg:$0x4] =	wrdreg s12  }
0xa: {  	s8 =	sshrl.u32 s5, $0x3;
	s7 =	sor.u32 s11, s7;
	s10 =	sshrl.u32 s9, $0x1  }
0xb: {  	s11 =	simm.s32 $0x9;
	s6 =	sadd.s32 s5, s6;
	s7 =	smul.u32 $0x2710, s7  }
0xc: {  	s8 =	sadd.s32 s8, s0;
	s23 =	ssub.s32 s9, s10;
	s5 =	sadd.s32 s5, s3  }
0xd: {  	s2 =	sadd.s32 s15, s2;
	s10 =	simm.s32 $0x1680;
	s15 =	simm.s32 $0xB  }
0xe: {  	s6 =	sshrl.u32 s6, $0x3;
	[dreg:$0xe] =	wrdreg s5;
	s18 =	sadd.s32 $0xCA00, s8  }
0xf: {  	s19 =	sadd.s32 $0x230, s2;
	s20 =	smax.u32 s23, $0x1;
	s21 =	sadd.s32 $0x1E0, s2  }
0x10: {  	s23 =	sadd.s32 $0x190, s2;
	s8 =	simm.s32 $0x280;
	[dreg:$0xf] =	wrdreg s18  }
0x11: {  	s0 =	sadd.s32 s6, s0;
	s7 =	sshrl.u32 s7, $0x3;
	[dreg:$0x11] =	wrdreg s20  }
0x12: {  	s5 =	sshrl.u32 s21, $0x3;
	s18 =	simm.s32 $0x7;
	s6 =	simm.s32 $0xF  }
0x13: {  	s20 =	simm.s32 $0x4;
	s21 =	simm.s32 $0x8;
	s24 =	sadd.s32 s12, s7  }
0x14: {  	s25 =	sadd.s32 s13, s7;
	s26 =	sadd.s32 $0xA, s7;
	[dreg:$0x6] =	wrdreg s24  }
0x15: {  	s14 =	sadd.s32 $0x14, s7;
	s0 =	sadd.s32 $0x20A00, s0;
	[dreg:$0x7] =	wrdreg s25  }
0x16: {  	s7 =	sadd.s32 $0x1E, s7;
	s30 =	sadd.s32 s12, s26;
	[dreg:$0x10] =	wrdreg s0  }
0x17: {  	s9 =	sadd.s32 s13, s26;
	s16 =	sadd.s32 s12, s14;
	[dreg:$0x8] =	wrdreg s30  }
0x18: {  	s17 =	sadd.s32 s12, s7;
	s7 =	sadd.s32 s13, s7;
	[dreg:$0x9] =	wrdreg s9  }
0x19: {  	s0 =	sshrl.u32 s19, $0x3;
	s24 =	sadd.s32 s5, s13;
	[dreg:$0xa] =	wrdreg s16  }
0x1a: {  	s25 =	sshrl.u32 s23, $0x3;
	s5 =	sadd.s32 s5, s12;
	[dreg:$0xc] =	wrdreg s17  }
0x1b: {  	s19 =	simm.s32 $0xE;
	s23 =	simm.s32 $0x10;
	[dreg:$0xd] =	wrdreg s7  }
0x1c: {  	s9 =	sadd.s32 s13, s14;
	s22 =	sadd.s32 s0, s13;
	[dreg:$0x14] =	wrdreg s24  }
0x1d: {  	s0 =	sadd.s32 s0, s12;
	[dreg:$0x15] =	wrdreg s5;
	s26 =	sadd.s32 s25, s13  }
0x1e: {  	s30 =	sadd.s32 $0x140, s2;
	s2 =	simm.s32 $0x230;
	[dreg:$0xb] =	wrdreg s9  }
0x1f: {  	s7 =	simm.s32 $0x1;
	s13 =	simm.s32 $0xD;
	[dreg:$0x12] =	wrdreg s22  }
.Ltmp0:
0x20: {  	s14 =	simm.s32 $0x3E80;
	[dreg:$0x13] =	wrdreg s0;
	(pc) =	sbr.rel .LBB2_1-.Ltmp0, $4  }
0x21: {  	s16 =	simm.s32 $0x3;
	s17 =	simm.s32 $0x2;
	[dreg:$0x16] =	wrdreg s26  }
0x22: {  	s5 =	simm.s32 $0xA;
	s0 =	sadd.s32 s25, s12;
	[dreg:$0x18] =	wrdreg s30  }
0x23: {  	s26 =	simm.s32 $0x50;
	s9 =	simm.s32 $0x5;
	s12 =	simm.s32 $0x2A80  }
0x24: {  	s25 =	simm.s32 $0x6;
	s22 =	simm.s32 $0xC;
	[dreg:$0x17] =	wrdreg s0  }
.LBB2_4:
0x25: {  	_ =	swait.ge [sflag:s22], $0x1400  }
0x26: {  	[sflag:s22] =	ssyncset.done $0x0  }
0x27: {  	[sflag:s22] =	ssyncadd.s32 $0xFFFFEC00  }
0x28: {  	_ =	swait.ge [sflag:s23], $0x1400  }
0x29: {  	[sflag:s23] =	ssyncset.done $0x0  }
0x2a: {  	[sflag:s23] =	ssyncadd.s32 $0xFFFFEC00  }
0x2b: {  	_ =	swait.ge [sflag:s16], $0x1400  }
0x2c: {  	[sflag:s16] =	ssyncset.done $0x0  }
0x2d: {  	[sflag:s16] =	ssyncadd.s32 $0xFFFFEC00  }
0x2e: {  	_ =	swait.ge [sflag:s17], $0x50  }
0x2f: {  	[sflag:s17] =	ssyncset.done $0x0  }
0x30: {  	[sflag:s17] =	ssyncadd.s32 $0xFFFFFFB0  }
0x31: {  	[spmem:s3] =	stream.indirect.scatter.add.f32 [tilespmem:s8], [sflag:$0x4], $0x40, s26, s26, $0xb8;
	[tilespmem:$0xF280] =	vst v63  }
0x32: {  	_ =	swait.ge [sflag:s20], $0x1400  }
0x33: {  	[sflag:s20] =	ssyncset.done $0x0  }
0x34: {  	[sflag:s20] =	ssyncadd.s32 $0xFFFFEC00  }
0x35: {  	[bflag:$0x0] =	sbarrier.arrive $0xFFFF  }
0x36: {  	s24 =	rddreg [dreg:$0x10]  }
0x37: {  	s0 =	rddreg [dreg:$0x1a]  }
0x38: {  	s28 =	rddreg [dreg:$0x1b]  }
0x39: {  	[hbm:s24], [sflag:s0] =	dma.local [spmem:s28], $0x1400  }
0x3a: {  	s0 =	simm.s32 $0x11  }
0x3b: {  	_ =	swait.ge [sflag:s0], $0x1400  }
0x3c: {  	s28 =	rddreg [dreg:$0x19]  }
0x3d: {  	s30 =	rddreg [dreg:$0x11];
	s28 =	sadd.s32 $0x1, s28  }
0x3e: {  	p0 =	sne.s32 s28, s30  }
.Ltmp1:
0x3f: {  	_ = 	snop;
	(pc) =	sbr.rel @!p0 .LBB2_5-.Ltmp1, $3  }
0x40: {  	_ =	sdelay $0x1  }
0x41: {  	[sflag:s0] =	ssyncset.done $0x0  }
0x42: {  	s29 =	simm.s32 $0xF0;
	s31 =	simm.s32 $0x190;
	[sflag:s0] =	ssyncadd.s32 $0xFFFFEC00  }
.LBB2_1:
0x43: {  	[dreg:$0x19] =	wrdreg s28  }
0x44: {  	s24 =	rddreg [dreg:$0x6]  }
0x45: {  	[tilespmem:s4], [sflag:$0x1] =	stream.linear.gather [hbm4b:s24+s4], $0x50, $0x38;
	[tilespmem:$0xF280] =	vst v63  }
0x46: {  	s0 =	rddreg [dreg:$0x7]  }
0x47: {  	[tilespmem:s26], [sflag:$0x2] =	stream.linear.gather [hbm4b:s0+s4], $0x50, $0x38;
	[tilespmem:$0xF280] =	vst v63  }
0x48: {  	s30 =	rddreg [dreg:$0x8];
	s28 =	simm.s32 $0xA0  }
0x49: {  	[tilespmem:s28], [sflag:$0x5] =	stream.linear.gather [hbm4b:s30+s4], $0x50, $0x38;
	[tilespmem:$0xF280] =	vst v63  }
0x4a: {  	s0 =	rddreg [dreg:$0x9]  }
0x4b: {  	[tilespmem:s29], [sflag:$0x6] =	stream.linear.gather [hbm4b:s0+s4], $0x50, $0x38;
	[tilespmem:$0xF280] =	vst v63  }
0x4c: {  	s30 =	rddreg [dreg:$0xa];
	s0 =	simm.s32 $0x140  }
0x4d: {  	[tilespmem:s0], [sflag:$0x9] =	stream.linear.gather [hbm4b:s30+s4], $0x50, $0x38;
	[tilespmem:$0xF280] =	vst v63  }
0x4e: {  	s0 =	rddreg [dreg:$0xb]  }
0x4f: {  	[tilespmem:s31], [sflag:$0xA] =	stream.linear.gather [hbm4b:s0+s4], $0x50, $0x38;
	[tilespmem:$0xF280] =	vst v63  }
0x50: {  	s24 =	rddreg [dreg:$0xc];
	s30 =	simm.s32 $0x1E0  }
0x51: {  	[tilespmem:s30], [sflag:$0xD] =	stream.linear.gather [hbm4b:s24+s4], $0x50, $0x38;
	[tilespmem:$0xF280] =	vst v63  }
0x52: {  	s24 =	rddreg [dreg:$0xd]  }
0x53: {  	[tilespmem:s2], [sflag:$0xE] =	stream.linear.gather [hbm4b:s24+s4], $0x50, $0x38;
	[tilespmem:$0xF280] =	vst v63  }
0x54: {  	_ =	swait.ge [sflag:s7], $0x50  }
0x55: {  	[sflag:s7] =	ssyncset.done $0x0  }
0x56: {  	[sflag:s7] =	ssyncadd.s32 $0xFFFFFFB0  }
0x57: {  	[tilespmem:s8], [sflag:$0x3] =	stream.indirect.gather [hbm4b:s1+s26], $0x40, s4, s26, $0xb8;
	[tilespmem:$0xF280] =	vst v63  }
0x58: {  	_ =	swait.ge [sflag:s9], $0x50  }
0x59: {  	[sflag:s9] =	ssyncset.done $0x0  }
0x5a: {  	[sflag:s9] =	ssyncadd.s32 $0xFFFFFFB0  }
0x5b: {  	[tilespmem:s10], [sflag:$0x7] =	stream.indirect.gather [hbm4b:s1+s26], $0x40, s28, s26, $0xb8;
	[tilespmem:$0xF280] =	vst v63  }
0x5c: {  	_ =	swait.ge [sflag:s11], $0x50  }
0x5d: {  	[sflag:s11] =	ssyncset.done $0x0  }
0x5e: {  	s24 =	simm.s32 $0x140;
	[sflag:s11] =	ssyncadd.s32 $0xFFFFFFB0  }
0x5f: {  	[tilespmem:s12], [sflag:$0xB] =	stream.indirect.gather [hbm4b:s1+s26], $0x40, s24, s26, $0xb8;
	[tilespmem:$0xF280] =	vst v63  }
0x60: {  	_ =	swait.ge [sflag:s13], $0x50  }
0x61: {  	[sflag:s13] =	ssyncset.done $0x0  }
0x62: {  	s30 =	simm.s32 $0x1E0;
	[sflag:s13] =	ssyncadd.s32 $0xFFFFFFB0  }
0x63: {  	[tilespmem:s14], [sflag:$0xF] =	stream.indirect.gather [hbm4b:s1+s26], $0x40, s30, s26, $0xb8;
	[tilespmem:$0xF280] =	vst v63  }
0x64: {  	s30 =	stileid.u32  }
0x65: {  	s24 =	sshll.u32 s30, $0x6;
	s30 =	rddreg [dreg:$0xe]  }
0x66: {  	s28 =	sor.u32 $0x1C11, s24;
	s24 =	rddreg [dreg:$0xf]  }
0x67: {  	s30 =	sshrl.u32 s30, $0x3;
	[dreg:$0x1a] =	wrdreg s28  }
0x68: {  	s0 =	simm.s32 $0x11;
	[dreg:$0x1b] =	wrdreg s30  }
0x69: {  	[spmem:s30], [sflag:s28] =	dma.local [hbm:s24], $0x1400  }
0x6a: {  	_ =	swait.ge [sflag:s0], $0x1400  }
0x6b: {  	[sflag:s0] =	ssyncset.done $0x0  }
0x6c: {  	[sflag:s0] =	ssyncadd.s32 $0xFFFFEC00  }
0x6d: {  	[bflag:$0x0] =	sbarrier.arrive $0xFFFF  }
0x6e: {  	s28 =	simm.s32 $0x0;
	s24 =	rddreg [dreg:$0x18]  }
.LBB2_2:
0x6f: {  	_ =	swait.ge [sflag:s16], $0x1400  }
0x70: {  	[sflag:s16] =	ssyncset.done $0x0  }
0x71: {  	[sflag:s16] =	ssyncadd.s32 $0xFFFFEC00  }
0x72: {  	_ =	swait.ge [sflag:s17], $0x50  }
0x73: {  	[sflag:s17] =	ssyncset.done $0x0  }
0x74: {  	[sflag:s17] =	ssyncadd.s32 $0xFFFFFFB0  }
0x75: {  	[spmem:s3] =	stream.indirect.scatter.add.f32 [tilespmem:s8], [sflag:$0x4], $0x40, s26, s26, $0xb8;
	[tilespmem:$0xF280] =	vst v63  }
0x76: {  	_ =	swait.ge [sflag:s18], $0x1400  }
0x77: {  	[sflag:s18] =	ssyncset.done $0x0  }
0x78: {  	[sflag:s18] =	ssyncadd.s32 $0xFFFFEC00  }
0x79: {  	_ =	swait.ge [sflag:s25], $0x50  }
0x7a: {  	[sflag:s25] =	ssyncset.done $0x0  }
0x7b: {  	[sflag:s25] =	ssyncadd.s32 $0xFFFFFFB0  }
0x7c: {  	[spmem:s3] =	stream.indirect.scatter.add.f32 [tilespmem:s10], [sflag:$0x8], $0x40, s29, s26, $0xb8;
	[tilespmem:$0xF280] =	vst v63  }
0x7d: {  	_ =	swait.ge [sflag:s15], $0x1400  }
0x7e: {  	[sflag:s15] =	ssyncset.done $0x0  }
0x7f: {  	[sflag:s15] =	ssyncadd.s32 $0xFFFFEC00  }
0x80: {  	_ =	swait.ge [sflag:s5], $0x50  }
0x81: {  	[sflag:s5] =	ssyncset.done $0x0  }
0x82: {  	[sflag:s5] =	ssyncadd.s32 $0xFFFFFFB0  }
0x83: {  	[spmem:s3] =	stream.indirect.scatter.add.f32 [tilespmem:s12], [sflag:$0xC], $0x40, s31, s26, $0xb8;
	[tilespmem:$0xF280] =	vst v63  }
0x84: {  	_ =	swait.ge [sflag:s6], $0x1400  }
0x85: {  	[sflag:s6] =	ssyncset.done $0x0  }
0x86: {  	[sflag:s6] =	ssyncadd.s32 $0xFFFFEC00  }
0x87: {  	_ =	swait.ge [sflag:s19], $0x50  }
0x88: {  	[sflag:s19] =	ssyncset.done $0x0  }
0x89: {  	[sflag:s19] =	ssyncadd.s32 $0xFFFFFFB0  }
0x8a: {  	[spmem:s3] =	stream.indirect.scatter.add.f32 [tilespmem:s14], [sflag:$0x10], $0x40, s2, s26, $0xb8;
	[tilespmem:$0xF280] =	vst v63  }
0x8b: {  	_ =	swait.ge [sflag:s20], $0x1400  }
0x8c: {  	s29 =	sshrl.u32 s24, $0x3;
	[sflag:s20] =	ssyncset.done $0x0;
	s30 =	rddreg [dreg:$0x4]  }
0x8d: {  	[sflag:s20] =	ssyncadd.s32 $0xFFFFEC00;
	s30 =	sadd.s32 s30, s29  }
0x8e: {  	[tilespmem:s4], [sflag:$0x1] =	stream.linear.gather [hbm4b:s30+s4], $0x50, $0x38;
	[tilespmem:$0xF280] =	vst v63  }
0x8f: {  	s30 =	rddreg [dreg:$0x5]  }
0x90: {  	s29 =	sadd.s32 s30, s29  }
0x91: {  	[tilespmem:s26], [sflag:$0x2] =	stream.linear.gather [hbm4b:s29+s4], $0x50, $0x38;
	[tilespmem:$0xF280] =	vst v63  }
0x92: {  	_ =	swait.ge [sflag:s7], $0x50  }
0x93: {  	p0 =	seq.s32 s28, $0x4B0;
	[sflag:s7] =	ssyncset.done $0x0  }
.Ltmp2:
0x94: {  	[sflag:s7] =	ssyncadd.s32 $0xFFFFFFB0;
	(pc) =	sbr.rel @p0 .LBB2_4-.Ltmp2, $4  }
0x95: {  	[tilespmem:s8], [sflag:$0x3] =	stream.indirect.gather [hbm4b:s1+s26], $0x40, s4, s26, $0xb8;
	[tilespmem:$0xF280] =	vst v63  }
0x96: {  	_ =	swait.ge [sflag:s21], $0x1400  }
0x97: {  	[sflag:s21] =	ssyncset.done $0x0  }
0x98: {  	s0 =	simm.s32 $0x190;
	s31 =	simm.s32 $0xF0;
	[sflag:s21] =	ssyncadd.s32 $0xFFFFEC00  }
0x99: {  	s29 =	rddreg [dreg:$0x17]  }
0x9a: {  	s30 =	simm.s32 $0xA0;
	s29 =	sadd.s32 s28, s29  }
0x9b: {  	[tilespmem:s30], [sflag:$0x5] =	stream.linear.gather [hbm4b:s29+s4], $0x50, $0x38;
	[tilespmem:$0xF280] =	vst v63  }
0x9c: {  	s29 =	rddreg [dreg:$0x16]  }
0x9d: {  	s29 =	sadd.s32 s28, s29  }
0x9e: {  	[tilespmem:s31], [sflag:$0x6] =	stream.linear.gather [hbm4b:s29+s4], $0x50, $0x38;
	[tilespmem:$0xF280] =	vst v63  }
0x9f: {  	_ =	swait.ge [sflag:s9], $0x50  }
0xa0: {  	[sflag:s9] =	ssyncset.done $0x0  }
0xa1: {  	[sflag:s9] =	ssyncadd.s32 $0xFFFFFFB0  }
0xa2: {  	[tilespmem:s10], [sflag:$0x7] =	stream.indirect.gather [hbm4b:s1+s26], $0x40, s30, s26, $0xb8;
	[tilespmem:$0xF280] =	vst v63  }
0xa3: {  	_ =	swait.ge [sflag:s22], $0x1400  }
0xa4: {  	[sflag:s22] =	ssyncset.done $0x0;
	s29 =	rddreg [dreg:$0x15]  }
0xa5: {  	s30 =	simm.s32 $0x140;
	[sflag:s22] =	ssyncadd.s32 $0xFFFFEC00;
	s29 =	sadd.s32 s28, s29  }
0xa6: {  	[tilespmem:s30], [sflag:$0x9] =	stream.linear.gather [hbm4b:s29+s4], $0x50, $0x38;
	[tilespmem:$0xF280] =	vst v63  }
0xa7: {  	s29 =	rddreg [dreg:$0x14]  }
0xa8: {  	s29 =	sadd.s32 s28, s29  }
0xa9: {  	[tilespmem:s0], [sflag:$0xA] =	stream.linear.gather [hbm4b:s29+s4], $0x50, $0x38;
	[tilespmem:$0xF280] =	vst v63  }
0xaa: {  	_ =	swait.ge [sflag:s11], $0x50  }
0xab: {  	[sflag:s11] =	ssyncset.done $0x0  }
0xac: {  	[sflag:s11] =	ssyncadd.s32 $0xFFFFFFB0  }
0xad: {  	[tilespmem:s12], [sflag:$0xB] =	stream.indirect.gather [hbm4b:s1+s26], $0x40, s30, s26, $0xb8;
	[tilespmem:$0xF280] =	vst v63  }
0xae: {  	_ =	swait.ge [sflag:s23], $0x1400  }
0xaf: {  	[sflag:s23] =	ssyncset.done $0x0;
	s29 =	rddreg [dreg:$0x13]  }
0xb0: {  	s30 =	simm.s32 $0x1E0;
	[sflag:s23] =	ssyncadd.s32 $0xFFFFEC00;
	s29 =	sadd.s32 s28, s29  }
0xb1: {  	[tilespmem:s30], [sflag:$0xD] =	stream.linear.gather [hbm4b:s29+s4], $0x50, $0x38;
	[tilespmem:$0xF280] =	vst v63  }
0xb2: {  	s29 =	rddreg [dreg:$0x12]  }
0xb3: {  	s29 =	sadd.s32 s28, s29  }
0xb4: {  	[tilespmem:s2], [sflag:$0xE] =	stream.linear.gather [hbm4b:s29+s4], $0x50, $0x38;
	[tilespmem:$0xF280] =	vst v63  }
.Ltmp3:
0xb5: {  	_ = 	snop;
	(pc) =	sbr.rel .LBB2_2-.Ltmp3, $4  }
0xb6: {  	_ =	swait.ge [sflag:s13], $0x50  }
0xb7: {  	s24 =	sadd.s32 $0x140, s24;
	s31 =	simm.s32 $0x190;
	[sflag:s13] =	ssyncset.done $0x0  }
0xb8: {  	s28 =	sadd.s32 $0x28, s28;
	s29 =	simm.s32 $0xF0;
	[sflag:s13] =	ssyncadd.s32 $0xFFFFFFB0  }
0xb9: {  	[tilespmem:s14], [sflag:$0xF] =	stream.indirect.gather [hbm4b:s1+s26], $0x40, s30, s26, $0xb8;
	[tilespmem:$0xF280] =	vst v63  }
.LBB2_5:
0xba: {  	_ =	sfence.sel $0x180000  }
0xbb: {  	[bflag:$0x0] =	sbarrier.arrive $0xFFFF  }
0xbc: {  	_ =	strace $0x9000004D  }
0xbd: {  	s0 =	stileid.u32;
	[bflag:$0x2] =	sbarrier.arrive $0xFFFF  }
0xbe: {  	p0 =	sne.s32 s0, $0x0;
	s0 =	rddreg [dreg:$0x3]  }
0xbf: {  	s0 =	sadd.s32 @!p0 $0x100000, s0  }
0xc0: {  	[sflag:s0] =	ssyncadd.tile.s32 @!p0 $0x1;
	_ =	shalt  }
.Lfunc_end2:
_tile_overlayer_lowered:
.L_overlay_start_2:
0xc1: {  	(tag) =	ssettag $0x2  }
0xc2: {  	s0 =	rddreg [dreg:$0x0];
	s2 =	stileid.u32  }
0xc3: {  	s1 =	rddreg [dreg:$0x1];
	p0 =	sne.s32 s2, $0x0  }
0xc4: {  	s3 =	rddreg [dreg:$0x2];
	[bflag:$0x3] =	sbarrier.arrive $0xFFFF;
	s2 =	simm.s32 @!p0 $0x1C11  }
0xc5: {  	[timem:s3], [sflag:s2] =	dma.local @!p0 [hbm:s0], s1  }
0xc6: {  	s0 =	simm.s32 @!p0 $0x11  }
0xc7: {  	_ =	swait.ge @!p0 [sflag:s0], s1  }
0xc8: {  	s1 =	ssub.s32 @!p0 $0x0, s1;
	[sflag:s0] =	ssyncset.done @!p0 $0x0  }
0xc9: {  	[sflag:s0] =	ssyncadd.s32 @!p0 s1  }
0xca: {  	[bflag:$0x3] =	sbarrier.arrive $0xFFFF  }
0xcb: {  	_ =	shalt  }

// kernel: kernel.9.cloned.1.call-start
scs
__scs_entry_jumppad:
0x0: {  	(pc) =	sbr.rel $0x88, $3  }
0x1: {  	(tag) =	ssettag $0x0;
	lr =	simm.s32 $0x1  }
0x2: {  	[smem:$0x3F94] =	sst lr;
	_ =	strace $0xD0000000  }
0x3: {  	_ = 	snop  }
0x4: {  	_ = 	snop  }
0x5: {  	_ = 	snop  }
0x6: {  	_ = 	snop  }
0x7: {  	_ = 	snop  }
__scs_overlays_trampoline_lowered:
0x8: {  	[smem:$0x3FA3] =	sst s0  }
0x9: {  	[smem:$0x3FA4] =	sst s1  }
0xa: {  	[smem:$0x3FA5] =	sst s2  }
0xb: {  	[smem:$0x3FA6] =	sst s3  }
0xc: {  	[smem:$0x3FA7] =	sst s4  }
0xd: {  	[smem:$0x3FA8] =	sst s5  }
0xe: {  	[smem:$0x3FA9] =	sst s6  }
0xf: {  	[smem:$0x3FAA] =	sst s7  }
0x10: {  	[smem:$0x3FAB] =	sst s8  }
0x11: {  	[smem:$0x3FAC] =	sst s9;
	s0 =	simm.s32 @!p0 $0x0  }
0x12: {  	s1 =	sld [smem:$0x3F92];
	s0 =	simm.s32 @p0 $0x1  }
0x13: {  	[smem:$0x3FAD] =	sst s0;
	s0 =	simm.s32 @!p1 $0x0  }
0x14: {  	s2 =	sld [smem:$0x3F91];
	s0 =	simm.s32 @p1 $0x1  }
0x15: {  	[smem:$0x3FAE] =	sst s0;
	s0 =	simm.s32 @!p2 $0x0  }
0x16: {  	s3 =	sld [smem:$0x3FDB];
	s0 =	simm.s32 @p2 $0x1  }
0x17: {  	s4 =	simm.s32 $0x1BF5;
	[smem:$0x3FB0] =	sst s0  }
0x18: {  	s0 =	sld [smem:$0x3F93];
	_ =	swait.ge [sflag:s4], $0x0  }
0x19: {  	s7 =	sld [smem:$0x3F94]  }
0x1a: {  	s8 =	sadd.s32 $0xFFFFE003, lr  }
0x1b: {  	s9 =	sadd.s32 $0xFFFFFEF7, lr;
	s5 =	simm.s32 $0xFFFFFFFF;
	p2 =	slt.u32 s8, $0xFFFFF086  }
0x1c: {  	p1 =	slt.u32 s9, $0xF7A;
	s5 =	simm.s32 @!p2 $0x0  }
0x1d: {  	s5 =	simm.s32 @p1 $0x1;
	p0 =	seq.s32 s7, s2  }
0x1e: {  	s7 =	smul.u32 @!p0 $0xF7A, s2;
	p2 =	seq.s32 @!p0 s5, $0x0  }
0x1f: {  	s9 =	smul.u32 $0xF7A, s1;
	s8 =	simm.s32 @!p0 $0x1BF5;
	p2 =	por !p2, p0  }
0x20: {  	[sflag:s8] =	ssyncset.s32 @!p0 $0xFFFFF086;
	s6 =	sadd.s32 @!p0 s3, s7;
	s7 =	simm.s32 @!p0 $0x108  }
0x21: {  	s3 =	sadd.s32 s3, s9;
	s6 =	sadd.s32 @!p0 $0x88, s6;
	s7 =	simm.s32 @p2 $0x1082  }
0x22: {  	[simem:s7], [sflag:s8] =	dma.local @!p0 [hbm:s6], $0xF7A  }
0x23: {  	s9 =	sor.u32 $0xD0000000, s2;
	s6 =	simm.s32 $0x108;
	_ =	swait.ge @!p0 [sflag:s8], $0x0  }
0x24: {  	s3 =	sadd.s32 $0x88, s3;
	s6 =	simm.s32 @!p1 $0x1082;
	[sflag:s4] =	ssyncset.s32 $0xFFFFF086  }
0x25: {  	[simem:s6], [sflag:s4] =	dma.local [hbm:s3], $0xF7A  }
0x26: {  	[smem:$0x3F94] =	sst s1;
	(tag) =	ssettag s2;
	_ =	strace s9  }
0x27: {  	s1 =	sld [smem:$0x3FA4]  }
0x28: {  	s2 =	sld [smem:$0x3FA5]  }
0x29: {  	s4 =	sld [smem:$0x3FA7]  }
0x2a: {  	p0 =	seq.s32 s5, $0x0;
	s5 =	sld [smem:$0x3FA8]  }
0x2b: {  	s6 =	sld [smem:$0x3FA9]  }
0x2c: {  	s7 =	sld [smem:$0x3FAA]  }
0x2d: {  	s3 =	simm.s32 $0x108;
	s8 =	sld [smem:$0x3FAB]  }
0x2e: {  	s3 =	simm.s32 @!p0 $0x1082;
	s9 =	sld [smem:$0x3FAC]  }
0x2f: {  	lr =	sadd.s32 s0, s3;
	s0 =	sld [smem:$0x3FA3]  }
0x30: {  	s3 =	sld [smem:$0x3FA6]  }
0x31: {  	[smem:$0x3FAF] =	sst s10  }
0x32: {  	s10 =	sld [smem:$0x3FAD];
	_ =	sdelay $0x3  }
0x33: {  	p0 =	seq.s32 s10, $0x1;
	s10 =	sld [smem:$0x3FAF];
	_ =	sdelay $0x3  }
0x34: {  	[smem:$0x3FAF] =	sst s10  }
0x35: {  	s10 =	sld [smem:$0x3FAE];
	_ =	sdelay $0x3  }
0x36: {  	p1 =	seq.s32 s10, $0x1;
	s10 =	sld [smem:$0x3FAF];
	_ =	sdelay $0x3  }
0x37: {  	[smem:$0x3FAF] =	sst s10  }
0x38: {  	s10 =	sld [smem:$0x3FB0]  }
0x39: {  	_ = 	snop;
	(pc) =	sbr.ind lr, $3  }
0x3a: {  	_ = 	snop  }
0x3b: {  	_ = 	snop  }
0x3c: {  	p2 =	seq.s32 s10, $0x1;
	s10 =	sld [smem:$0x3FAF]  }
0x3d: {  	_ =	shalt  }
0x3e: {  	_ =	shalt  }
0x3f: {  	_ =	shalt  }
0x40: {  	_ =	shalt  }
0x41: {  	_ =	shalt  }
0x42: {  	_ =	shalt  }
0x43: {  	_ =	shalt  }
0x44: {  	_ =	shalt  }
0x45: {  	_ =	shalt  }
0x46: {  	_ =	shalt  }
0x47: {  	_ =	shalt  }
0x48: {  	_ =	shalt  }
0x49: {  	_ =	shalt  }
0x4a: {  	_ =	shalt  }
0x4b: {  	_ =	shalt  }
0x4c: {  	_ =	shalt  }
0x4d: {  	_ =	shalt  }
0x4e: {  	_ =	shalt  }
0x4f: {  	_ =	shalt  }
0x50: {  	_ =	shalt  }
0x51: {  	_ =	shalt  }
0x52: {  	_ =	shalt  }
0x53: {  	_ =	shalt  }
0x54: {  	_ =	shalt  }
0x55: {  	_ =	shalt  }
0x56: {  	_ =	shalt  }
0x57: {  	_ =	shalt  }
0x58: {  	_ =	shalt  }
0x59: {  	_ =	shalt  }
0x5a: {  	_ =	shalt  }
0x5b: {  	_ =	shalt  }
0x5c: {  	_ =	shalt  }
0x5d: {  	_ =	shalt  }
0x5e: {  	_ =	shalt  }
0x5f: {  	_ =	shalt  }
0x60: {  	_ =	shalt  }
0x61: {  	_ =	shalt  }
0x62: {  	_ =	shalt  }
0x63: {  	_ =	shalt  }
0x64: {  	_ =	shalt  }
0x65: {  	_ =	shalt  }
0x66: {  	_ =	shalt  }
0x67: {  	_ =	shalt  }
0x68: {  	_ =	shalt  }
0x69: {  	_ =	shalt  }
0x6a: {  	_ =	shalt  }
0x6b: {  	_ =	shalt  }
0x6c: {  	_ =	shalt  }
0x6d: {  	_ =	shalt  }
0x6e: {  	_ =	shalt  }
0x6f: {  	_ =	shalt  }
0x70: {  	_ =	shalt  }
0x71: {  	_ =	shalt  }
0x72: {  	_ =	shalt  }
0x73: {  	_ =	shalt  }
0x74: {  	_ =	shalt  }
0x75: {  	_ =	shalt  }
0x76: {  	_ =	shalt  }
0x77: {  	_ =	shalt  }
0x78: {  	_ =	shalt  }
0x79: {  	_ =	shalt  }
0x7a: {  	_ =	shalt  }
0x7b: {  	_ =	shalt  }
0x7c: {  	_ =	shalt  }
0x7d: {  	_ =	shalt  }
0x7e: {  	_ =	shalt  }
0x7f: {  	_ =	shalt  }
0x80: {  	_ =	shalt  }
0x81: {  	_ =	shalt  }
0x82: {  	_ =	shalt  }
0x83: {  	_ =	shalt  }
0x84: {  	_ =	shalt  }
0x85: {  	_ =	shalt  }
0x86: {  	_ =	shalt  }
0x87: {  	_ =	shalt  }
.Lfunc_end0:
.L_simem_size_0:
called_computation_lowered:
.L_overlay_start_0:
0x88: {  	s2 =	sld [smem:$0x3FD9]  }
0x89: {  	s3 =	sld [smem:$0x3FFE];
	_ =	sdelay $0x1  }
0x8a: {  	s1 =	srdreg.scid  }
0x8b: {  	s0 =	sand.u32 $0x1, s1  }
0x8c: {  	s14 =	sshll.u32 s0, $0xA;
	s2 =	sadd.s32 s3, s2  }
0x8d: {  	s2 =	sadd.s32 s2, s14  }
0x8e: {  	[smem:$0x3FBB] =	sst s2  }
0x8f: {  	_ = 	snop  }
0x90: {  	s2 =	sld [smem:$0x3FD0];
	_ =	sdelay $0x2  }
0x91: {  	s15 =	simm.s32 $0xA;
	s4 =	simm.s32 $0x10  }
0x92: {  	[smem:s4], [sflag:s15] =	dma.local [hbm:s2], $0x1  }
0x93: {  	_ =	swait.eq [sflag:s15], $0x1  }
0x94: {  	[sflag:s15] =	ssyncset.done $0x0  }
0x95: {  	[sflag:s15] =	ssyncadd.s32 $0xFFFFFFFF  }
0x96: {  	s16 =	sld [smem:$0x10];
	(tm) =	ssettm $0x1  }
0x97: {  	s17 =	sld [smem:$0x3FFB];
	_ =	sdelay $0x3  }
0x98: {  	_ =	strace s17  }
0x99: {  	s3 =	sld [smem:$0x3FFC];
	_ =	sdelay $0x3  }
0x9a: {  	_ =	strace s3  }
0x9b: {  	s3 =	sld [smem:$0x3FFD];
	_ =	sdelay $0x3  }
0x9c: {  	_ =	strace s3  }
0x9d: {  	_ =	strace $0x8FFFFFFF  }
0x9e: {  	s18 =	sld [smem:$0x3FDB];
	_ =	sdelay $0x1  }
0x9f: {  	s19 =	simm.s32 $_scs_section_size  }
0xa0: {  	s5 =	simm.s32 $_size__tile_overlayer_lowered;
	s6 =	simm.s32 $_tile_overlayer_lowered  }
0xa1: {  	s22 =	simm.s32 $0x1BFF;
	s21 =	sshll.u32 s6, $0x1;
	s3 =	sadd.s32 s19, s18  }
0xa2: {  	s7 =	simm.s32 $0x0;
	s20 =	sshll.u32 s5, $0x1;
	s5 =	sadd.s32 s21, s3  }
0xa3: {  	[timem:s7], [sflag:s22] =	dma.local [hbm:s5], s20  }
0xa4: {  	_ =	swait.ge [sflag:s22], s20  }
0xa5: {  	s4 =	ssub.s32 $0x0, s20;
	[sflag:s22] =	ssyncset.done $0x0  }
0xa6: {  	[sflag:s22] =	ssyncadd.s32 s4;
	_ =	sdelay $0x1  }
0xa7: {  	s23 =	simm.s32 $0x1B8B  }
0xa8: {  	_ =	swait.ge [sflag:s23], $0x1  }
0xa9: {  	[sflag:s23] =	ssyncset.done $0x0  }
0xaa: {  	s25 =	simm.s32 $0x1B8E;
	s24 =	sld [smem:$0x3FFE];
	[sflag:s23] =	ssyncadd.s32 $0xFFFFFFFF  }
0xab: {  	s26 =	simm.s32 $execute0_lowered;
	[smem:$0x3FD2] =	sst s25  }
0xac: {  	s5 =	sshll.u32 s26, $0x1;
	_ =	strace $0x80000046;
	[dreg:$0x1] =	wrdreg $0xFFFFFFFF  }
0xad: {  	s28 =	simm.s32 $_size_execute0_lowered;
	s3 =	sadd.s32 s3, s5;
	[dreg:$0x0] =	wrdreg $0x0  }
0xae: {  	s5 =	sshll.u32 s28, $0x1;
	[dreg:$0x2] =	wrdreg s3  }
0xaf: {  	[dreg:$0x3] =	wrdreg s5  }
0xb0: {  	[dreg:$0x4] =	wrdreg $0xC0  }
0xb1: {  	_ =	task [dreg:s7], $0x5FFFF  }
0xb2: {  	[dreg:$0x1] =	wrdreg $0xFFFFFFFF  }
0xb3: {  	[dreg:$0x0] =	wrdreg $0x60  }
0xb4: {  	[dreg:$0x2] =	wrdreg s24  }
0xb5: {  	[dreg:$0x3] =	wrdreg s16  }
0xb6: {  	[dreg:$0x4] =	wrdreg $0x2E000  }
0xb7: {  	[dreg:$0x5] =	wrdreg $0x9  }
0xb8: {  	_ =	task.clear_ibuf [dreg:s7], $0x6FFFF;
	_ =	strace $0x90000046  }
0xb9: {  	s29 =	simm.s32 $0x9;
	_ =	strace $0x80000048  }
0xba: {  	_ =	swait.ge [sflag:s29], $0x1  }
0xbb: {  	[sflag:s29] =	ssyncadd.s32 $0xFFFFFFFF  }
0xbc: {  	_ =	strace $0x90000048  }
0xbd: {  	_ =	sfence  }
0xbe: {  	s30 =	sld [smem:$0x0];
	_ =	sdelay $0x2  }
0xbf: {  	s31 =	sshll.u32 s1, $0xD;
	s1 =	sshrl.u32 s1, $0x2  }
0xc0: {  	s3 =	sand.u32 $0x4000, s31;
	s1 =	sadd.s32 s1, s30  }
0xc1: {  	s0 =	sor.u32 s3, s0;
	s1 =	sshll.u32 s1, $0x11  }
0xc2: {  	s0 =	sor.u32 s1, s0  }
0xc3: {  	s0 =	sadd.s32 $0x8F2B, s0  }
0xc4: {  	[sflag:s0] =	ssyncadd.remote.s32 $0x1  }
0xc5: {  	_ =	sfence.sel $0xFFFF  }
0xc6: {  	[dreg:$0x0] =	wrdreg $0xFFFFFFFF;
	(pc) =	sbr.abs _section_cstart, $3  }
0xc7: {  	[dreg:$0x1] =	wrdreg $0xFFFFFFFF  }
0xc8: {  	_ =	task.clear_ibuf [dreg:s7], $0x2FFFF;
	_ =	strace $0x9FFFFFFF  }
0xc9: {  	(tm) =	ssettm $0x7FFFFFFF  }
tec
execute0_lowered:
.L_overlay_start_1:
0x0: {  	(tag) =	ssettag $0x1  }
0x1: {  	s0 =	rddreg [dreg:$0x0]  }
0x2: {  	s12 =	rddreg [dreg:$0x1]  }
0x3: {  	s3 =	rddreg [dreg:$0x2];
	s4 =	simm.s32 $0x0;
	s13 =	stileid.u32  }
0x4: {  	s2 =	srdreg.scid;
	[smem:$0x7FF] =	sst s4  }
0x5: {  	s1 =	smul.u32 $0x14000, s13;
	s2 =	sand.u32 $0x1, s2;
	s14 =	sadd.s32 $0x2C00, s0  }
0x6: {  	s8 =	sadd.s32 $0x34A00, s0;
	s21 =	smul.u32 $0x2710, s13;
	_ =	strace $0x80000047  }
0x7: {  	s6 =	smul.u32 $0x140000, s2;
	s7 =	sshll.u32 s2, $0x4;
	[dreg:$0x4] =	wrdreg s8  }
0x8: {  	s15 =	ssub.s32 $0x2, s2;
	s2 =	smul.u32 $0x27100, s2;
	s28 =	smov.u32 s14  }
0x9: {  	s5 =	sshrl.u32 s1, $0x3;
	s7 =	sor.u32 s13, s7;
	s16 =	sshrl.u32 s15, $0x1  }
0xa: {  	s5 =	sadd.s32 s5, s0;
	s1 =	sadd.s32 s1, s6;
	s11 =	smul.u32 $0x2710, s7  }
0xb: {  	s7 =	sadd.s32 $0x85000, s0;
	s2 =	sadd.s32 s21, s2;
	s1 =	sshrl.u32 s1, $0x3  }
0xc: {  	s26 =	sadd.s32 $0xA0, s2;
	s5 =	sadd.s32 $0xCA00, s5;
	s21 =	sadd.s32 $0x1E0, s2  }
0xd: {  	s0 =	sadd.s32 s1, s0;
	s6 =	sshrl.u32 s11, $0x3;
	s1 =	ssub.s32 s15, s16  }
0xe: {  	s11 =	smul.u32 $0x50000, s13;
	s15 =	sadd.s32 $0x50, s2;
	[dreg:$0x12] =	wrdreg s5  }
0xf: {  	s5 =	simm.s32 $0xF;
	s17 =	sadd.s32 s14, s6;
	s18 =	sadd.s32 $0xA, s6  }
0x10: {  	s9 =	sadd.s32 s12, s6;
	s20 =	sadd.s32 $0x14, s6;
	s22 =	sadd.s32 $0x1E, s6  }
0x11: {  	s6 =	sadd.s32 s7, s6;
	s16 =	sshrl.u32 s15, $0x3;
	s0 =	sadd.s32 $0x35000, s0  }
0x12: {  	s1 =	smax.u32 s1, $0x1;
	s15 =	simm.s32 $0x10;
	[dreg:$0x5] =	wrdreg s17  }
0x13: {  	[dreg:$0x6] =	wrdreg s9;
	s19 =	sadd.s32 s14, s18;
	s8 =	sadd.s32 s12, s18  }
0x14: {  	s10 =	sadd.s32 s14, s20;
	s23 =	sadd.s32 s14, s22;
	[dreg:$0x15] =	wrdreg s0  }
0x15: {  	s24 =	sadd.s32 s12, s22;
	s25 =	sshrl.u32 s11, $0x2;
	[dreg:$0x16] =	wrdreg s1  }
0x16: {  	s9 =	sadd.s32 $0xF0, s2;
	s11 =	sshrl.u32 s26, $0x3;
	[dreg:$0x7] =	wrdreg s19  }
0x17: {  	s17 =	sshrl.u32 s2, $0x3;
	s18 =	sshll.u32 s13, $0x6;
	[dreg:$0x8] =	wrdreg s8  }
0x18: {  	s1 =	sshrl.u32 s21, $0x3;
	s26 =	sadd.s32 $0x140, s2;
	[dreg:$0x9] =	wrdreg s10  }
0x19: {  	s13 =	simm.s32 $0x50;
	s21 =	simm.s32 $0xE;
	[dreg:$0xb] =	wrdreg s23  }
0x1a: {  	s8 =	sadd.s32 s12, s20;
	[dreg:$0xc] =	wrdreg s24;
	s9 =	sshrl.u32 s9, $0x3  }
0x1b: {  	s19 =	sadd.s32 $0x4D8, s6;
	s20 =	sadd.s32 $0x230, s2;
	s23 =	sadd.s32 $0x190, s2  }
0x1c: {  	s29 =	sadd.s32 s1, s14;
	[dreg:$0x1a] =	wrdreg s26;
	s10 =	simm.s32 $0x1  }
0x1d: {  	s6 =	simm.s32 $0x4;
	s2 =	simm.s32 $0x8;
	[dreg:$0xa] =	wrdreg s8  }
0x1e: {  	s9 =	sadd.s32 s9, s7;
	s8 =	sadd.s32 s25, s3;
	[dreg:$0x14] =	wrdreg s19  }
0x1f: {  	s0 =	sshrl.u32 s20, $0x3;
	s24 =	sshrl.u32 s23, $0x3;
	s25 =	sadd.s32 s1, s12  }
0x20: {  	s19 =	simm.s32 $0x6;
	s20 =	simm.s32 $0x280;
	s23 =	simm.s32 $0xA  }
0x21: {  	s1 =	simm.s32 $0x3;
	[dreg:$0xd] =	wrdreg s9;
	s9 =	sadd.s32 s11, s7  }
0x22: {  	[dreg:$0x11] =	wrdreg s8;
	s22 =	sadd.s32 s0, s12;
	s0 =	sadd.s32 s0, s14  }
0x23: {  	[dreg:$0x19] =	wrdreg s25;
	s30 =	sadd.s32 s24, s12;
	s31 =	sadd.s32 s24, s14  }
0x24: {  	s25 =	simm.s32 $0x11;
	s11 =	simm.s32 $0x2;
	s12 =	simm.s32 $0x100  }
0x25: {  	s14 =	simm.s32 $0x5;
	s24 =	simm.s32 $0x400;
	[dreg:$0xe] =	wrdreg s9  }
.Ltmp0:
0x26: {  	s8 =	simm.s32 $0x580;
	[dreg:$0x17] =	wrdreg s22;
	(pc) =	sbr.rel .LBB2_1-.Ltmp0, $4  }
0x27: {  	s9 =	sadd.s32 s16, s7;
	s7 =	sadd.s32 s17, s7;
	[dreg:$0x18] =	wrdreg s0  }
0x28: {  	s17 =	sor.u32 $0x1C11, s18;
	s22 =	simm.s32 $0x9;
	[dreg:$0xf] =	wrdreg s9  }
0x29: {  	s0 =	simm.s32 $0xD;
	s18 =	simm.s32 $0x0;
	[dreg:$0x10] =	wrdreg s7  }
0x2a: {  	s9 =	simm.s32 $0x600;
	s7 =	simm.s32 $0x7;
	[dreg:$0x13] =	wrdreg s17  }
.LBB2_4:
0x2b: {  	_ =	swait.ge [sflag:s10], $0x50  }
0x2c: {  	[sflag:s10] =	ssyncset.done $0x0  }
0x2d: {  	[sflag:s10] =	ssyncadd.s32 $0xFFFFFFB0  }
0x2e: {  	_ =	swait.ge [sflag:s11], $0x50  }
0x2f: {  	[sflag:s11] =	ssyncset.done $0x0  }
0x30: {  	[sflag:s11] =	ssyncadd.s32 $0xFFFFFFB0  }
0x31: {  	v0 =	vld [tilespmem:$0x0]  }
0x32: {  	v1 =	vld [tilespmem:$0x80]  }
0x33: {  	v2 =	vld [tilespmem:$0x10]  }
0x34: {  	v3 =	vld [tilespmem:$0x90]  }
0x35: {  	v4 =	vld [tilespmem:$0x20]  }
0x36: {  	v5 =	vld [tilespmem:$0xA0]  }
0x37: {  	v6 =	vld [tilespmem:$0x30]  }
0x38: {  	v7 =	vld [tilespmem:$0xB0]  }
0x39: {  	v8 =	vld [tilespmem:$0x40]  }
0x3a: {  	v9 =	vld [tilespmem:$0xC0]  }
0x3b: {  	vm0 =	veq.s32 v0, v1  }
0x3c: {  	vm12 =	veq.s32 v2, v3;
	v0 =	vsel vm0, $0x2710, v1  }
0x3d: {  	vm13 =	veq.s32 v4, v5;
	v60 =	vsel vm12, $0x2710, v3;
	[tilespmem:$0x100] =	vst v0  }
0x3e: {  	vm14 =	veq.s32 v6, v7;
	v61 =	vsel vm13, $0x2710, v5;
	[tilespmem:$0x110] =	vst v60  }
0x3f: {  	vm15 =	veq.s32 v8, v9;
	v62 =	vsel vm14, $0x2710, v7;
	[tilespmem:$0x120] =	vst v61  }
0x40: {  	v63 =	vsel vm15, $0x2710, v9;
	[tilespmem:$0x130] =	vst v62  }
0x41: {  	s16 =	rddreg [dreg:$0x14];
	[tilespmem:$0x140] =	vst v63  }
0x42: {  	[hbm4b:s16+s4] =	stream.linear.scatter [tilespmem:s12], [sflag:$0x3], $0x50, $0x38;
	[tilespmem:$0x16E00] =	vst v63  }
0x43: {  	_ = 	snop  }
0x44: {  	[spmem:s3] =	stream.indirect.scatter.add.f32 [tilespmem:s9], [sflag:$0x4], $0x80, s12, s13, $0xb8;
	[tilespmem:$0x16E00] =	vst v63  }
0x45: {  	_ =	swait.ge [sflag:s1], $0x50  }
0x46: {  	[sflag:s1] =	ssyncset.done $0x0  }
0x47: {  	[sflag:s1] =	ssyncadd.s32 $0xFFFFFFB0  }
0x48: {  	_ =	swait.ge [sflag:s6], $0x2800  }
0x49: {  	[sflag:s6] =	ssyncset.done $0x0  }
0x4a: {  	[sflag:s6] =	ssyncadd.s32 $0xFFFFD800  }
0x4b: {  	[bflag:$0x0] =	sbarrier.arrive $0xFFFF  }
0x4c: {  	s17 =	rddreg [dreg:$0x13]  }
0x4d: {  	s26 =	rddreg [dreg:$0x15]  }
0x4e: {  	s25 =	simm.s32 $0x11;
	s18 =	rddreg [dreg:$0x1c]  }
0x4f: {  	[hbm:s26], [sflag:s17] =	dma.local [spmem:s18], $0x2800  }
0x50: {  	_ =	swait.ge [sflag:s25], $0x2800  }
0x51: {  	s16 =	rddreg [dreg:$0x1b]  }
0x52: {  	s26 =	rddreg [dreg:$0x16];
	s18 =	sadd.s32 $0x1, s16  }
0x53: {  	p0 =	sne.s32 s18, s26  }
.Ltmp1:
0x54: {  	_ = 	snop;
	(pc) =	sbr.rel @!p0 .LBB2_5-.Ltmp1, $3  }
0x55: {  	_ =	sdelay $0x1  }
0x56: {  	[sflag:s25] =	ssyncset.done $0x0  }
0x57: {  	[sflag:s25] =	ssyncadd.s32 $0xFFFFD800  }
.LBB2_1:
0x58: {  	[dreg:$0x1b] =	wrdreg s18  }
0x59: {  	s16 =	rddreg [dreg:$0x5]  }
0x5a: {  	[tilespmem:s4], [sflag:$0x1] =	stream.linear.gather [hbm4b:s16+s4], $0x50, $0x38;
	[tilespmem:$0x16E00] =	vst v63  }
0x5b: {  	s18 =	rddreg [dreg:$0x6];
	s26 =	simm.s32 $0x80  }
0x5c: {  	[tilespmem:s26], [sflag:$0x2] =	stream.linear.gather [hbm4b:s18+s4], $0x50, $0x38;
	[tilespmem:$0x16E00] =	vst v63  }
0x5d: {  	s18 =	rddreg [dreg:$0x7];
	s26 =	simm.s32 $0x180  }
0x5e: {  	[tilespmem:s26], [sflag:$0x5] =	stream.linear.gather [hbm4b:s18+s4], $0x50, $0x38;
	[tilespmem:$0x16E00] =	vst v63  }
0x5f: {  	s18 =	rddreg [dreg:$0x8];
	s26 =	simm.s32 $0x200  }
0x60: {  	[tilespmem:s26], [sflag:$0x6] =	stream.linear.gather [hbm4b:s18+s4], $0x50, $0x38;
	[tilespmem:$0x16E00] =	vst v63  }
0x61: {  	s18 =	rddreg [dreg:$0x9];
	s26 =	simm.s32 $0x300  }
0x62: {  	[tilespmem:s26], [sflag:$0x9] =	stream.linear.gather [hbm4b:s18+s4], $0x50, $0x38;
	[tilespmem:$0x16E00] =	vst v63  }
0x63: {  	s18 =	rddreg [dreg:$0xa];
	s26 =	simm.s32 $0x380  }
0x64: {  	[tilespmem:s26], [sflag:$0xA] =	stream.linear.gather [hbm4b:s18+s4], $0x50, $0x38;
	[tilespmem:$0x16E00] =	vst v63  }
0x65: {  	s18 =	rddreg [dreg:$0xb];
	s26 =	simm.s32 $0x480  }
0x66: {  	[tilespmem:s26], [sflag:$0xD] =	stream.linear.gather [hbm4b:s18+s4], $0x50, $0x38;
	[tilespmem:$0x16E00] =	vst v63  }
0x67: {  	s18 =	rddreg [dreg:$0xc];
	s26 =	simm.s32 $0x500  }
0x68: {  	[tilespmem:s26], [sflag:$0xE] =	stream.linear.gather [hbm4b:s18+s4], $0x50, $0x38;
	[tilespmem:$0x16E00] =	vst v63  }
0x69: {  	s26 =	rddreg [dreg:$0x11]  }
0x6a: {  	s16 =	sshrl.u32 s26, $0x3;
	s26 =	rddreg [dreg:$0x12]  }
0x6b: {  	[dreg:$0x1c] =	wrdreg s16  }
0x6c: {  	[spmem:s16], [sflag:s17] =	dma.local [hbm:s26], $0x2800  }
0x6d: {  	_ =	swait.ge [sflag:s25], $0x2800  }
0x6e: {  	[sflag:s25] =	ssyncset.done $0x0  }
0x6f: {  	s26 =	rddreg [dreg:$0x4];
	[sflag:s25] =	ssyncadd.s32 $0xFFFFD800  }
0x70: {  	[tilespmem:s9], [sflag:$0x11] =	stream.linear.gather [hbm4b:s26+s4], $0x2800, $0x38;
	[tilespmem:$0x16E00] =	vst v63  }
0x71: {  	_ =	swait.ge [sflag:s25], $0x2800  }
0x72: {  	[sflag:s25] =	ssyncset.done $0x0  }
0x73: {  	[sflag:s25] =	ssyncadd.s32 $0xFFFFD800  }
0x74: {  	[bflag:$0x0] =	sbarrier.arrive $0xFFFF  }
0x75: {  	s17 =	simm.s32 $0x0;
	s16 =	rddreg [dreg:$0x1a]  }
.LBB2_2:
0x76: {  	_ =	swait.ge [sflag:s10], $0x50  }
0x77: {  	[sflag:s10] =	ssyncset.done $0x0  }
0x78: {  	[sflag:s10] =	ssyncadd.s32 $0xFFFFFFB0  }
0x79: {  	_ =	swait.ge [sflag:s11], $0x50  }
0x7a: {  	[sflag:s11] =	ssyncset.done $0x0  }
0x7b: {  	[sflag:s11] =	ssyncadd.s32 $0xFFFFFFB0  }
0x7c: {  	v0 =	vld [tilespmem:$0x0]  }
0x7d: {  	v1 =	vld [tilespmem:$0x80]  }
0x7e: {  	v2 =	vld [tilespmem:$0x10]  }
0x7f: {  	v3 =	vld [tilespmem:$0x90]  }
0x80: {  	v4 =	vld [tilespmem:$0x20]  }
0x81: {  	v5 =	vld [tilespmem:$0xA0]  }
0x82: {  	v6 =	vld [tilespmem:$0x30]  }
0x83: {  	v7 =	vld [tilespmem:$0xB0]  }
0x84: {  	v8 =	vld [tilespmem:$0x40]  }
0x85: {  	v9 =	vld [tilespmem:$0xC0]  }
0x86: {  	vm0 =	veq.s32 v0, v1  }
0x87: {  	vm9 =	veq.s32 v2, v3;
	v0 =	vsel vm0, $0x2710, v1  }
0x88: {  	vm10 =	veq.s32 v4, v5;
	v18 =	vsel vm9, $0x2710, v3;
	[tilespmem:$0x100] =	vst v0  }
0x89: {  	vm11 =	veq.s32 v6, v7;
	v19 =	vsel vm10, $0x2710, v5;
	[tilespmem:$0x110] =	vst v18  }
0x8a: {  	vm12 =	veq.s32 v8, v9;
	v20 =	vsel vm11, $0x2710, v7;
	[tilespmem:$0x120] =	vst v19  }
0x8b: {  	s18 =	rddreg [dreg:$0x10];
	v21 =	vsel vm12, $0x2710, v9;
	[tilespmem:$0x130] =	vst v20  }
0x8c: {  	s18 =	sadd.s32 s17, s18;
	[tilespmem:$0x140] =	vst v21  }
0x8d: {  	[hbm4b:s18+s4] =	stream.linear.scatter [tilespmem:s12], [sflag:$0x3], $0x50, $0x38;
	[tilespmem:$0x16E00] =	vst v63  }
0x8e: {  	_ = 	snop  }
0x8f: {  	[spmem:s3] =	stream.indirect.scatter.add.f32 [tilespmem:s9], [sflag:$0x4], $0x80, s12, s13, $0xb8;
	[tilespmem:$0x16E00] =	vst v63  }
0x90: {  	_ =	swait.ge [sflag:s14], $0x50  }
0x91: {  	[sflag:s14] =	ssyncset.done $0x0  }
0x92: {  	[sflag:s14] =	ssyncadd.s32 $0xFFFFFFB0  }
0x93: {  	_ =	swait.ge [sflag:s19], $0x50  }
0x94: {  	[sflag:s19] =	ssyncset.done $0x0  }
0x95: {  	[sflag:s19] =	ssyncadd.s32 $0xFFFFFFB0  }
0x96: {  	v22 =	vld [tilespmem:$0x180]  }
0x97: {  	v23 =	vld [tilespmem:$0x200]  }
0x98: {  	v24 =	vld [tilespmem:$0x190]  }
0x99: {  	v25 =	vld [tilespmem:$0x210]  }
0x9a: {  	v26 =	vld [tilespmem:$0x1A0]  }
0x9b: {  	v27 =	vld [tilespmem:$0x220]  }
0x9c: {  	v28 =	vld [tilespmem:$0x1B0]  }
0x9d: {  	v29 =	vld [tilespmem:$0x230]  }
0x9e: {  	v30 =	vld [tilespmem:$0x1C0]  }
0x9f: {  	v31 =	vld [tilespmem:$0x240]  }
0xa0: {  	vm13 =	veq.s32 v22, v23  }
0xa1: {  	vm14 =	veq.s32 v24, v25;
	v0 =	vsel vm13, $0x2710, v23  }
0xa2: {  	vm15 =	veq.s32 v26, v27;
	v32 =	vsel vm14, $0x2710, v25;
	[tilespmem:$0x280] =	vst v0  }
0xa3: {  	vm4 =	veq.s32 v28, v29;
	v33 =	vsel vm15, $0x2710, v27;
	[tilespmem:$0x290] =	vst v32  }
0xa4: {  	vm5 =	veq.s32 v30, v31;
	v34 =	vsel vm4, $0x2710, v29;
	[tilespmem:$0x2A0] =	vst v33  }
0xa5: {  	s25 =	rddreg [dreg:$0xf];
	v35 =	vsel vm5, $0x2710, v31;
	[tilespmem:$0x2B0] =	vst v34  }
0xa6: {  	s18 =	sadd.s32 s17, s25;
	[tilespmem:$0x2C0] =	vst v35  }
0xa7: {  	[hbm4b:s18+s4] =	stream.linear.scatter [tilespmem:s20], [sflag:$0x7], $0x50, $0x38;
	[tilespmem:$0x16E00] =	vst v63  }
0xa8: {  	_ = 	snop  }
0xa9: {  	[spmem:s3] =	stream.indirect.scatter.add.f32 [tilespmem:s9], [sflag:$0x8], $0x80, s20, s13, $0xb8;
	[tilespmem:$0x16E00] =	vst v63  }
0xaa: {  	_ =	swait.ge [sflag:s22], $0x50  }
0xab: {  	[sflag:s22] =	ssyncset.done $0x0  }
0xac: {  	[sflag:s22] =	ssyncadd.s32 $0xFFFFFFB0  }
0xad: {  	_ =	swait.ge [sflag:s23], $0x50  }
0xae: {  	[sflag:s23] =	ssyncset.done $0x0  }
0xaf: {  	[sflag:s23] =	ssyncadd.s32 $0xFFFFFFB0  }
0xb0: {  	v36 =	vld [tilespmem:$0x300]  }
0xb1: {  	v37 =	vld [tilespmem:$0x380]  }
0xb2: {  	v38 =	vld [tilespmem:$0x310]  }
0xb3: {  	v39 =	vld [tilespmem:$0x390]  }
0xb4: {  	v40 =	vld [tilespmem:$0x320]  }
0xb5: {  	v41 =	vld [tilespmem:$0x3A0]  }
0xb6: {  	v42 =	vld [tilespmem:$0x330]  }
0xb7: {  	v43 =	vld [tilespmem:$0x3B0]  }
0xb8: {  	v44 =	vld [tilespmem:$0x340]  }
0xb9: {  	v45 =	vld [tilespmem:$0x3C0]  }
0xba: {  	vm6 =	veq.s32 v36, v37  }
0xbb: {  	vm7 =	veq.s32 v38, v39;
	v0 =	vsel vm6, $0x2710, v37  }
0xbc: {  	vm8 =	veq.s32 v40, v41;
	v46 =	vsel vm7, $0x2710, v39;
	[tilespmem:$0x400] =	vst v0  }
0xbd: {  	vm9 =	veq.s32 v42, v43;
	v47 =	vsel vm8, $0x2710, v41;
	[tilespmem:$0x410] =	vst v46  }
0xbe: {  	vm10 =	veq.s32 v44, v45;
	v48 =	vsel vm9, $0x2710, v43;
	[tilespmem:$0x420] =	vst v47  }
0xbf: {  	s26 =	rddreg [dreg:$0xe];
	v49 =	vsel vm10, $0x2710, v45;
	[tilespmem:$0x430] =	vst v48  }
0xc0: {  	s18 =	sadd.s32 s17, s26;
	[tilespmem:$0x440] =	vst v49  }
0xc1: {  	[hbm4b:s18+s4] =	stream.linear.scatter [tilespmem:s24], [sflag:$0xB], $0x50, $0x38;
	[tilespmem:$0x16E00] =	vst v63  }
0xc2: {  	_ = 	snop  }
0xc3: {  	[spmem:s3] =	stream.indirect.scatter.add.f32 [tilespmem:s9], [sflag:$0xC], $0x80, s24, s13, $0xb8;
	[tilespmem:$0x16E00] =	vst v63  }
0xc4: {  	_ =	swait.ge [sflag:s0], $0x50  }
0xc5: {  	[sflag:s0] =	ssyncset.done $0x0  }
0xc6: {  	[sflag:s0] =	ssyncadd.s32 $0xFFFFFFB0  }
0xc7: {  	_ =	swait.ge [sflag:s21], $0x50  }
0xc8: {  	[sflag:s21] =	ssyncset.done $0x0  }
0xc9: {  	[sflag:s21] =	ssyncadd.s32 $0xFFFFFFB0  }
0xca: {  	v50 =	vld [tilespmem:$0x480]  }
0xcb: {  	v51 =	vld [tilespmem:$0x500]  }
0xcc: {  	v52 =	vld [tilespmem:$0x490]  }
0xcd: {  	v53 =	vld [tilespmem:$0x510]  }
0xce: {  	v54 =	vld [tilespmem:$0x4A0]  }
0xcf: {  	v55 =	vld [tilespmem:$0x520]  }
0xd0: {  	v56 =	vld [tilespmem:$0x4B0]  }
0xd1: {  	v57 =	vld [tilespmem:$0x530]  }
0xd2: {  	v58 =	vld [tilespmem:$0x4C0]  }
0xd3: {  	v59 =	vld [tilespmem:$0x540]  }
0xd4: {  	vm11 =	veq.s32 v50, v51  }
0xd5: {  	vm12 =	veq.s32 v52, v53;
	v0 =	vsel vm11, $0x2710, v51  }
0xd6: {  	vm13 =	veq.s32 v54, v55;
	v60 =	vsel vm12, $0x2710, v53;
	[tilespmem:$0x580] =	vst v0  }
0xd7: {  	vm14 =	veq.s32 v56, v57;
	v61 =	vsel vm13, $0x2710, v55;
	[tilespmem:$0x590] =	vst v60  }
0xd8: {  	vm15 =	veq.s32 v58, v59;
	v62 =	vsel vm14, $0x2710, v57;
	[tilespmem:$0x5A0] =	vst v61  }
0xd9: {  	s25 =	rddreg [dreg:$0xd];
	v63 =	vsel vm15, $0x2710, v59;
	[tilespmem:$0x5B0] =	vst v62  }
0xda: {  	s18 =	sadd.s32 s17, s25;
	[tilespmem:$0x5C0] =	vst v63  }
0xdb: {  	[hbm4b:s18+s4] =	stream.linear.scatter [tilespmem:s8], [sflag:$0xF], $0x50, $0x38;
	[tilespmem:$0x16E00] =	vst v63  }
0xdc: {  	_ = 	snop  }
0xdd: {  	[spmem:s3] =	stream.indirect.scatter.add.f32 [tilespmem:s9], [sflag:$0x10], $0x80, s8, s13, $0xb8;
	[tilespmem:$0x16E00] =	vst v63  }
0xde: {  	_ =	swait.ge [sflag:s1], $0x50  }
0xdf: {  	[sflag:s1] =	ssyncset.done $0x0  }
0xe0: {  	[sflag:s1] =	ssyncadd.s32 $0xFFFFFFB0  }
0xe1: {  	_ =	swait.ge [sflag:s6], $0x2800  }
0xe2: {  	s18 =	sshrl.u32 s16, $0x3;
	[sflag:s6] =	ssyncset.done $0x0  }
0xe3: {  	s25 =	sadd.s32 s28, s18;
	[sflag:s6] =	ssyncadd.s32 $0xFFFFD800  }
0xe4: {  	[tilespmem:s4], [sflag:$0x1] =	stream.linear.gather [hbm4b:s25+s4], $0x50, $0x38;
	[tilespmem:$0x16E00] =	vst v63  }
0xe5: {  	s26 =	rddreg [dreg:$0x1]  }
0xe6: {  	s18 =	sadd.s32 s26, s18;
	s26 =	simm.s32 $0x80  }
0xe7: {  	[tilespmem:s26], [sflag:$0x2] =	stream.linear.gather [hbm4b:s18+s4], $0x50, $0x38;
	[tilespmem:$0x16E00] =	vst v63  }
0xe8: {  	_ =	swait.ge [sflag:s7], $0x50  }
0xe9: {  	[sflag:s7] =	ssyncset.done $0x0  }
0xea: {  	[sflag:s7] =	ssyncadd.s32 $0xFFFFFFB0  }
0xeb: {  	_ =	swait.ge [sflag:s2], $0x2800  }
0xec: {  	p0 =	seq.s32 s17, $0x4B0;
	[sflag:s2] =	ssyncset.done $0x0  }
0xed: {  	s18 =	simm.s32 @p0 $0xB;
	[sflag:s2] =	ssyncadd.s32 $0xFFFFD800  }
0xee: {  	_ =	swait.ge @p0 [sflag:s18], $0x50  }
0xef: {  	[sflag:s18] =	ssyncset.done @p0 $0x0  }
0xf0: {  	[sflag:s18] =	ssyncadd.s32 @p0 $0xFFFFFFB0;
	s18 =	simm.s32 @p0 $0xC  }
0xf1: {  	_ =	swait.ge @p0 [sflag:s18], $0x2800  }
0xf2: {  	s25 =	simm.s32 @!p0 $0x0;
	[sflag:s18] =	ssyncset.done @p0 $0x0  }
0xf3: {  	s26 =	simm.s32 @!p0 $0x180;
	[sflag:s18] =	ssyncadd.s32 @p0 $0xFFFFD800;
	s18 =	sadd.s32 @!p0 s17, s31  }
0xf4: {  	[tilespmem:s26], [sflag:$0x5] =	stream.linear.gather @!p0 [hbm4b:s18+s25], $0x50, $0x38;
	[tilespmem:$0x16E00] =	vst v63  }
0xf5: {  	s18 =	sadd.s32 @!p0 s17, s30;
	s26 =	simm.s32 @!p0 $0x200  }
0xf6: {  	[tilespmem:s26], [sflag:$0x6] =	stream.linear.gather @!p0 [hbm4b:s18+s25], $0x50, $0x38;
	[tilespmem:$0x16E00] =	vst v63  }
0xf7: {  	s18 =	simm.s32 @!p0 $0xB  }
0xf8: {  	_ =	swait.ge @!p0 [sflag:s18], $0x50  }
0xf9: {  	[sflag:s18] =	ssyncset.done @!p0 $0x0  }
0xfa: {  	[sflag:s18] =	ssyncadd.s32 @!p0 $0xFFFFFFB0;
	s18 =	simm.s32 @!p0 $0xC  }
0xfb: {  	_ =	swait.ge @!p0 [sflag:s18], $0x2800  }
0xfc: {  	[sflag:s18] =	ssyncset.done @!p0 $0x0  }
0xfd: {  	s26 =	simm.s32 @!p0 $0x300;
	[sflag:s18] =	ssyncadd.s32 @!p0 $0xFFFFD800;
	s18 =	sadd.s32 @!p0 s17, s29  }
0xfe: {  	[tilespmem:s26], [sflag:$0x9] =	stream.linear.gather @!p0 [hbm4b:s18+s25], $0x50, $0x38;
	[tilespmem:$0x16E00] =	vst v63  }
0xff: {  	s18 =	rddreg [dreg:$0x19]  }
0x100: {  	s26 =	simm.s32 @!p0 $0x380;
	s18 =	sadd.s32 @!p0 s17, s18  }
0x101: {  	[tilespmem:s26], [sflag:$0xA] =	stream.linear.gather @!p0 [hbm4b:s18+s25], $0x50, $0x38;
	[tilespmem:$0x16E00] =	vst v63  }
0x102: {  	_ =	swait.ge [sflag:s5], $0x50  }
.Ltmp2:
0x103: {  	[sflag:s5] =	ssyncset.done $0x0;
	(pc) =	sbr.rel @p0 .LBB2_4-.Ltmp2, $4  }
0x104: {  	[sflag:s5] =	ssyncadd.s32 $0xFFFFFFB0  }
0x105: {  	_ =	swait.ge [sflag:s15], $0x2800  }
0x106: {  	[sflag:s15] =	ssyncset.done $0x0  }
0x107: {  	[sflag:s15] =	ssyncadd.s32 $0xFFFFD800  }
0x108: {  	s18 =	rddreg [dreg:$0x18]  }
.Ltmp3:
0x109: {  	s25 =	simm.s32 $0x480;
	s18 =	sadd.s32 s17, s18;
	(pc) =	sbr.rel .LBB2_2-.Ltmp3, $4  }
0x10a: {  	[tilespmem:s25], [sflag:$0xD] =	stream.linear.gather [hbm4b:s18+s4], $0x50, $0x38;
	[tilespmem:$0x16E00] =	vst v63  }
0x10b: {  	s26 =	simm.s32 $0x500;
	s25 =	rddreg [dreg:$0x17]  }
0x10c: {  	s16 =	sadd.s32 $0x140, s16;
	s18 =	sadd.s32 s17, s25;
	s17 =	sadd.s32 $0x28, s17  }
0x10d: {  	[tilespmem:s26], [sflag:$0xE] =	stream.linear.gather [hbm4b:s18+s4], $0x50, $0x38;
	[tilespmem:$0x16E00] =	vst v63  }
.LBB2_5:
0x10e: {  	_ =	sfence.sel $0x180000  }
0x10f: {  	[bflag:$0x0] =	sbarrier.arrive $0xFFFF  }
0x110: {  	_ =	strace $0x90000047  }
0x111: {  	s0 =	stileid.u32;
	[bflag:$0x2] =	sbarrier.arrive $0xFFFF  }
0x112: {  	p0 =	sne.s32 s0, $0x0;
	s0 =	rddreg [dreg:$0x3]  }
0x113: {  	s0 =	sadd.s32 @!p0 $0x100000, s0  }
0x114: {  	[sflag:s0] =	ssyncadd.tile.s32 @!p0 $0x1;
	_ =	shalt  }
.Lfunc_end2:
_tile_overlayer_lowered:
.L_overlay_start_2:
0x115: {  	(tag) =	ssettag $0x2  }
0x116: {  	s0 =	rddreg [dreg:$0x0];
	s2 =	stileid.u32  }
0x117: {  	s1 =	rddreg [dreg:$0x1];
	p0 =	sne.s32 s2, $0x0  }
0x118: {  	s3 =	rddreg [dreg:$0x2];
	[bflag:$0x3] =	sbarrier.arrive $0xFFFF;
	s2 =	simm.s32 @!p0 $0x1C11  }
0x119: {  	[timem:s3], [sflag:s2] =	dma.local @!p0 [hbm:s0], s1  }
0x11a: {  	s0 =	simm.s32 @!p0 $0x11  }
0x11b: {  	_ =	swait.ge @!p0 [sflag:s0], s1  }
0x11c: {  	s1 =	ssub.s32 @!p0 $0x0, s1;
	[sflag:s0] =	ssyncset.done @!p0 $0x0  }
0x11d: {  	[sflag:s0] =	ssyncadd.s32 @!p0 s1  }
0x11e: {  	[bflag:$0x3] =	sbarrier.arrive $0xFFFF  }
0x11f: {  	_ =	shalt  }

</sc_bundles>
